<compile_context>
chip_gen: v7x
topology: tpu7x:2x2x1
jax: 0.10.2.dev20260603
libtpu: 0.0.44.dev20260713+nightly
codegen_flags: <defaults>
</compile_context>

<pallas_src>
import functools

import jax
import jax.numpy as jnp
from jax import lax
from jax.experimental import pallas as pl
from jax.experimental.pallas import tpu as pltpu
from jax.experimental.pallas import tpu_sc as plsc

NC = 2
NS = 16
NW = NC * NS
L = 16

BB = 128
TW = BB + 1
DEPTH = 4


@functools.partial(jax.jit, static_argnums=(3, 4, 5))
def _emb_call(xT, token_table, pos, B, S, D):
    mesh = plsc.VectorSubcoreMesh(core_axis_name="c", subcore_axis_name="s")
    n_bblk = B // BB
    assert n_bblk == NW and S % DEPTH == 0

    @functools.partial(
        pl.kernel,
        out_type=jax.ShapeDtypeStruct((S, D // 8, n_bblk, 8, BB), jnp.float32),
        mesh=mesh,
        scratch_types=[
            pltpu.VMEM((S, D), jnp.float32),
            pltpu.VMEM((S, BB), jnp.int32),
            pltpu.VMEM((DEPTH, BB, D), jnp.float32),
            pltpu.VMEM((DEPTH, D // 8, 8, TW), jnp.float32),
            pltpu.SemaphoreType.DMA((DEPTH,)),
            pltpu.SemaphoreType.DMA((DEPTH,)),
        ],
        compiler_params=pltpu.CompilerParams(
            use_tc_tiling_on_sc=False, needs_layout_passes=False),
    )
    def emb(xT_hbm, tok_hbm, pos_hbm, out_hbm, pos_v, idx_v, g_v, t_v,
            sem_g, sem_o):
        wid = lax.axis_index("c") * NS + lax.axis_index("s")

        pltpu.sync_copy(pos_hbm, pos_v)
        pltpu.sync_copy(xT_hbm.at[:, pl.ds(wid * BB, BB)], idx_v)

        def start_gather(s, buf):
            pltpu.async_copy(tok_hbm.at[idx_v.at[s]], g_v.at[buf],
                             sem_g.at[buf])

        def wait_gather(s, buf):
            pltpu.make_async_copy(tok_hbm.at[idx_v.at[s]], g_v.at[buf],
                                  sem_g.at[buf]).wait()

        def start_out(s, buf):
            pltpu.async_copy(t_v.at[buf, :, :, pl.ds(0, BB)],
                             out_hbm.at[s, :, wid], sem_o.at[buf])

        def wait_out(s, buf):
            pltpu.make_async_copy(t_v.at[buf, :, :, pl.ds(0, BB)],
                                  out_hbm.at[s, :, wid], sem_o.at[buf]).wait()

        lane = jnp.arange(L, dtype=jnp.int32)
        dtvecs = [(lane + L * i) // 8 for i in range(D // L)]
        divecs = [(lane + L * i) % 8 for i in range(D // L)]
        bufids = [jnp.full((L,), b, dtype=jnp.int32) for b in range(DEPTH)]

        def transpose_add(s, buf):
            pv = [pos_v[s, pl.ds(i * L, L)] for i in range(D // L)]

            @plsc.parallel_loop(0, BB, unroll=8)
            def body(bi):
                bisplat = jnp.broadcast_to(bi, (L,)).astype(jnp.int32)
                for i in range(D // L):
                    v = g_v[buf, bi, pl.ds(i * L, L)] + pv[i]
                    plsc.store_scatter(
                        t_v, [bufids[buf], dtvecs[i], divecs[i], bisplat], v)

        def chunk_step(s, buf, k):
            wait_gather(s, buf)

            @pl.when(s + 2 < S)
            def _():
                start_gather(s + 2, (buf + 2) % DEPTH)

            @pl.when(k > 0)
            def _():
                wait_out(s - DEPTH, buf)

            transpose_add(s, buf)
            start_out(s, buf)

        start_gather(0, 0)
        start_gather(1, 1)

        def loop_body(k, carry):
            for j in range(DEPTH):
                chunk_step(DEPTH * k + j, j, k)
            return carry

        lax.fori_loop(0, S // DEPTH, loop_body, 0)
        for j in range(DEPTH):
            wait_out(S - DEPTH + j, j)

    return emb(xT, token_table, pos)


def kernel(x, token_table, position_table):
    B, S = x.shape
    D = token_table.shape[1]
    xT = x.T.astype(jnp.int32)
    pos = position_table[:S]
    out5 = _emb_call(xT, token_table, pos, B, S, D)
    out = out5.transpose(2, 4, 0, 1, 3).reshape(B, S, D)
    return out

# --- scband reference (transcript-rebuilt; emitter-appended) ---
"""Pipeline reference for scband-embedding-layer-12163347383185 (READ-ONLY COPY).

The authoritative reference and input builder live on the scoring server;
editing this copy changes nothing except your own understanding.
"""

import jax, jax.numpy as jnp
import numpy as np

VOCAB_SIZE = 1000000
EMBED_DIM = 64
MAX_LEN = 200
BATCH = 4096
SEQ_LEN = 200


def setup_inputs(seed: int = 0) -> dict:
    key = jax.random.key(seed)
    k_x, k_tok, k_pos = jax.random.split(key, 3)
    x = jax.random.randint(k_x, (BATCH, SEQ_LEN), 0, VOCAB_SIZE, dtype=jnp.int64 if jax.config.jax_enable_x64 else jnp.int32)
    token_table = jax.random.normal(k_tok, (VOCAB_SIZE, EMBED_DIM), dtype=jnp.float32)
    position_table = jax.random.normal(k_pos, (MAX_LEN, EMBED_DIM), dtype=jnp.float32)
    return {"x": x, "token_table": token_table, "position_table": position_table}


def reference(x, token_table, position_table):
    seq_len = x.shape[1]
    positions = jnp.arange(seq_len, dtype=x.dtype)[None, :]
    positions = jnp.broadcast_to(positions, x.shape)
    token_embeddings = jnp.take(token_table, x, axis=0)
    position_embeddings = jnp.take(position_table, positions, axis=0)
    embeddings = token_embeddings + position_embeddings
    return embeddings

if __name__ == "__main__":
    import jax
    _d = setup_inputs()
    print(jax.jit(kernel)(*tuple(_d.values())))

</pallas_src>

<mosaic_0001>
#map = affine_map<(d0, d1) -> (0, 0)>
#map1 = affine_map<(d0, d1) -> (0, 0, 0, 0, 0)>
module attributes {stable_mosaic.version = 14 : i64} {
  func.func @emb(%arg0: i32, %arg1: i32, %arg2: memref<200x4096xi32, #tpu.memory_space<hbm>>, %arg3: memref<1000000x64xf32, #tpu.memory_space<hbm>>, %arg4: memref<200x64xf32, #tpu.memory_space<hbm>>, %arg5: memref<200x8x32x8x128xf32, #tpu.memory_space<hbm>>, %arg6: memref<200x64xf32, #tpu.memory_space<vmem>>, %arg7: memref<200x128xi32, #tpu.memory_space<vmem>>, %arg8: memref<4x128x64xf32, #tpu.memory_space<vmem>>, %arg9: memref<4x8x8x129xf32, #tpu.memory_space<vmem>>, %arg10: memref<4x!tpu.dma_semaphore, #tpu.memory_space<semaphore_mem>>, %arg11: memref<4x!tpu.dma_semaphore, #tpu.memory_space<semaphore_mem>>) attributes {dimension_semantics = [#tpu.dimension_semantics<core_parallel>, #tpu.dimension_semantics<subcore_parallel>], iteration_bounds = array<i64: 2, 16>, scalar_prefetch = 0 : i64, scratch_operands = 6 : i64, tpu.core_type = #tpu.core_type<sc_vector_subcore>, window_params = [{transform_indices = #map}, {transform_indices = #map}, {transform_indices = #map}, {transform_indices = #map1}]} {
    %mul3A = arith.constant 16 : i32
    %mul3A_0 = arith.muli %arg0, %mul3A : i32
    %add3A = arith.addi %mul3A_0, %arg1 : i32
    "tpu.region"() ({
      %run_scoped3A = tpu.sem_alloc : memref<!tpu.dma_semaphore, #tpu.memory_space<semaphore_mem>>
      tpu.enqueue_dma source(%arg4 : memref<200x64xf32, #tpu.memory_space<hbm>>) target(%arg6 : memref<200x64xf32, #tpu.memory_space<vmem>>) target_semaphore(%run_scoped3A : memref<!tpu.dma_semaphore, #tpu.memory_space<semaphore_mem>>)
      tpu.wait_dma2 semaphore(%run_scoped3A : memref<!tpu.dma_semaphore, #tpu.memory_space<semaphore_mem>>) src(%arg4 : memref<200x64xf32, #tpu.memory_space<hbm>>) dst(%arg6 : memref<200x64xf32, #tpu.memory_space<vmem>>)
      tpu.yield
    }) : () -> ()
    %mul3A_1 = arith.constant 128 : i32
    %mul3A_2 = arith.muli %add3A, %mul3A_1 : i32
    "tpu.region"() ({
      %run_scoped3A = tpu.sem_alloc : memref<!tpu.dma_semaphore, #tpu.memory_space<semaphore_mem>>
      %dma_start3A_369 = arith.constant 0 : i32
      %dma_start3A_370 = tpu.memref_slice %arg2[%dma_start3A_369, %mul3A_2] : memref<200x4096xi32, #tpu.memory_space<hbm>> -> memref<200x128xi32, #tpu.memory_space<hbm>>
      %dma_start3A_371 = arith.constant 0 : i32
      %dma_start3A_372 = tpu.memref_slice %arg2[%dma_start3A_371, %mul3A_2] : memref<200x4096xi32, #tpu.memory_space<hbm>> -> memref<200x128xi32, #tpu.memory_space<hbm>>
      tpu.enqueue_dma source(%dma_start3A_372 : memref<200x128xi32, #tpu.memory_space<hbm>>) target(%arg7 : memref<200x128xi32, #tpu.memory_space<vmem>>) target_semaphore(%run_scoped3A : memref<!tpu.dma_semaphore, #tpu.memory_space<semaphore_mem>>)
      %dma_wait3A_373 = arith.constant 0 : i32
      %dma_wait3A_374 = tpu.memref_slice %arg2[%dma_wait3A_373, %mul3A_2] : memref<200x4096xi32, #tpu.memory_space<hbm>> -> memref<200x128xi32, #tpu.memory_space<hbm>>
      %dma_wait3A_375 = arith.constant 0 : i32
      %dma_wait3A_376 = tpu.memref_slice %arg2[%dma_wait3A_375, %mul3A_2] : memref<200x4096xi32, #tpu.memory_space<hbm>> -> memref<200x128xi32, #tpu.memory_space<hbm>>
      tpu.wait_dma2 semaphore(%run_scoped3A : memref<!tpu.dma_semaphore, #tpu.memory_space<semaphore_mem>>) src(%dma_wait3A_376 : memref<200x128xi32, #tpu.memory_space<hbm>>) dst(%arg7 : memref<200x128xi32, #tpu.memory_space<vmem>>)
      tpu.yield
    }) : () -> ()
    %iota3A = tpu.iota {dimensions = array<i32: 0>} : vector<16xi32>
    %add3A_3 = arith.constant 0 : i32
    %add3A_4 = vector.broadcast %add3A_3 : i32 to vector<16xi32>
    %add3A_5 = arith.addi %iota3A, %add3A_4 : vector<16xi32>
    %jit3A = arith.constant 8 : i32
    %div3A = vector.broadcast %jit3A : i32 to vector<16xi32>
    %div3A_6 = arith.divsi %add3A_5, %div3A : vector<16xi32>
    %sign3A = arith.constant 0 : i32
    %sign3A_7 = vector.broadcast %sign3A : i32 to vector<16xi32>
    %sign3A_8 = arith.cmpi sgt, %add3A_5, %sign3A_7 : vector<16xi32>
    %sign3A_9 = arith.extui %sign3A_8 : vector<16xi1> to vector<16xi32>
    %sign3A_10 = arith.constant 0 : i32
    %sign3A_11 = vector.broadcast %sign3A_10 : i32 to vector<16xi32>
    %sign3A_12 = arith.cmpi slt, %add3A_5, %sign3A_11 : vector<16xi32>
    %sign3A_13 = arith.extui %sign3A_12 : vector<16xi1> to vector<16xi32>
    %sign3A_14 = arith.subi %sign3A_9, %sign3A_13 : vector<16xi32>
    %sign3A_15 = arith.constant 0 : i32
    %sign3A_16 = arith.cmpi sgt, %jit3A, %sign3A_15 : i32
    %sign3A_17 = arith.extui %sign3A_16 : i1 to i32
    %sign3A_18 = arith.constant 0 : i32
    %sign3A_19 = arith.cmpi slt, %jit3A, %sign3A_18 : i32
    %sign3A_20 = arith.extui %sign3A_19 : i1 to i32
    %sign3A_21 = arith.subi %sign3A_17, %sign3A_20 : i32
    %ne3A = vector.broadcast %sign3A_21 : i32 to vector<16xi32>
    %ne3A_22 = arith.cmpi ne, %sign3A_14, %ne3A : vector<16xi32>
    %rem3A = vector.broadcast %jit3A : i32 to vector<16xi32>
    %rem3A_23 = arith.remsi %add3A_5, %rem3A : vector<16xi32>
    %ne3A_24 = arith.constant 0 : i32
    %ne3A_25 = vector.broadcast %ne3A_24 : i32 to vector<16xi32>
    %ne3A_26 = arith.cmpi ne, %rem3A_23, %ne3A_25 : vector<16xi32>
    %and3A = arith.andi %ne3A_22, %ne3A_26 : vector<16xi1>
    %sub3A = arith.constant 1 : i32
    %sub3A_27 = vector.broadcast %sub3A : i32 to vector<16xi32>
    %sub3A_28 = arith.subi %div3A_6, %sub3A_27 : vector<16xi32>
    %select_n3A = arith.select %and3A, %sub3A_28, %div3A_6 : vector<16xi1>, vector<16xi32>
    %add3A_29 = arith.constant 16 : i32
    %add3A_30 = vector.broadcast %add3A_29 : i32 to vector<16xi32>
    %add3A_31 = arith.addi %iota3A, %add3A_30 : vector<16xi32>
    %jit3A_32 = arith.constant 8 : i32
    %div3A_33 = vector.broadcast %jit3A_32 : i32 to vector<16xi32>
    %div3A_34 = arith.divsi %add3A_31, %div3A_33 : vector<16xi32>
    %sign3A_35 = arith.constant 0 : i32
    %sign3A_36 = vector.broadcast %sign3A_35 : i32 to vector<16xi32>
    %sign3A_37 = arith.cmpi sgt, %add3A_31, %sign3A_36 : vector<16xi32>
    %sign3A_38 = arith.extui %sign3A_37 : vector<16xi1> to vector<16xi32>
    %sign3A_39 = arith.constant 0 : i32
    %sign3A_40 = vector.broadcast %sign3A_39 : i32 to vector<16xi32>
    %sign3A_41 = arith.cmpi slt, %add3A_31, %sign3A_40 : vector<16xi32>
    %sign3A_42 = arith.extui %sign3A_41 : vector<16xi1> to vector<16xi32>
    %sign3A_43 = arith.subi %sign3A_38, %sign3A_42 : vector<16xi32>
    %sign3A_44 = arith.constant 0 : i32
    %sign3A_45 = arith.cmpi sgt, %jit3A_32, %sign3A_44 : i32
    %sign3A_46 = arith.extui %sign3A_45 : i1 to i32
    %sign3A_47 = arith.constant 0 : i32
    %sign3A_48 = arith.cmpi slt, %jit3A_32, %sign3A_47 : i32
    %sign3A_49 = arith.extui %sign3A_48 : i1 to i32
    %sign3A_50 = arith.subi %sign3A_46, %sign3A_49 : i32
    %ne3A_51 = vector.broadcast %sign3A_50 : i32 to vector<16xi32>
    %ne3A_52 = arith.cmpi ne, %sign3A_43, %ne3A_51 : vector<16xi32>
    %rem3A_53 = vector.broadcast %jit3A_32 : i32 to vector<16xi32>
    %rem3A_54 = arith.remsi %add3A_31, %rem3A_53 : vector<16xi32>
    %ne3A_55 = arith.constant 0 : i32
    %ne3A_56 = vector.broadcast %ne3A_55 : i32 to vector<16xi32>
    %ne3A_57 = arith.cmpi ne, %rem3A_54, %ne3A_56 : vector<16xi32>
    %and3A_58 = arith.andi %ne3A_52, %ne3A_57 : vector<16xi1>
    %sub3A_59 = arith.constant 1 : i32
    %sub3A_60 = vector.broadcast %sub3A_59 : i32 to vector<16xi32>
    %sub3A_61 = arith.subi %div3A_34, %sub3A_60 : vector<16xi32>
    %select_n3A_62 = arith.select %and3A_58, %sub3A_61, %div3A_34 : vector<16xi1>, vector<16xi32>
    %add3A_63 = arith.constant 32 : i32
    %add3A_64 = vector.broadcast %add3A_63 : i32 to vector<16xi32>
    %add3A_65 = arith.addi %iota3A, %add3A_64 : vector<16xi32>
    %jit3A_66 = arith.constant 8 : i32
    %div3A_67 = vector.broadcast %jit3A_66 : i32 to vector<16xi32>
    %div3A_68 = arith.divsi %add3A_65, %div3A_67 : vector<16xi32>
    %sign3A_69 = arith.constant 0 : i32
    %sign3A_70 = vector.broadcast %sign3A_69 : i32 to vector<16xi32>
    %sign3A_71 = arith.cmpi sgt, %add3A_65, %sign3A_70 : vector<16xi32>
    %sign3A_72 = arith.extui %sign3A_71 : vector<16xi1> to vector<16xi32>
    %sign3A_73 = arith.constant 0 : i32
    %sign3A_74 = vector.broadcast %sign3A_73 : i32 to vector<16xi32>
    %sign3A_75 = arith.cmpi slt, %add3A_65, %sign3A_74 : vector<16xi32>
    %sign3A_76 = arith.extui %sign3A_75 : vector<16xi1> to vector<16xi32>
    %sign3A_77 = arith.subi %sign3A_72, %sign3A_76 : vector<16xi32>
    %sign3A_78 = arith.constant 0 : i32
    %sign3A_79 = arith.cmpi sgt, %jit3A_66, %sign3A_78 : i32
    %sign3A_80 = arith.extui %sign3A_79 : i1 to i32
    %sign3A_81 = arith.constant 0 : i32
    %sign3A_82 = arith.cmpi slt, %jit3A_66, %sign3A_81 : i32
    %sign3A_83 = arith.extui %sign3A_82 : i1 to i32
    %sign3A_84 = arith.subi %sign3A_80, %sign3A_83 : i32
    %ne3A_85 = vector.broadcast %sign3A_84 : i32 to vector<16xi32>
    %ne3A_86 = arith.cmpi ne, %sign3A_77, %ne3A_85 : vector<16xi32>
    %rem3A_87 = vector.broadcast %jit3A_66 : i32 to vector<16xi32>
    %rem3A_88 = arith.remsi %add3A_65, %rem3A_87 : vector<16xi32>
    %ne3A_89 = arith.constant 0 : i32
    %ne3A_90 = vector.broadcast %ne3A_89 : i32 to vector<16xi32>
    %ne3A_91 = arith.cmpi ne, %rem3A_88, %ne3A_90 : vector<16xi32>
    %and3A_92 = arith.andi %ne3A_86, %ne3A_91 : vector<16xi1>
    %sub3A_93 = arith.constant 1 : i32
    %sub3A_94 = vector.broadcast %sub3A_93 : i32 to vector<16xi32>
    %sub3A_95 = arith.subi %div3A_68, %sub3A_94 : vector<16xi32>
    %select_n3A_96 = arith.select %and3A_92, %sub3A_95, %div3A_68 : vector<16xi1>, vector<16xi32>
    %add3A_97 = arith.constant 48 : i32
    %add3A_98 = vector.broadcast %add3A_97 : i32 to vector<16xi32>
    %add3A_99 = arith.addi %iota3A, %add3A_98 : vector<16xi32>
    %jit3A_100 = arith.constant 8 : i32
    %div3A_101 = vector.broadcast %jit3A_100 : i32 to vector<16xi32>
    %div3A_102 = arith.divsi %add3A_99, %div3A_101 : vector<16xi32>
    %sign3A_103 = arith.constant 0 : i32
    %sign3A_104 = vector.broadcast %sign3A_103 : i32 to vector<16xi32>
    %sign3A_105 = arith.cmpi sgt, %add3A_99, %sign3A_104 : vector<16xi32>
    %sign3A_106 = arith.extui %sign3A_105 : vector<16xi1> to vector<16xi32>
    %sign3A_107 = arith.constant 0 : i32
    %sign3A_108 = vector.broadcast %sign3A_107 : i32 to vector<16xi32>
    %sign3A_109 = arith.cmpi slt, %add3A_99, %sign3A_108 : vector<16xi32>
    %sign3A_110 = arith.extui %sign3A_109 : vector<16xi1> to vector<16xi32>
    %sign3A_111 = arith.subi %sign3A_106, %sign3A_110 : vector<16xi32>
    %sign3A_112 = arith.constant 0 : i32
    %sign3A_113 = arith.cmpi sgt, %jit3A_100, %sign3A_112 : i32
    %sign3A_114 = arith.extui %sign3A_113 : i1 to i32
    %sign3A_115 = arith.constant 0 : i32
    %sign3A_116 = arith.cmpi slt, %jit3A_100, %sign3A_115 : i32
    %sign3A_117 = arith.extui %sign3A_116 : i1 to i32
    %sign3A_118 = arith.subi %sign3A_114, %sign3A_117 : i32
    %ne3A_119 = vector.broadcast %sign3A_118 : i32 to vector<16xi32>
    %ne3A_120 = arith.cmpi ne, %sign3A_111, %ne3A_119 : vector<16xi32>
    %rem3A_121 = vector.broadcast %jit3A_100 : i32 to vector<16xi32>
    %rem3A_122 = arith.remsi %add3A_99, %rem3A_121 : vector<16xi32>
    %ne3A_123 = arith.constant 0 : i32
    %ne3A_124 = vector.broadcast %ne3A_123 : i32 to vector<16xi32>
    %ne3A_125 = arith.cmpi ne, %rem3A_122, %ne3A_124 : vector<16xi32>
    %and3A_126 = arith.andi %ne3A_120, %ne3A_125 : vector<16xi1>
    %sub3A_127 = arith.constant 1 : i32
    %sub3A_128 = vector.broadcast %sub3A_127 : i32 to vector<16xi32>
    %sub3A_129 = arith.subi %div3A_102, %sub3A_128 : vector<16xi32>
    %select_n3A_130 = arith.select %and3A_126, %sub3A_129, %div3A_102 : vector<16xi1>, vector<16xi32>
    %add3A_131 = arith.constant 0 : i32
    %add3A_132 = vector.broadcast %add3A_131 : i32 to vector<16xi32>
    %add3A_133 = arith.addi %iota3A, %add3A_132 : vector<16xi32>
    %jit3A_134 = arith.constant 8 : i32
    %eq3A = arith.constant 0 : i32
    %eq3A_135 = arith.cmpi eq, %jit3A_134, %eq3A : i32
    %jit3A_136 = arith.constant 1 : i32
    %select_n3A_137 = arith.select %eq3A_135, %jit3A_136, %jit3A_134 : i32
    %rem3A_138 = vector.broadcast %select_n3A_137 : i32 to vector<16xi32>
    %rem3A_139 = arith.remsi %add3A_133, %rem3A_138 : vector<16xi32>
    %ne3A_140 = arith.constant 0 : i32
    %ne3A_141 = vector.broadcast %ne3A_140 : i32 to vector<16xi32>
    %ne3A_142 = arith.cmpi ne, %rem3A_139, %ne3A_141 : vector<16xi32>
    %lt3A = arith.constant 0 : i32
    %lt3A_143 = vector.broadcast %lt3A : i32 to vector<16xi32>
    %lt3A_144 = arith.cmpi slt, %rem3A_139, %lt3A_143 : vector<16xi32>
    %lt3A_145 = arith.constant 0 : i32
    %lt3A_146 = arith.cmpi slt, %select_n3A_137, %lt3A_145 : i32
    %ne3A_147 = vector.broadcast %lt3A_146 : i1 to vector<16xi1>
    %ne3A_148 = vector.broadcast %ne3A_147 : vector<16xi1> to vector<16xi1>
    %ne3A_149 = arith.xori %lt3A_144, %ne3A_148 : vector<16xi1>
    %and3A_150 = arith.andi %ne3A_149, %ne3A_142 : vector<16xi1>
    %add3A_151 = vector.broadcast %select_n3A_137 : i32 to vector<16xi32>
    %add3A_152 = arith.addi %rem3A_139, %add3A_151 : vector<16xi32>
    %select_n3A_153 = arith.select %and3A_150, %add3A_152, %rem3A_139 : vector<16xi1>, vector<16xi32>
    %add3A_154 = arith.constant 16 : i32
    %add3A_155 = vector.broadcast %add3A_154 : i32 to vector<16xi32>
    %add3A_156 = arith.addi %iota3A, %add3A_155 : vector<16xi32>
    %jit3A_157 = arith.constant 8 : i32
    %eq3A_158 = arith.constant 0 : i32
    %eq3A_159 = arith.cmpi eq, %jit3A_157, %eq3A_158 : i32
    %jit3A_160 = arith.constant 1 : i32
    %select_n3A_161 = arith.select %eq3A_159, %jit3A_160, %jit3A_157 : i32
    %rem3A_162 = vector.broadcast %select_n3A_161 : i32 to vector<16xi32>
    %rem3A_163 = arith.remsi %add3A_156, %rem3A_162 : vector<16xi32>
    %ne3A_164 = arith.constant 0 : i32
    %ne3A_165 = vector.broadcast %ne3A_164 : i32 to vector<16xi32>
    %ne3A_166 = arith.cmpi ne, %rem3A_163, %ne3A_165 : vector<16xi32>
    %lt3A_167 = arith.constant 0 : i32
    %lt3A_168 = vector.broadcast %lt3A_167 : i32 to vector<16xi32>
    %lt3A_169 = arith.cmpi slt, %rem3A_163, %lt3A_168 : vector<16xi32>
    %lt3A_170 = arith.constant 0 : i32
    %lt3A_171 = arith.cmpi slt, %select_n3A_161, %lt3A_170 : i32
    %ne3A_172 = vector.broadcast %lt3A_171 : i1 to vector<16xi1>
    %ne3A_173 = vector.broadcast %ne3A_172 : vector<16xi1> to vector<16xi1>
    %ne3A_174 = arith.xori %lt3A_169, %ne3A_173 : vector<16xi1>
    %and3A_175 = arith.andi %ne3A_174, %ne3A_166 : vector<16xi1>
    %add3A_176 = vector.broadcast %select_n3A_161 : i32 to vector<16xi32>
    %add3A_177 = arith.addi %rem3A_163, %add3A_176 : vector<16xi32>
    %select_n3A_178 = arith.select %and3A_175, %add3A_177, %rem3A_163 : vector<16xi1>, vector<16xi32>
    %add3A_179 = arith.constant 32 : i32
    %add3A_180 = vector.broadcast %add3A_179 : i32 to vector<16xi32>
    %add3A_181 = arith.addi %iota3A, %add3A_180 : vector<16xi32>
    %jit3A_182 = arith.constant 8 : i32
    %eq3A_183 = arith.constant 0 : i32
    %eq3A_184 = arith.cmpi eq, %jit3A_182, %eq3A_183 : i32
    %jit3A_185 = arith.constant 1 : i32
    %select_n3A_186 = arith.select %eq3A_184, %jit3A_185, %jit3A_182 : i32
    %rem3A_187 = vector.broadcast %select_n3A_186 : i32 to vector<16xi32>
    %rem3A_188 = arith.remsi %add3A_181, %rem3A_187 : vector<16xi32>
    %ne3A_189 = arith.constant 0 : i32
    %ne3A_190 = vector.broadcast %ne3A_189 : i32 to vector<16xi32>
    %ne3A_191 = arith.cmpi ne, %rem3A_188, %ne3A_190 : vector<16xi32>
    %lt3A_192 = arith.constant 0 : i32
    %lt3A_193 = vector.broadcast %lt3A_192 : i32 to vector<16xi32>
    %lt3A_194 = arith.cmpi slt, %rem3A_188, %lt3A_193 : vector<16xi32>
    %lt3A_195 = arith.constant 0 : i32
    %lt3A_196 = arith.cmpi slt, %select_n3A_186, %lt3A_195 : i32
    %ne3A_197 = vector.broadcast %lt3A_196 : i1 to vector<16xi1>
    %ne3A_198 = vector.broadcast %ne3A_197 : vector<16xi1> to vector<16xi1>
    %ne3A_199 = arith.xori %lt3A_194, %ne3A_198 : vector<16xi1>
    %and3A_200 = arith.andi %ne3A_199, %ne3A_191 : vector<16xi1>
    %add3A_201 = vector.broadcast %select_n3A_186 : i32 to vector<16xi32>
    %add3A_202 = arith.addi %rem3A_188, %add3A_201 : vector<16xi32>
    %select_n3A_203 = arith.select %and3A_200, %add3A_202, %rem3A_188 : vector<16xi1>, vector<16xi32>
    %add3A_204 = arith.constant 48 : i32
    %add3A_205 = vector.broadcast %add3A_204 : i32 to vector<16xi32>
    %add3A_206 = arith.addi %iota3A, %add3A_205 : vector<16xi32>
    %jit3A_207 = arith.constant 8 : i32
    %eq3A_208 = arith.constant 0 : i32
    %eq3A_209 = arith.cmpi eq, %jit3A_207, %eq3A_208 : i32
    %jit3A_210 = arith.constant 1 : i32
    %select_n3A_211 = arith.select %eq3A_209, %jit3A_210, %jit3A_207 : i32
    %rem3A_212 = vector.broadcast %select_n3A_211 : i32 to vector<16xi32>
    %rem3A_213 = arith.remsi %add3A_206, %rem3A_212 : vector<16xi32>
    %ne3A_214 = arith.constant 0 : i32
    %ne3A_215 = vector.broadcast %ne3A_214 : i32 to vector<16xi32>
    %ne3A_216 = arith.cmpi ne, %rem3A_213, %ne3A_215 : vector<16xi32>
    %lt3A_217 = arith.constant 0 : i32
    %lt3A_218 = vector.broadcast %lt3A_217 : i32 to vector<16xi32>
    %lt3A_219 = arith.cmpi slt, %rem3A_213, %lt3A_218 : vector<16xi32>
    %lt3A_220 = arith.constant 0 : i32
    %lt3A_221 = arith.cmpi slt, %select_n3A_211, %lt3A_220 : i32
    %ne3A_222 = vector.broadcast %lt3A_221 : i1 to vector<16xi1>
    %ne3A_223 = vector.broadcast %ne3A_222 : vector<16xi1> to vector<16xi1>
    %ne3A_224 = arith.xori %lt3A_219, %ne3A_223 : vector<16xi1>
    %and3A_225 = arith.andi %ne3A_224, %ne3A_216 : vector<16xi1>
    %add3A_226 = vector.broadcast %select_n3A_211 : i32 to vector<16xi32>
    %add3A_227 = arith.addi %rem3A_213, %add3A_226 : vector<16xi32>
    %select_n3A_228 = arith.select %and3A_225, %add3A_227, %rem3A_213 : vector<16xi1>, vector<16xi32>
    %broadcast_in_dim3A = arith.constant 0 : i32
    %broadcast_in_dim3A_229 = vector.broadcast %broadcast_in_dim3A : i32 to vector<16xi32>
    %broadcast_in_dim3A_230 = arith.constant 1 : i32
    %broadcast_in_dim3A_231 = vector.broadcast %broadcast_in_dim3A_230 : i32 to vector<16xi32>
    %broadcast_in_dim3A_232 = arith.constant 2 : i32
    %broadcast_in_dim3A_233 = vector.broadcast %broadcast_in_dim3A_232 : i32 to vector<16xi32>
    %broadcast_in_dim3A_234 = arith.constant 3 : i32
    %broadcast_in_dim3A_235 = vector.broadcast %broadcast_in_dim3A_234 : i32 to vector<16xi32>
    %dma_start3A = arith.constant 0 : i32
    %dma_start3A_236 = arith.constant 0 : i32
    %dma_start3A_237 = arith.constant 0 : i32
    %dma_start3A_238 = arith.constant 0 : i32
    %dma_start3A_239 = arith.constant 0 : i32
    %dma_start3A_240 = tpu.memref_slice %arg8[%dma_start3A_236, %dma_start3A_238, %dma_start3A_239] : memref<4x128x64xf32, #tpu.memory_space<vmem>> -> memref<1x128x64xf32, #tpu.memory_space<vmem>>
    %dma_start3A_241 = tpu.memref_squeeze %dma_start3A_240 : memref<1x128x64xf32, #tpu.memory_space<vmem>> -> memref<128x64xf32, #tpu.memory_space<vmem>>
    %dma_start3A_242 = arith.constant 0 : i32
    %dma_start3A_243 = tpu.memref_slice %arg7[%dma_start3A, %dma_start3A_242] : memref<200x128xi32, #tpu.memory_space<vmem>> -> memref<1x128xi32, #tpu.memory_space<vmem>>
    %dma_start3A_244 = tpu.memref_squeeze %dma_start3A_243 : memref<1x128xi32, #tpu.memory_space<vmem>> -> memref<128xi32, #tpu.memory_space<vmem>>
    %dma_start3A_245 = arith.constant 0 : i32
    %dma_start3A_246 = arith.constant 0 : i32
    %dma_start3A_247 = tpu.memref_slice %arg3[%dma_start3A_245, %dma_start3A_246] : memref<1000000x64xf32, #tpu.memory_space<hbm>> -> memref<1000000x64xf32, #tpu.memory_space<hbm>>
    %dma_start3A_248 = tpu.memref_slice %arg10[%dma_start3A_237] : memref<4x!tpu.dma_semaphore, #tpu.memory_space<semaphore_mem>> -> memref<1x!tpu.dma_semaphore, #tpu.memory_space<semaphore_mem>>
    %dma_start3A_249 = tpu.memref_squeeze %dma_start3A_248 : memref<1x!tpu.dma_semaphore, #tpu.memory_space<semaphore_mem>> -> memref<!tpu.dma_semaphore, #tpu.memory_space<semaphore_mem>>
    tpu.enqueue_indirect_dma source(%dma_start3A_247 : memref<1000000x64xf32, #tpu.memory_space<hbm>>) target(%dma_start3A_241 : memref<128x64xf32, #tpu.memory_space<vmem>>) offsets(%dma_start3A_244 : memref<128xi32, #tpu.memory_space<vmem>>) semaphore(%dma_start3A_249 : memref<!tpu.dma_semaphore, #tpu.memory_space<semaphore_mem>>)
    %dma_start3A_250 = arith.constant 1 : i32
    %dma_start3A_251 = arith.constant 1 : i32
    %dma_start3A_252 = arith.constant 1 : i32
    %dma_start3A_253 = arith.constant 0 : i32
    %dma_start3A_254 = arith.constant 0 : i32
    %dma_start3A_255 = tpu.memref_slice %arg8[%dma_start3A_251, %dma_start3A_253, %dma_start3A_254] : memref<4x128x64xf32, #tpu.memory_space<vmem>> -> memref<1x128x64xf32, #tpu.memory_space<vmem>>
    %dma_start3A_256 = tpu.memref_squeeze %dma_start3A_255 : memref<1x128x64xf32, #tpu.memory_space<vmem>> -> memref<128x64xf32, #tpu.memory_space<vmem>>
    %dma_start3A_257 = arith.constant 0 : i32
    %dma_start3A_258 = tpu.memref_slice %arg7[%dma_start3A_250, %dma_start3A_257] : memref<200x128xi32, #tpu.memory_space<vmem>> -> memref<1x128xi32, #tpu.memory_space<vmem>>
    %dma_start3A_259 = tpu.memref_squeeze %dma_start3A_258 : memref<1x128xi32, #tpu.memory_space<vmem>> -> memref<128xi32, #tpu.memory_space<vmem>>
    %dma_start3A_260 = arith.constant 0 : i32
    %dma_start3A_261 = arith.constant 0 : i32
    %dma_start3A_262 = tpu.memref_slice %arg3[%dma_start3A_260, %dma_start3A_261] : memref<1000000x64xf32, #tpu.memory_space<hbm>> -> memref<1000000x64xf32, #tpu.memory_space<hbm>>
    %dma_start3A_263 = tpu.memref_slice %arg10[%dma_start3A_252] : memref<4x!tpu.dma_semaphore, #tpu.memory_space<semaphore_mem>> -> memref<1x!tpu.dma_semaphore, #tpu.memory_space<semaphore_mem>>
    %dma_start3A_264 = tpu.memref_squeeze %dma_start3A_263 : memref<1x!tpu.dma_semaphore, #tpu.memory_space<semaphore_mem>> -> memref<!tpu.dma_semaphore, #tpu.memory_space<semaphore_mem>>
    tpu.enqueue_indirect_dma source(%dma_start3A_262 : memref<1000000x64xf32, #tpu.memory_space<hbm>>) target(%dma_start3A_256 : memref<128x64xf32, #tpu.memory_space<vmem>>) offsets(%dma_start3A_259 : memref<128xi32, #tpu.memory_space<vmem>>) semaphore(%dma_start3A_264 : memref<!tpu.dma_semaphore, #tpu.memory_space<semaphore_mem>>)
    %scan3A = arith.constant 0 : i32
    %scan3A_265 = arith.constant 0 : i32
    %scan3A_266 = arith.constant 50 : i32
    %scan3A_267 = arith.addi %scan3A_265, %scan3A_266 : i32
    %scan3A_268 = arith.constant 1 : i32
    scf.for %scan3A_369 = %scan3A_265 to %scan3A_267 step %scan3A_268  : i32 {
      %mul3A_370 = arith.constant 4 : i32
      %mul3A_371 = arith.muli %mul3A_370, %scan3A_369 : i32
      %add3A_372 = arith.constant 0 : i32
      %add3A_373 = arith.addi %mul3A_371, %add3A_372 : i32
      %dma_wait3A_374 = arith.constant 0 : i32
      %dma_wait3A_375 = arith.constant 0 : i32
      %dma_wait3A_376 = arith.constant 0 : i32
      %dma_wait3A_377 = arith.constant 0 : i32
      %dma_wait3A_378 = tpu.memref_slice %arg8[%dma_wait3A_374, %dma_wait3A_376, %dma_wait3A_377] : memref<4x128x64xf32, #tpu.memory_space<vmem>> -> memref<1x128x64xf32, #tpu.memory_space<vmem>>
      %dma_wait3A_379 = tpu.memref_squeeze %dma_wait3A_378 : memref<1x128x64xf32, #tpu.memory_space<vmem>> -> memref<128x64xf32, #tpu.memory_space<vmem>>
      %dma_wait3A_380 = arith.constant 0 : i32
      %dma_wait3A_381 = tpu.memref_slice %arg7[%add3A_373, %dma_wait3A_380] : memref<200x128xi32, #tpu.memory_space<vmem>> -> memref<1x128xi32, #tpu.memory_space<vmem>>
      %dma_wait3A_382 = tpu.memref_squeeze %dma_wait3A_381 : memref<1x128xi32, #tpu.memory_space<vmem>> -> memref<128xi32, #tpu.memory_space<vmem>>
      %dma_wait3A_383 = arith.constant 0 : i32
      %dma_wait3A_384 = arith.constant 0 : i32
      %dma_wait3A_385 = tpu.memref_slice %arg3[%dma_wait3A_383, %dma_wait3A_384] : memref<1000000x64xf32, #tpu.memory_space<hbm>> -> memref<1000000x64xf32, #tpu.memory_space<hbm>>
      %dma_wait3A_386 = tpu.memref_slice %arg10[%dma_wait3A_375] : memref<4x!tpu.dma_semaphore, #tpu.memory_space<semaphore_mem>> -> memref<1x!tpu.dma_semaphore, #tpu.memory_space<semaphore_mem>>
      %dma_wait3A_387 = tpu.memref_squeeze %dma_wait3A_386 : memref<1x!tpu.dma_semaphore, #tpu.memory_space<semaphore_mem>> -> memref<!tpu.dma_semaphore, #tpu.memory_space<semaphore_mem>>
      tpu.wait_indirect_dma semaphore(%dma_wait3A_387 : memref<!tpu.dma_semaphore, #tpu.memory_space<semaphore_mem>>) src(%dma_wait3A_385 : memref<1000000x64xf32, #tpu.memory_space<hbm>>) dst(%dma_wait3A_379 : memref<128x64xf32, #tpu.memory_space<vmem>>)
      %add3A_388 = arith.constant 2 : i32
      %add3A_389 = arith.addi %add3A_373, %add3A_388 : i32
      %lt3A_390 = arith.constant 200 : i32
      %lt3A_391 = arith.cmpi slt, %add3A_389, %lt3A_390 : i32
      %convert_element_type3A = arith.extui %lt3A_391 : i1 to i32
      %cond3A = arith.constant 0 : i32
      %cond3A_392 = arith.cmpi ne, %convert_element_type3A, %cond3A : i32
      scf.if %cond3A_392 {
        %add3A_641 = arith.constant 2 : i32
        %add3A_642 = arith.addi %add3A_373, %add3A_641 : i32
        %dma_start3A_643 = arith.constant 2 : i32
        %dma_start3A_644 = arith.constant 2 : i32
        %dma_start3A_645 = arith.constant 0 : i32
        %dma_start3A_646 = arith.constant 0 : i32
        %dma_start3A_647 = tpu.memref_slice %arg8[%dma_start3A_643, %dma_start3A_645, %dma_start3A_646] : memref<4x128x64xf32, #tpu.memory_space<vmem>> -> memref<1x128x64xf32, #tpu.memory_space<vmem>>
        %dma_start3A_648 = tpu.memref_squeeze %dma_start3A_647 : memref<1x128x64xf32, #tpu.memory_space<vmem>> -> memref<128x64xf32, #tpu.memory_space<vmem>>
        %dma_start3A_649 = arith.constant 0 : i32
        %dma_start3A_650 = tpu.memref_slice %arg7[%add3A_642, %dma_start3A_649] : memref<200x128xi32, #tpu.memory_space<vmem>> -> memref<1x128xi32, #tpu.memory_space<vmem>>
        %dma_start3A_651 = tpu.memref_squeeze %dma_start3A_650 : memref<1x128xi32, #tpu.memory_space<vmem>> -> memref<128xi32, #tpu.memory_space<vmem>>
        %dma_start3A_652 = arith.constant 0 : i32
        %dma_start3A_653 = arith.constant 0 : i32
        %dma_start3A_654 = tpu.memref_slice %arg3[%dma_start3A_652, %dma_start3A_653] : memref<1000000x64xf32, #tpu.memory_space<hbm>> -> memref<1000000x64xf32, #tpu.memory_space<hbm>>
        %dma_start3A_655 = tpu.memref_slice %arg10[%dma_start3A_644] : memref<4x!tpu.dma_semaphore, #tpu.memory_space<semaphore_mem>> -> memref<1x!tpu.dma_semaphore, #tpu.memory_space<semaphore_mem>>
        %dma_start3A_656 = tpu.memref_squeeze %dma_start3A_655 : memref<1x!tpu.dma_semaphore, #tpu.memory_space<semaphore_mem>> -> memref<!tpu.dma_semaphore, #tpu.memory_space<semaphore_mem>>
        tpu.enqueue_indirect_dma source(%dma_start3A_654 : memref<1000000x64xf32, #tpu.memory_space<hbm>>) target(%dma_start3A_648 : memref<128x64xf32, #tpu.memory_space<vmem>>) offsets(%dma_start3A_651 : memref<128xi32, #tpu.memory_space<vmem>>) semaphore(%dma_start3A_656 : memref<!tpu.dma_semaphore, #tpu.memory_space<semaphore_mem>>)
      } else {
      }
      %gt3A = arith.constant 0 : i32
      %gt3A_393 = arith.cmpi sgt, %scan3A_369, %gt3A : i32
      %convert_element_type3A_394 = arith.extui %gt3A_393 : i1 to i32
      %cond3A_395 = arith.constant 0 : i32
      %cond3A_396 = arith.cmpi ne, %convert_element_type3A_394, %cond3A_395 : i32
      scf.if %cond3A_396 {
        %sub3A_641 = arith.constant 4 : i32
        %sub3A_642 = arith.subi %add3A_373, %sub3A_641 : i32
        %dma_wait3A_643 = arith.constant 0 : i32
        %dma_wait3A_644 = arith.constant 0 : i32
        %dma_wait3A_645 = arith.constant 0 : i32
        %dma_wait3A_646 = arith.constant 0 : i32
        %dma_wait3A_647 = arith.constant 0 : i32
        %dma_wait3A_648 = tpu.memref_slice %arg9[%dma_wait3A_643, %dma_wait3A_645, %dma_wait3A_646, %dma_wait3A_647] : memref<4x8x8x129xf32, #tpu.memory_space<vmem>> -> memref<1x8x8x128xf32, #tpu.memory_space<vmem>>
        %dma_wait3A_649 = tpu.memref_squeeze %dma_wait3A_648 : memref<1x8x8x128xf32, #tpu.memory_space<vmem>> -> memref<8x8x128xf32, #tpu.memory_space<vmem>>
        %dma_wait3A_650 = arith.constant 0 : i32
        %dma_wait3A_651 = arith.constant 0 : i32
        %dma_wait3A_652 = arith.constant 0 : i32
        %dma_wait3A_653 = tpu.memref_slice %arg5[%sub3A_642, %dma_wait3A_650, %add3A, %dma_wait3A_651, %dma_wait3A_652] : memref<200x8x32x8x128xf32, #tpu.memory_space<hbm>> -> memref<1x8x1x8x128xf32, #tpu.memory_space<hbm>>
        %dma_wait3A_654 = tpu.memref_squeeze %dma_wait3A_653 : memref<1x8x1x8x128xf32, #tpu.memory_space<hbm>> -> memref<8x8x128xf32, #tpu.memory_space<hbm>>
        %dma_wait3A_655 = tpu.memref_slice %arg11[%dma_wait3A_644] : memref<4x!tpu.dma_semaphore, #tpu.memory_space<semaphore_mem>> -> memref<1x!tpu.dma_semaphore, #tpu.memory_space<semaphore_mem>>
        %dma_wait3A_656 = tpu.memref_squeeze %dma_wait3A_655 : memref<1x!tpu.dma_semaphore, #tpu.memory_space<semaphore_mem>> -> memref<!tpu.dma_semaphore, #tpu.memory_space<semaphore_mem>>
        %dma_wait3A_657 = arith.constant 0 : i32
        %dma_wait3A_658 = arith.constant 0 : i32
        %dma_wait3A_659 = arith.constant 0 : i32
        %dma_wait3A_660 = tpu.memref_slice %arg5[%sub3A_642, %dma_wait3A_657, %add3A, %dma_wait3A_658, %dma_wait3A_659] : memref<200x8x32x8x128xf32, #tpu.memory_space<hbm>> -> memref<1x8x1x8x128xf32, #tpu.memory_space<hbm>>
        %dma_wait3A_661 = tpu.memref_squeeze %dma_wait3A_660 : memref<1x8x1x8x128xf32, #tpu.memory_space<hbm>> -> memref<8x8x128xf32, #tpu.memory_space<hbm>>
        %dma_wait3A_662 = arith.constant 0 : i32
        %dma_wait3A_663 = arith.constant 0 : i32
        %dma_wait3A_664 = arith.constant 0 : i32
        %dma_wait3A_665 = tpu.memref_slice %arg9[%dma_wait3A_643, %dma_wait3A_662, %dma_wait3A_663, %dma_wait3A_664] : memref<4x8x8x129xf32, #tpu.memory_space<vmem>> -> memref<1x8x8x128xf32, #tpu.memory_space<vmem>>
        %dma_wait3A_666 = tpu.memref_squeeze %dma_wait3A_665 : memref<1x8x8x128xf32, #tpu.memory_space<vmem>> -> memref<8x8x128xf32, #tpu.memory_space<vmem>>
        tpu.wait_dma2 semaphore(%dma_wait3A_656 : memref<!tpu.dma_semaphore, #tpu.memory_space<semaphore_mem>>) src(%dma_wait3A_666 : memref<8x8x128xf32, #tpu.memory_space<vmem>>) dst(%dma_wait3A_661 : memref<8x8x128xf32, #tpu.memory_space<hbm>>)
      } else {
      }
      %get3A = arith.index_cast %add3A_373 : i32 to index
      %get3A_397 = arith.constant 0 : index
      %get3A_398 = tpu.vector_load %arg6[%get3A, %get3A_397] {strides = array<i32>} : memref<200x64xf32, #tpu.memory_space<vmem>>, vector<16xf32>,
      %get3A_399 = arith.index_cast %add3A_373 : i32 to index
      %get3A_400 = arith.constant 16 : index
      %get3A_401 = tpu.vector_load %arg6[%get3A_399, %get3A_400] {strides = array<i32>} : memref<200x64xf32, #tpu.memory_space<vmem>>, vector<16xf32>,
      %get3A_402 = arith.index_cast %add3A_373 : i32 to index
      %get3A_403 = arith.constant 32 : index
      %get3A_404 = tpu.vector_load %arg6[%get3A_402, %get3A_403] {strides = array<i32>} : memref<200x64xf32, #tpu.memory_space<vmem>>, vector<16xf32>,
      %get3A_405 = arith.index_cast %add3A_373 : i32 to index
      %get3A_406 = arith.constant 48 : index
      %get3A_407 = tpu.vector_load %arg6[%get3A_405, %get3A_406] {strides = array<i32>} : memref<200x64xf32, #tpu.memory_space<vmem>>, vector<16xf32>,
      %parallel_loop3A = arith.constant 0 : i32
      %parallel_loop3A_408 = arith.constant 128 : i32
      %parallel_loop3A_409 = arith.constant 1 : i32
      scf.for %parallel_loop3A_641 = %parallel_loop3A to %parallel_loop3A_408 step %parallel_loop3A_409  : i32 {
        %parallel_loop3A_642 = vector.broadcast %parallel_loop3A_641 : i32 to vector<16xi32>
        %parallel_loop3A_643 = arith.constant 0 : i32
        %parallel_loop3A_644 = arith.index_cast %parallel_loop3A_643 : i32 to index
        %parallel_loop3A_645 = arith.index_cast %parallel_loop3A_641 : i32 to index
        %parallel_loop3A_646 = arith.constant 0 : index
        %parallel_loop3A_647 = tpu.vector_load %arg8[%parallel_loop3A_644, %parallel_loop3A_645, %parallel_loop3A_646] {strides = array<i32>} : memref<4x128x64xf32, #tpu.memory_space<vmem>>, vector<16xf32>,
        %parallel_loop3A_648 = arith.addf %parallel_loop3A_647, %get3A_398 : vector<16xf32>
        tpu.vector_store_idx %arg9[%broadcast_in_dim3A_229, %select_n3A, %select_n3A_153, %parallel_loop3A_642], %parallel_loop3A_648 : memref<4x8x8x129xf32, #tpu.memory_space<vmem>>[vector<16xi32>, vector<16xi32>, vector<16xi32>, vector<16xi32>], vector<16xf32>,
        %parallel_loop3A_649 = arith.constant 0 : i32
        %parallel_loop3A_650 = arith.index_cast %parallel_loop3A_649 : i32 to index
        %parallel_loop3A_651 = arith.index_cast %parallel_loop3A_641 : i32 to index
        %parallel_loop3A_652 = arith.constant 16 : index
        %parallel_loop3A_653 = tpu.vector_load %arg8[%parallel_loop3A_650, %parallel_loop3A_651, %parallel_loop3A_652] {strides = array<i32>} : memref<4x128x64xf32, #tpu.memory_space<vmem>>, vector<16xf32>,
        %parallel_loop3A_654 = arith.addf %parallel_loop3A_653, %get3A_401 : vector<16xf32>
        tpu.vector_store_idx %arg9[%broadcast_in_dim3A_229, %select_n3A_62, %select_n3A_178, %parallel_loop3A_642], %parallel_loop3A_654 : memref<4x8x8x129xf32, #tpu.memory_space<vmem>>[vector<16xi32>, vector<16xi32>, vector<16xi32>, vector<16xi32>], vector<16xf32>,
        %parallel_loop3A_655 = arith.constant 0 : i32
        %parallel_loop3A_656 = arith.index_cast %parallel_loop3A_655 : i32 to index
        %parallel_loop3A_657 = arith.index_cast %parallel_loop3A_641 : i32 to index
        %parallel_loop3A_658 = arith.constant 32 : index
        %parallel_loop3A_659 = tpu.vector_load %arg8[%parallel_loop3A_656, %parallel_loop3A_657, %parallel_loop3A_658] {strides = array<i32>} : memref<4x128x64xf32, #tpu.memory_space<vmem>>, vector<16xf32>,
        %parallel_loop3A_660 = arith.addf %parallel_loop3A_659, %get3A_404 : vector<16xf32>
        tpu.vector_store_idx %arg9[%broadcast_in_dim3A_229, %select_n3A_96, %select_n3A_203, %parallel_loop3A_642], %parallel_loop3A_660 : memref<4x8x8x129xf32, #tpu.memory_space<vmem>>[vector<16xi32>, vector<16xi32>, vector<16xi32>, vector<16xi32>], vector<16xf32>,
        %parallel_loop3A_661 = arith.constant 0 : i32
        %parallel_loop3A_662 = arith.index_cast %parallel_loop3A_661 : i32 to index
        %parallel_loop3A_663 = arith.index_cast %parallel_loop3A_641 : i32 to index
        %parallel_loop3A_664 = arith.constant 48 : index
        %parallel_loop3A_665 = tpu.vector_load %arg8[%parallel_loop3A_662, %parallel_loop3A_663, %parallel_loop3A_664] {strides = array<i32>} : memref<4x128x64xf32, #tpu.memory_space<vmem>>, vector<16xf32>,
        %parallel_loop3A_666 = arith.addf %parallel_loop3A_665, %get3A_407 : vector<16xf32>
        tpu.vector_store_idx %arg9[%broadcast_in_dim3A_229, %select_n3A_130, %select_n3A_228, %parallel_loop3A_642], %parallel_loop3A_666 : memref<4x8x8x129xf32, #tpu.memory_space<vmem>>[vector<16xi32>, vector<16xi32>, vector<16xi32>, vector<16xi32>], vector<16xf32>,
      } {sc.loop_unroll_factor = 8 : i64, sc.parallel_access}
      %dma_start3A_410 = arith.constant 0 : i32
      %dma_start3A_411 = arith.constant 0 : i32
      %dma_start3A_412 = arith.constant 0 : i32
      %dma_start3A_413 = arith.constant 0 : i32
      %dma_start3A_414 = arith.constant 0 : i32
      %dma_start3A_415 = tpu.memref_slice %arg9[%dma_start3A_410, %dma_start3A_412, %dma_start3A_413, %dma_start3A_414] : memref<4x8x8x129xf32, #tpu.memory_space<vmem>> -> memref<1x8x8x128xf32, #tpu.memory_space<vmem>>
      %dma_start3A_416 = tpu.memref_squeeze %dma_start3A_415 : memref<1x8x8x128xf32, #tpu.memory_space<vmem>> -> memref<8x8x128xf32, #tpu.memory_space<vmem>>
      %dma_start3A_417 = arith.constant 0 : i32
      %dma_start3A_418 = arith.constant 0 : i32
      %dma_start3A_419 = arith.constant 0 : i32
      %dma_start3A_420 = tpu.memref_slice %arg5[%add3A_373, %dma_start3A_417, %add3A, %dma_start3A_418, %dma_start3A_419] : memref<200x8x32x8x128xf32, #tpu.memory_space<hbm>> -> memref<1x8x1x8x128xf32, #tpu.memory_space<hbm>>
      %dma_start3A_421 = tpu.memref_squeeze %dma_start3A_420 : memref<1x8x1x8x128xf32, #tpu.memory_space<hbm>> -> memref<8x8x128xf32, #tpu.memory_space<hbm>>
      %dma_start3A_422 = tpu.memref_slice %arg11[%dma_start3A_411] : memref<4x!tpu.dma_semaphore, #tpu.memory_space<semaphore_mem>> -> memref<1x!tpu.dma_semaphore, #tpu.memory_space<semaphore_mem>>
      %dma_start3A_423 = tpu.memref_squeeze %dma_start3A_422 : memref<1x!tpu.dma_semaphore, #tpu.memory_space<semaphore_mem>> -> memref<!tpu.dma_semaphore, #tpu.memory_space<semaphore_mem>>
      %dma_start3A_424 = arith.constant 0 : i32
      %dma_start3A_425 = arith.constant 0 : i32
      %dma_start3A_426 = arith.constant 0 : i32
      %dma_start3A_427 = tpu.memref_slice %arg5[%add3A_373, %dma_start3A_424, %add3A, %dma_start3A_425, %dma_start3A_426] : memref<200x8x32x8x128xf32, #tpu.memory_space<hbm>> -> memref<1x8x1x8x128xf32, #tpu.memory_space<hbm>>
      %dma_start3A_428 = tpu.memref_squeeze %dma_start3A_427 : memref<1x8x1x8x128xf32, #tpu.memory_space<hbm>> -> memref<8x8x128xf32, #tpu.memory_space<hbm>>
      %dma_start3A_429 = arith.constant 0 : i32
      %dma_start3A_430 = arith.constant 0 : i32
      %dma_start3A_431 = arith.constant 0 : i32
      %dma_start3A_432 = tpu.memref_slice %arg9[%dma_start3A_410, %dma_start3A_429, %dma_start3A_430, %dma_start3A_431] : memref<4x8x8x129xf32, #tpu.memory_space<vmem>> -> memref<1x8x8x128xf32, #tpu.memory_space<vmem>>
      %dma_start3A_433 = tpu.memref_squeeze %dma_start3A_432 : memref<1x8x8x128xf32, #tpu.memory_space<vmem>> -> memref<8x8x128xf32, #tpu.memory_space<vmem>>
      tpu.enqueue_dma source(%dma_start3A_433 : memref<8x8x128xf32, #tpu.memory_space<vmem>>) target(%dma_start3A_428 : memref<8x8x128xf32, #tpu.memory_space<hbm>>) target_semaphore(%dma_start3A_423 : memref<!tpu.dma_semaphore, #tpu.memory_space<semaphore_mem>>)
      %mul3A_434 = arith.constant 4 : i32
      %mul3A_435 = arith.muli %mul3A_434, %scan3A_369 : i32
      %add3A_436 = arith.constant 1 : i32
      %add3A_437 = arith.addi %mul3A_435, %add3A_436 : i32
      %dma_wait3A_438 = arith.constant 1 : i32
      %dma_wait3A_439 = arith.constant 1 : i32
      %dma_wait3A_440 = arith.constant 0 : i32
      %dma_wait3A_441 = arith.constant 0 : i32
      %dma_wait3A_442 = tpu.memref_slice %arg8[%dma_wait3A_438, %dma_wait3A_440, %dma_wait3A_441] : memref<4x128x64xf32, #tpu.memory_space<vmem>> -> memref<1x128x64xf32, #tpu.memory_space<vmem>>
      %dma_wait3A_443 = tpu.memref_squeeze %dma_wait3A_442 : memref<1x128x64xf32, #tpu.memory_space<vmem>> -> memref<128x64xf32, #tpu.memory_space<vmem>>
      %dma_wait3A_444 = arith.constant 0 : i32
      %dma_wait3A_445 = tpu.memref_slice %arg7[%add3A_437, %dma_wait3A_444] : memref<200x128xi32, #tpu.memory_space<vmem>> -> memref<1x128xi32, #tpu.memory_space<vmem>>
      %dma_wait3A_446 = tpu.memref_squeeze %dma_wait3A_445 : memref<1x128xi32, #tpu.memory_space<vmem>> -> memref<128xi32, #tpu.memory_space<vmem>>
      %dma_wait3A_447 = arith.constant 0 : i32
      %dma_wait3A_448 = arith.constant 0 : i32
      %dma_wait3A_449 = tpu.memref_slice %arg3[%dma_wait3A_447, %dma_wait3A_448] : memref<1000000x64xf32, #tpu.memory_space<hbm>> -> memref<1000000x64xf32, #tpu.memory_space<hbm>>
      %dma_wait3A_450 = tpu.memref_slice %arg10[%dma_wait3A_439] : memref<4x!tpu.dma_semaphore, #tpu.memory_space<semaphore_mem>> -> memref<1x!tpu.dma_semaphore, #tpu.memory_space<semaphore_mem>>
      %dma_wait3A_451 = tpu.memref_squeeze %dma_wait3A_450 : memref<1x!tpu.dma_semaphore, #tpu.memory_space<semaphore_mem>> -> memref<!tpu.dma_semaphore, #tpu.memory_space<semaphore_mem>>
      tpu.wait_indirect_dma semaphore(%dma_wait3A_451 : memref<!tpu.dma_semaphore, #tpu.memory_space<semaphore_mem>>) src(%dma_wait3A_449 : memref<1000000x64xf32, #tpu.memory_space<hbm>>) dst(%dma_wait3A_443 : memref<128x64xf32, #tpu.memory_space<vmem>>)
      %add3A_452 = arith.constant 2 : i32
      %add3A_453 = arith.addi %add3A_437, %add3A_452 : i32
      %lt3A_454 = arith.constant 200 : i32
      %lt3A_455 = arith.cmpi slt, %add3A_453, %lt3A_454 : i32
      %convert_element_type3A_456 = arith.extui %lt3A_455 : i1 to i32
      %cond3A_457 = arith.constant 0 : i32
      %cond3A_458 = arith.cmpi ne, %convert_element_type3A_456, %cond3A_457 : i32
      scf.if %cond3A_458 {
        %add3A_641 = arith.constant 2 : i32
        %add3A_642 = arith.addi %add3A_437, %add3A_641 : i32
        %dma_start3A_643 = arith.constant 3 : i32
        %dma_start3A_644 = arith.constant 3 : i32
        %dma_start3A_645 = arith.constant 0 : i32
        %dma_start3A_646 = arith.constant 0 : i32
        %dma_start3A_647 = tpu.memref_slice %arg8[%dma_start3A_643, %dma_start3A_645, %dma_start3A_646] : memref<4x128x64xf32, #tpu.memory_space<vmem>> -> memref<1x128x64xf32, #tpu.memory_space<vmem>>
        %dma_start3A_648 = tpu.memref_squeeze %dma_start3A_647 : memref<1x128x64xf32, #tpu.memory_space<vmem>> -> memref<128x64xf32, #tpu.memory_space<vmem>>
        %dma_start3A_649 = arith.constant 0 : i32
        %dma_start3A_650 = tpu.memref_slice %arg7[%add3A_642, %dma_start3A_649] : memref<200x128xi32, #tpu.memory_space<vmem>> -> memref<1x128xi32, #tpu.memory_space<vmem>>
        %dma_start3A_651 = tpu.memref_squeeze %dma_start3A_650 : memref<1x128xi32, #tpu.memory_space<vmem>> -> memref<128xi32, #tpu.memory_space<vmem>>
        %dma_start3A_652 = arith.constant 0 : i32
        %dma_start3A_653 = arith.constant 0 : i32
        %dma_start3A_654 = tpu.memref_slice %arg3[%dma_start3A_652, %dma_start3A_653] : memref<1000000x64xf32, #tpu.memory_space<hbm>> -> memref<1000000x64xf32, #tpu.memory_space<hbm>>
        %dma_start3A_655 = tpu.memref_slice %arg10[%dma_start3A_644] : memref<4x!tpu.dma_semaphore, #tpu.memory_space<semaphore_mem>> -> memref<1x!tpu.dma_semaphore, #tpu.memory_space<semaphore_mem>>
        %dma_start3A_656 = tpu.memref_squeeze %dma_start3A_655 : memref<1x!tpu.dma_semaphore, #tpu.memory_space<semaphore_mem>> -> memref<!tpu.dma_semaphore, #tpu.memory_space<semaphore_mem>>
        tpu.enqueue_indirect_dma source(%dma_start3A_654 : memref<1000000x64xf32, #tpu.memory_space<hbm>>) target(%dma_start3A_648 : memref<128x64xf32, #tpu.memory_space<vmem>>) offsets(%dma_start3A_651 : memref<128xi32, #tpu.memory_space<vmem>>) semaphore(%dma_start3A_656 : memref<!tpu.dma_semaphore, #tpu.memory_space<semaphore_mem>>)
      } else {
      }
      %gt3A_459 = arith.constant 0 : i32
      %gt3A_460 = arith.cmpi sgt, %scan3A_369, %gt3A_459 : i32
      %convert_element_type3A_461 = arith.extui %gt3A_460 : i1 to i32
      %cond3A_462 = arith.constant 0 : i32
      %cond3A_463 = arith.cmpi ne, %convert_element_type3A_461, %cond3A_462 : i32
      scf.if %cond3A_463 {
        %sub3A_641 = arith.constant 4 : i32
        %sub3A_642 = arith.subi %add3A_437, %sub3A_641 : i32
        %dma_wait3A_643 = arith.constant 1 : i32
        %dma_wait3A_644 = arith.constant 1 : i32
        %dma_wait3A_645 = arith.constant 0 : i32
        %dma_wait3A_646 = arith.constant 0 : i32
        %dma_wait3A_647 = arith.constant 0 : i32
        %dma_wait3A_648 = tpu.memref_slice %arg9[%dma_wait3A_643, %dma_wait3A_645, %dma_wait3A_646, %dma_wait3A_647] : memref<4x8x8x129xf32, #tpu.memory_space<vmem>> -> memref<1x8x8x128xf32, #tpu.memory_space<vmem>>
        %dma_wait3A_649 = tpu.memref_squeeze %dma_wait3A_648 : memref<1x8x8x128xf32, #tpu.memory_space<vmem>> -> memref<8x8x128xf32, #tpu.memory_space<vmem>>
        %dma_wait3A_650 = arith.constant 0 : i32
        %dma_wait3A_651 = arith.constant 0 : i32
        %dma_wait3A_652 = arith.constant 0 : i32
        %dma_wait3A_653 = tpu.memref_slice %arg5[%sub3A_642, %dma_wait3A_650, %add3A, %dma_wait3A_651, %dma_wait3A_652] : memref<200x8x32x8x128xf32, #tpu.memory_space<hbm>> -> memref<1x8x1x8x128xf32, #tpu.memory_space<hbm>>
        %dma_wait3A_654 = tpu.memref_squeeze %dma_wait3A_653 : memref<1x8x1x8x128xf32, #tpu.memory_space<hbm>> -> memref<8x8x128xf32, #tpu.memory_space<hbm>>
        %dma_wait3A_655 = tpu.memref_slice %arg11[%dma_wait3A_644] : memref<4x!tpu.dma_semaphore, #tpu.memory_space<semaphore_mem>> -> memref<1x!tpu.dma_semaphore, #tpu.memory_space<semaphore_mem>>
        %dma_wait3A_656 = tpu.memref_squeeze %dma_wait3A_655 : memref<1x!tpu.dma_semaphore, #tpu.memory_space<semaphore_mem>> -> memref<!tpu.dma_semaphore, #tpu.memory_space<semaphore_mem>>
        %dma_wait3A_657 = arith.constant 0 : i32
        %dma_wait3A_658 = arith.constant 0 : i32
        %dma_wait3A_659 = arith.constant 0 : i32
        %dma_wait3A_660 = tpu.memref_slice %arg5[%sub3A_642, %dma_wait3A_657, %add3A, %dma_wait3A_658, %dma_wait3A_659] : memref<200x8x32x8x128xf32, #tpu.memory_space<hbm>> -> memref<1x8x1x8x128xf32, #tpu.memory_space<hbm>>
        %dma_wait3A_661 = tpu.memref_squeeze %dma_wait3A_660 : memref<1x8x1x8x128xf32, #tpu.memory_space<hbm>> -> memref<8x8x128xf32, #tpu.memory_space<hbm>>
        %dma_wait3A_662 = arith.constant 0 : i32
        %dma_wait3A_663 = arith.constant 0 : i32
        %dma_wait3A_664 = arith.constant 0 : i32
        %dma_wait3A_665 = tpu.memref_slice %arg9[%dma_wait3A_643, %dma_wait3A_662, %dma_wait3A_663, %dma_wait3A_664] : memref<4x8x8x129xf32, #tpu.memory_space<vmem>> -> memref<1x8x8x128xf32, #tpu.memory_space<vmem>>
        %dma_wait3A_666 = tpu.memref_squeeze %dma_wait3A_665 : memref<1x8x8x128xf32, #tpu.memory_space<vmem>> -> memref<8x8x128xf32, #tpu.memory_space<vmem>>
        tpu.wait_dma2 semaphore(%dma_wait3A_656 : memref<!tpu.dma_semaphore, #tpu.memory_space<semaphore_mem>>) src(%dma_wait3A_666 : memref<8x8x128xf32, #tpu.memory_space<vmem>>) dst(%dma_wait3A_661 : memref<8x8x128xf32, #tpu.memory_space<hbm>>)
      } else {
      }
      %get3A_464 = arith.index_cast %add3A_437 : i32 to index
      %get3A_465 = arith.constant 0 : index
      %get3A_466 = tpu.vector_load %arg6[%get3A_464, %get3A_465] {strides = array<i32>} : memref<200x64xf32, #tpu.memory_space<vmem>>, vector<16xf32>,
      %get3A_467 = arith.index_cast %add3A_437 : i32 to index
      %get3A_468 = arith.constant 16 : index
      %get3A_469 = tpu.vector_load %arg6[%get3A_467, %get3A_468] {strides = array<i32>} : memref<200x64xf32, #tpu.memory_space<vmem>>, vector<16xf32>,
      %get3A_470 = arith.index_cast %add3A_437 : i32 to index
      %get3A_471 = arith.constant 32 : index
      %get3A_472 = tpu.vector_load %arg6[%get3A_470, %get3A_471] {strides = array<i32>} : memref<200x64xf32, #tpu.memory_space<vmem>>, vector<16xf32>,
      %get3A_473 = arith.index_cast %add3A_437 : i32 to index
      %get3A_474 = arith.constant 48 : index
      %get3A_475 = tpu.vector_load %arg6[%get3A_473, %get3A_474] {strides = array<i32>} : memref<200x64xf32, #tpu.memory_space<vmem>>, vector<16xf32>,
      %parallel_loop3A_476 = arith.constant 0 : i32
      %parallel_loop3A_477 = arith.constant 128 : i32
      %parallel_loop3A_478 = arith.constant 1 : i32
      scf.for %parallel_loop3A_641 = %parallel_loop3A_476 to %parallel_loop3A_477 step %parallel_loop3A_478  : i32 {
        %parallel_loop3A_642 = vector.broadcast %parallel_loop3A_641 : i32 to vector<16xi32>
        %parallel_loop3A_643 = arith.constant 1 : i32
        %parallel_loop3A_644 = arith.index_cast %parallel_loop3A_643 : i32 to index
        %parallel_loop3A_645 = arith.index_cast %parallel_loop3A_641 : i32 to index
        %parallel_loop3A_646 = arith.constant 0 : index
        %parallel_loop3A_647 = tpu.vector_load %arg8[%parallel_loop3A_644, %parallel_loop3A_645, %parallel_loop3A_646] {strides = array<i32>} : memref<4x128x64xf32, #tpu.memory_space<vmem>>, vector<16xf32>,
        %parallel_loop3A_648 = arith.addf %parallel_loop3A_647, %get3A_466 : vector<16xf32>
        tpu.vector_store_idx %arg9[%broadcast_in_dim3A_231, %select_n3A, %select_n3A_153, %parallel_loop3A_642], %parallel_loop3A_648 : memref<4x8x8x129xf32, #tpu.memory_space<vmem>>[vector<16xi32>, vector<16xi32>, vector<16xi32>, vector<16xi32>], vector<16xf32>,
        %parallel_loop3A_649 = arith.constant 1 : i32
        %parallel_loop3A_650 = arith.index_cast %parallel_loop3A_649 : i32 to index
        %parallel_loop3A_651 = arith.index_cast %parallel_loop3A_641 : i32 to index
        %parallel_loop3A_652 = arith.constant 16 : index
        %parallel_loop3A_653 = tpu.vector_load %arg8[%parallel_loop3A_650, %parallel_loop3A_651, %parallel_loop3A_652] {strides = array<i32>} : memref<4x128x64xf32, #tpu.memory_space<vmem>>, vector<16xf32>,
        %parallel_loop3A_654 = arith.addf %parallel_loop3A_653, %get3A_469 : vector<16xf32>
        tpu.vector_store_idx %arg9[%broadcast_in_dim3A_231, %select_n3A_62, %select_n3A_178, %parallel_loop3A_642], %parallel_loop3A_654 : memref<4x8x8x129xf32, #tpu.memory_space<vmem>>[vector<16xi32>, vector<16xi32>, vector<16xi32>, vector<16xi32>], vector<16xf32>,
        %parallel_loop3A_655 = arith.constant 1 : i32
        %parallel_loop3A_656 = arith.index_cast %parallel_loop3A_655 : i32 to index
        %parallel_loop3A_657 = arith.index_cast %parallel_loop3A_641 : i32 to index
        %parallel_loop3A_658 = arith.constant 32 : index
        %parallel_loop3A_659 = tpu.vector_load %arg8[%parallel_loop3A_656, %parallel_loop3A_657, %parallel_loop3A_658] {strides = array<i32>} : memref<4x128x64xf32, #tpu.memory_space<vmem>>, vector<16xf32>,
        %parallel_loop3A_660 = arith.addf %parallel_loop3A_659, %get3A_472 : vector<16xf32>
        tpu.vector_store_idx %arg9[%broadcast_in_dim3A_231, %select_n3A_96, %select_n3A_203, %parallel_loop3A_642], %parallel_loop3A_660 : memref<4x8x8x129xf32, #tpu.memory_space<vmem>>[vector<16xi32>, vector<16xi32>, vector<16xi32>, vector<16xi32>], vector<16xf32>,
        %parallel_loop3A_661 = arith.constant 1 : i32
        %parallel_loop3A_662 = arith.index_cast %parallel_loop3A_661 : i32 to index
        %parallel_loop3A_663 = arith.index_cast %parallel_loop3A_641 : i32 to index
        %parallel_loop3A_664 = arith.constant 48 : index
        %parallel_loop3A_665 = tpu.vector_load %arg8[%parallel_loop3A_662, %parallel_loop3A_663, %parallel_loop3A_664] {strides = array<i32>} : memref<4x128x64xf32, #tpu.memory_space<vmem>>, vector<16xf32>,
        %parallel_loop3A_666 = arith.addf %parallel_loop3A_665, %get3A_475 : vector<16xf32>
        tpu.vector_store_idx %arg9[%broadcast_in_dim3A_231, %select_n3A_130, %select_n3A_228, %parallel_loop3A_642], %parallel_loop3A_666 : memref<4x8x8x129xf32, #tpu.memory_space<vmem>>[vector<16xi32>, vector<16xi32>, vector<16xi32>, vector<16xi32>], vector<16xf32>,
      } {sc.loop_unroll_factor = 8 : i64, sc.parallel_access}
      %dma_start3A_479 = arith.constant 1 : i32
      %dma_start3A_480 = arith.constant 1 : i32
      %dma_start3A_481 = arith.constant 0 : i32
      %dma_start3A_482 = arith.constant 0 : i32
      %dma_start3A_483 = arith.constant 0 : i32
      %dma_start3A_484 = tpu.memref_slice %arg9[%dma_start3A_479, %dma_start3A_481, %dma_start3A_482, %dma_start3A_483] : memref<4x8x8x129xf32, #tpu.memory_space<vmem>> -> memref<1x8x8x128xf32, #tpu.memory_space<vmem>>
      %dma_start3A_485 = tpu.memref_squeeze %dma_start3A_484 : memref<1x8x8x128xf32, #tpu.memory_space<vmem>> -> memref<8x8x128xf32, #tpu.memory_space<vmem>>
      %dma_start3A_486 = arith.constant 0 : i32
      %dma_start3A_487 = arith.constant 0 : i32
      %dma_start3A_488 = arith.constant 0 : i32
      %dma_start3A_489 = tpu.memref_slice %arg5[%add3A_437, %dma_start3A_486, %add3A, %dma_start3A_487, %dma_start3A_488] : memref<200x8x32x8x128xf32, #tpu.memory_space<hbm>> -> memref<1x8x1x8x128xf32, #tpu.memory_space<hbm>>
      %dma_start3A_490 = tpu.memref_squeeze %dma_start3A_489 : memref<1x8x1x8x128xf32, #tpu.memory_space<hbm>> -> memref<8x8x128xf32, #tpu.memory_space<hbm>>
      %dma_start3A_491 = tpu.memref_slice %arg11[%dma_start3A_480] : memref<4x!tpu.dma_semaphore, #tpu.memory_space<semaphore_mem>> -> memref<1x!tpu.dma_semaphore, #tpu.memory_space<semaphore_mem>>
      %dma_start3A_492 = tpu.memref_squeeze %dma_start3A_491 : memref<1x!tpu.dma_semaphore, #tpu.memory_space<semaphore_mem>> -> memref<!tpu.dma_semaphore, #tpu.memory_space<semaphore_mem>>
      %dma_start3A_493 = arith.constant 0 : i32
      %dma_start3A_494 = arith.constant 0 : i32
      %dma_start3A_495 = arith.constant 0 : i32
      %dma_start3A_496 = tpu.memref_slice %arg5[%add3A_437, %dma_start3A_493, %add3A, %dma_start3A_494, %dma_start3A_495] : memref<200x8x32x8x128xf32, #tpu.memory_space<hbm>> -> memref<1x8x1x8x128xf32, #tpu.memory_space<hbm>>
      %dma_start3A_497 = tpu.memref_squeeze %dma_start3A_496 : memref<1x8x1x8x128xf32, #tpu.memory_space<hbm>> -> memref<8x8x128xf32, #tpu.memory_space<hbm>>
      %dma_start3A_498 = arith.constant 0 : i32
      %dma_start3A_499 = arith.constant 0 : i32
      %dma_start3A_500 = arith.constant 0 : i32
      %dma_start3A_501 = tpu.memref_slice %arg9[%dma_start3A_479, %dma_start3A_498, %dma_start3A_499, %dma_start3A_500] : memref<4x8x8x129xf32, #tpu.memory_space<vmem>> -> memref<1x8x8x128xf32, #tpu.memory_space<vmem>>
      %dma_start3A_502 = tpu.memref_squeeze %dma_start3A_501 : memref<1x8x8x128xf32, #tpu.memory_space<vmem>> -> memref<8x8x128xf32, #tpu.memory_space<vmem>>
      tpu.enqueue_dma source(%dma_start3A_502 : memref<8x8x128xf32, #tpu.memory_space<vmem>>) target(%dma_start3A_497 : memref<8x8x128xf32, #tpu.memory_space<hbm>>) target_semaphore(%dma_start3A_492 : memref<!tpu.dma_semaphore, #tpu.memory_space<semaphore_mem>>)
      %mul3A_503 = arith.constant 4 : i32
      %mul3A_504 = arith.muli %mul3A_503, %scan3A_369 : i32
      %add3A_505 = arith.constant 2 : i32
      %add3A_506 = arith.addi %mul3A_504, %add3A_505 : i32
      %dma_wait3A_507 = arith.constant 2 : i32
      %dma_wait3A_508 = arith.constant 2 : i32
      %dma_wait3A_509 = arith.constant 0 : i32
      %dma_wait3A_510 = arith.constant 0 : i32
      %dma_wait3A_511 = tpu.memref_slice %arg8[%dma_wait3A_507, %dma_wait3A_509, %dma_wait3A_510] : memref<4x128x64xf32, #tpu.memory_space<vmem>> -> memref<1x128x64xf32, #tpu.memory_space<vmem>>
      %dma_wait3A_512 = tpu.memref_squeeze %dma_wait3A_511 : memref<1x128x64xf32, #tpu.memory_space<vmem>> -> memref<128x64xf32, #tpu.memory_space<vmem>>
      %dma_wait3A_513 = arith.constant 0 : i32
      %dma_wait3A_514 = tpu.memref_slice %arg7[%add3A_506, %dma_wait3A_513] : memref<200x128xi32, #tpu.memory_space<vmem>> -> memref<1x128xi32, #tpu.memory_space<vmem>>
      %dma_wait3A_515 = tpu.memref_squeeze %dma_wait3A_514 : memref<1x128xi32, #tpu.memory_space<vmem>> -> memref<128xi32, #tpu.memory_space<vmem>>
      %dma_wait3A_516 = arith.constant 0 : i32
      %dma_wait3A_517 = arith.constant 0 : i32
      %dma_wait3A_518 = tpu.memref_slice %arg3[%dma_wait3A_516, %dma_wait3A_517] : memref<1000000x64xf32, #tpu.memory_space<hbm>> -> memref<1000000x64xf32, #tpu.memory_space<hbm>>
      %dma_wait3A_519 = tpu.memref_slice %arg10[%dma_wait3A_508] : memref<4x!tpu.dma_semaphore, #tpu.memory_space<semaphore_mem>> -> memref<1x!tpu.dma_semaphore, #tpu.memory_space<semaphore_mem>>
      %dma_wait3A_520 = tpu.memref_squeeze %dma_wait3A_519 : memref<1x!tpu.dma_semaphore, #tpu.memory_space<semaphore_mem>> -> memref<!tpu.dma_semaphore, #tpu.memory_space<semaphore_mem>>
      tpu.wait_indirect_dma semaphore(%dma_wait3A_520 : memref<!tpu.dma_semaphore, #tpu.memory_space<semaphore_mem>>) src(%dma_wait3A_518 : memref<1000000x64xf32, #tpu.memory_space<hbm>>) dst(%dma_wait3A_512 : memref<128x64xf32, #tpu.memory_space<vmem>>)
      %add3A_521 = arith.constant 2 : i32
      %add3A_522 = arith.addi %add3A_506, %add3A_521 : i32
      %lt3A_523 = arith.constant 200 : i32
      %lt3A_524 = arith.cmpi slt, %add3A_522, %lt3A_523 : i32
      %convert_element_type3A_525 = arith.extui %lt3A_524 : i1 to i32
      %cond3A_526 = arith.constant 0 : i32
      %cond3A_527 = arith.cmpi ne, %convert_element_type3A_525, %cond3A_526 : i32
      scf.if %cond3A_527 {
        %add3A_641 = arith.constant 2 : i32
        %add3A_642 = arith.addi %add3A_506, %add3A_641 : i32
        %dma_start3A_643 = arith.constant 0 : i32
        %dma_start3A_644 = arith.constant 0 : i32
        %dma_start3A_645 = arith.constant 0 : i32
        %dma_start3A_646 = arith.constant 0 : i32
        %dma_start3A_647 = tpu.memref_slice %arg8[%dma_start3A_643, %dma_start3A_645, %dma_start3A_646] : memref<4x128x64xf32, #tpu.memory_space<vmem>> -> memref<1x128x64xf32, #tpu.memory_space<vmem>>
        %dma_start3A_648 = tpu.memref_squeeze %dma_start3A_647 : memref<1x128x64xf32, #tpu.memory_space<vmem>> -> memref<128x64xf32, #tpu.memory_space<vmem>>
        %dma_start3A_649 = arith.constant 0 : i32
        %dma_start3A_650 = tpu.memref_slice %arg7[%add3A_642, %dma_start3A_649] : memref<200x128xi32, #tpu.memory_space<vmem>> -> memref<1x128xi32, #tpu.memory_space<vmem>>
        %dma_start3A_651 = tpu.memref_squeeze %dma_start3A_650 : memref<1x128xi32, #tpu.memory_space<vmem>> -> memref<128xi32, #tpu.memory_space<vmem>>
        %dma_start3A_652 = arith.constant 0 : i32
        %dma_start3A_653 = arith.constant 0 : i32
        %dma_start3A_654 = tpu.memref_slice %arg3[%dma_start3A_652, %dma_start3A_653] : memref<1000000x64xf32, #tpu.memory_space<hbm>> -> memref<1000000x64xf32, #tpu.memory_space<hbm>>
        %dma_start3A_655 = tpu.memref_slice %arg10[%dma_start3A_644] : memref<4x!tpu.dma_semaphore, #tpu.memory_space<semaphore_mem>> -> memref<1x!tpu.dma_semaphore, #tpu.memory_space<semaphore_mem>>
        %dma_start3A_656 = tpu.memref_squeeze %dma_start3A_655 : memref<1x!tpu.dma_semaphore, #tpu.memory_space<semaphore_mem>> -> memref<!tpu.dma_semaphore, #tpu.memory_space<semaphore_mem>>
        tpu.enqueue_indirect_dma source(%dma_start3A_654 : memref<1000000x64xf32, #tpu.memory_space<hbm>>) target(%dma_start3A_648 : memref<128x64xf32, #tpu.memory_space<vmem>>) offsets(%dma_start3A_651 : memref<128xi32, #tpu.memory_space<vmem>>) semaphore(%dma_start3A_656 : memref<!tpu.dma_semaphore, #tpu.memory_space<semaphore_mem>>)
      } else {
      }
      %gt3A_528 = arith.constant 0 : i32
      %gt3A_529 = arith.cmpi sgt, %scan3A_369, %gt3A_528 : i32
      %convert_element_type3A_530 = arith.extui %gt3A_529 : i1 to i32
      %cond3A_531 = arith.constant 0 : i32
      %cond3A_532 = arith.cmpi ne, %convert_element_type3A_530, %cond3A_531 : i32
      scf.if %cond3A_532 {
        %sub3A_641 = arith.constant 4 : i32
        %sub3A_642 = arith.subi %add3A_506, %sub3A_641 : i32
        %dma_wait3A_643 = arith.constant 2 : i32
        %dma_wait3A_644 = arith.constant 2 : i32
        %dma_wait3A_645 = arith.constant 0 : i32
        %dma_wait3A_646 = arith.constant 0 : i32
        %dma_wait3A_647 = arith.constant 0 : i32
        %dma_wait3A_648 = tpu.memref_slice %arg9[%dma_wait3A_643, %dma_wait3A_645, %dma_wait3A_646, %dma_wait3A_647] : memref<4x8x8x129xf32, #tpu.memory_space<vmem>> -> memref<1x8x8x128xf32, #tpu.memory_space<vmem>>
        %dma_wait3A_649 = tpu.memref_squeeze %dma_wait3A_648 : memref<1x8x8x128xf32, #tpu.memory_space<vmem>> -> memref<8x8x128xf32, #tpu.memory_space<vmem>>
        %dma_wait3A_650 = arith.constant 0 : i32
        %dma_wait3A_651 = arith.constant 0 : i32
        %dma_wait3A_652 = arith.constant 0 : i32
        %dma_wait3A_653 = tpu.memref_slice %arg5[%sub3A_642, %dma_wait3A_650, %add3A, %dma_wait3A_651, %dma_wait3A_652] : memref<200x8x32x8x128xf32, #tpu.memory_space<hbm>> -> memref<1x8x1x8x128xf32, #tpu.memory_space<hbm>>
        %dma_wait3A_654 = tpu.memref_squeeze %dma_wait3A_653 : memref<1x8x1x8x128xf32, #tpu.memory_space<hbm>> -> memref<8x8x128xf32, #tpu.memory_space<hbm>>
        %dma_wait3A_655 = tpu.memref_slice %arg11[%dma_wait3A_644] : memref<4x!tpu.dma_semaphore, #tpu.memory_space<semaphore_mem>> -> memref<1x!tpu.dma_semaphore, #tpu.memory_space<semaphore_mem>>
        %dma_wait3A_656 = tpu.memref_squeeze %dma_wait3A_655 : memref<1x!tpu.dma_semaphore, #tpu.memory_space<semaphore_mem>> -> memref<!tpu.dma_semaphore, #tpu.memory_space<semaphore_mem>>
        %dma_wait3A_657 = arith.constant 0 : i32
        %dma_wait3A_658 = arith.constant 0 : i32
        %dma_wait3A_659 = arith.constant 0 : i32
        %dma_wait3A_660 = tpu.memref_slice %arg5[%sub3A_642, %dma_wait3A_657, %add3A, %dma_wait3A_658, %dma_wait3A_659] : memref<200x8x32x8x128xf32, #tpu.memory_space<hbm>> -> memref<1x8x1x8x128xf32, #tpu.memory_space<hbm>>
        %dma_wait3A_661 = tpu.memref_squeeze %dma_wait3A_660 : memref<1x8x1x8x128xf32, #tpu.memory_space<hbm>> -> memref<8x8x128xf32, #tpu.memory_space<hbm>>
        %dma_wait3A_662 = arith.constant 0 : i32
        %dma_wait3A_663 = arith.constant 0 : i32
        %dma_wait3A_664 = arith.constant 0 : i32
        %dma_wait3A_665 = tpu.memref_slice %arg9[%dma_wait3A_643, %dma_wait3A_662, %dma_wait3A_663, %dma_wait3A_664] : memref<4x8x8x129xf32, #tpu.memory_space<vmem>> -> memref<1x8x8x128xf32, #tpu.memory_space<vmem>>
        %dma_wait3A_666 = tpu.memref_squeeze %dma_wait3A_665 : memref<1x8x8x128xf32, #tpu.memory_space<vmem>> -> memref<8x8x128xf32, #tpu.memory_space<vmem>>
        tpu.wait_dma2 semaphore(%dma_wait3A_656 : memref<!tpu.dma_semaphore, #tpu.memory_space<semaphore_mem>>) src(%dma_wait3A_666 : memref<8x8x128xf32, #tpu.memory_space<vmem>>) dst(%dma_wait3A_661 : memref<8x8x128xf32, #tpu.memory_space<hbm>>)
      } else {
      }
      %get3A_533 = arith.index_cast %add3A_506 : i32 to index
      %get3A_534 = arith.constant 0 : index
      %get3A_535 = tpu.vector_load %arg6[%get3A_533, %get3A_534] {strides = array<i32>} : memref<200x64xf32, #tpu.memory_space<vmem>>, vector<16xf32>,
      %get3A_536 = arith.index_cast %add3A_506 : i32 to index
      %get3A_537 = arith.constant 16 : index
      %get3A_538 = tpu.vector_load %arg6[%get3A_536, %get3A_537] {strides = array<i32>} : memref<200x64xf32, #tpu.memory_space<vmem>>, vector<16xf32>,
      %get3A_539 = arith.index_cast %add3A_506 : i32 to index
      %get3A_540 = arith.constant 32 : index
      %get3A_541 = tpu.vector_load %arg6[%get3A_539, %get3A_540] {strides = array<i32>} : memref<200x64xf32, #tpu.memory_space<vmem>>, vector<16xf32>,
      %get3A_542 = arith.index_cast %add3A_506 : i32 to index
      %get3A_543 = arith.constant 48 : index
      %get3A_544 = tpu.vector_load %arg6[%get3A_542, %get3A_543] {strides = array<i32>} : memref<200x64xf32, #tpu.memory_space<vmem>>, vector<16xf32>,
      %parallel_loop3A_545 = arith.constant 0 : i32
      %parallel_loop3A_546 = arith.constant 128 : i32
      %parallel_loop3A_547 = arith.constant 1 : i32
      scf.for %parallel_loop3A_641 = %parallel_loop3A_545 to %parallel_loop3A_546 step %parallel_loop3A_547  : i32 {
        %parallel_loop3A_642 = vector.broadcast %parallel_loop3A_641 : i32 to vector<16xi32>
        %parallel_loop3A_643 = arith.constant 2 : i32
        %parallel_loop3A_644 = arith.index_cast %parallel_loop3A_643 : i32 to index
        %parallel_loop3A_645 = arith.index_cast %parallel_loop3A_641 : i32 to index
        %parallel_loop3A_646 = arith.constant 0 : index
        %parallel_loop3A_647 = tpu.vector_load %arg8[%parallel_loop3A_644, %parallel_loop3A_645, %parallel_loop3A_646] {strides = array<i32>} : memref<4x128x64xf32, #tpu.memory_space<vmem>>, vector<16xf32>,
        %parallel_loop3A_648 = arith.addf %parallel_loop3A_647, %get3A_535 : vector<16xf32>
        tpu.vector_store_idx %arg9[%broadcast_in_dim3A_233, %select_n3A, %select_n3A_153, %parallel_loop3A_642], %parallel_loop3A_648 : memref<4x8x8x129xf32, #tpu.memory_space<vmem>>[vector<16xi32>, vector<16xi32>, vector<16xi32>, vector<16xi32>], vector<16xf32>,
        %parallel_loop3A_649 = arith.constant 2 : i32
        %parallel_loop3A_650 = arith.index_cast %parallel_loop3A_649 : i32 to index
        %parallel_loop3A_651 = arith.index_cast %parallel_loop3A_641 : i32 to index
        %parallel_loop3A_652 = arith.constant 16 : index
        %parallel_loop3A_653 = tpu.vector_load %arg8[%parallel_loop3A_650, %parallel_loop3A_651, %parallel_loop3A_652] {strides = array<i32>} : memref<4x128x64xf32, #tpu.memory_space<vmem>>, vector<16xf32>,
        %parallel_loop3A_654 = arith.addf %parallel_loop3A_653, %get3A_538 : vector<16xf32>
        tpu.vector_store_idx %arg9[%broadcast_in_dim3A_233, %select_n3A_62, %select_n3A_178, %parallel_loop3A_642], %parallel_loop3A_654 : memref<4x8x8x129xf32, #tpu.memory_space<vmem>>[vector<16xi32>, vector<16xi32>, vector<16xi32>, vector<16xi32>], vector<16xf32>,
        %parallel_loop3A_655 = arith.constant 2 : i32
        %parallel_loop3A_656 = arith.index_cast %parallel_loop3A_655 : i32 to index
        %parallel_loop3A_657 = arith.index_cast %parallel_loop3A_641 : i32 to index
        %parallel_loop3A_658 = arith.constant 32 : index
        %parallel_loop3A_659 = tpu.vector_load %arg8[%parallel_loop3A_656, %parallel_loop3A_657, %parallel_loop3A_658] {strides = array<i32>} : memref<4x128x64xf32, #tpu.memory_space<vmem>>, vector<16xf32>,
        %parallel_loop3A_660 = arith.addf %parallel_loop3A_659, %get3A_541 : vector<16xf32>
        tpu.vector_store_idx %arg9[%broadcast_in_dim3A_233, %select_n3A_96, %select_n3A_203, %parallel_loop3A_642], %parallel_loop3A_660 : memref<4x8x8x129xf32, #tpu.memory_space<vmem>>[vector<16xi32>, vector<16xi32>, vector<16xi32>, vector<16xi32>], vector<16xf32>,
        %parallel_loop3A_661 = arith.constant 2 : i32
        %parallel_loop3A_662 = arith.index_cast %parallel_loop3A_661 : i32 to index
        %parallel_loop3A_663 = arith.index_cast %parallel_loop3A_641 : i32 to index
        %parallel_loop3A_664 = arith.constant 48 : index
        %parallel_loop3A_665 = tpu.vector_load %arg8[%parallel_loop3A_662, %parallel_loop3A_663, %parallel_loop3A_664] {strides = array<i32>} : memref<4x128x64xf32, #tpu.memory_space<vmem>>, vector<16xf32>,
        %parallel_loop3A_666 = arith.addf %parallel_loop3A_665, %get3A_544 : vector<16xf32>
        tpu.vector_store_idx %arg9[%broadcast_in_dim3A_233, %select_n3A_130, %select_n3A_228, %parallel_loop3A_642], %parallel_loop3A_666 : memref<4x8x8x129xf32, #tpu.memory_space<vmem>>[vector<16xi32>, vector<16xi32>, vector<16xi32>, vector<16xi32>], vector<16xf32>,
      } {sc.loop_unroll_factor = 8 : i64, sc.parallel_access}
      %dma_start3A_548 = arith.constant 2 : i32
      %dma_start3A_549 = arith.constant 2 : i32
      %dma_start3A_550 = arith.constant 0 : i32
      %dma_start3A_551 = arith.constant 0 : i32
      %dma_start3A_552 = arith.constant 0 : i32
      %dma_start3A_553 = tpu.memref_slice %arg9[%dma_start3A_548, %dma_start3A_550, %dma_start3A_551, %dma_start3A_552] : memref<4x8x8x129xf32, #tpu.memory_space<vmem>> -> memref<1x8x8x128xf32, #tpu.memory_space<vmem>>
      %dma_start3A_554 = tpu.memref_squeeze %dma_start3A_553 : memref<1x8x8x128xf32, #tpu.memory_space<vmem>> -> memref<8x8x128xf32, #tpu.memory_space<vmem>>
      %dma_start3A_555 = arith.constant 0 : i32
      %dma_start3A_556 = arith.constant 0 : i32
      %dma_start3A_557 = arith.constant 0 : i32
      %dma_start3A_558 = tpu.memref_slice %arg5[%add3A_506, %dma_start3A_555, %add3A, %dma_start3A_556, %dma_start3A_557] : memref<200x8x32x8x128xf32, #tpu.memory_space<hbm>> -> memref<1x8x1x8x128xf32, #tpu.memory_space<hbm>>
      %dma_start3A_559 = tpu.memref_squeeze %dma_start3A_558 : memref<1x8x1x8x128xf32, #tpu.memory_space<hbm>> -> memref<8x8x128xf32, #tpu.memory_space<hbm>>
      %dma_start3A_560 = tpu.memref_slice %arg11[%dma_start3A_549] : memref<4x!tpu.dma_semaphore, #tpu.memory_space<semaphore_mem>> -> memref<1x!tpu.dma_semaphore, #tpu.memory_space<semaphore_mem>>
      %dma_start3A_561 = tpu.memref_squeeze %dma_start3A_560 : memref<1x!tpu.dma_semaphore, #tpu.memory_space<semaphore_mem>> -> memref<!tpu.dma_semaphore, #tpu.memory_space<semaphore_mem>>
      %dma_start3A_562 = arith.constant 0 : i32
      %dma_start3A_563 = arith.constant 0 : i32
      %dma_start3A_564 = arith.constant 0 : i32
      %dma_start3A_565 = tpu.memref_slice %arg5[%add3A_506, %dma_start3A_562, %add3A, %dma_start3A_563, %dma_start3A_564] : memref<200x8x32x8x128xf32, #tpu.memory_space<hbm>> -> memref<1x8x1x8x128xf32, #tpu.memory_space<hbm>>
      %dma_start3A_566 = tpu.memref_squeeze %dma_start3A_565 : memref<1x8x1x8x128xf32, #tpu.memory_space<hbm>> -> memref<8x8x128xf32, #tpu.memory_space<hbm>>
      %dma_start3A_567 = arith.constant 0 : i32
      %dma_start3A_568 = arith.constant 0 : i32
      %dma_start3A_569 = arith.constant 0 : i32
      %dma_start3A_570 = tpu.memref_slice %arg9[%dma_start3A_548, %dma_start3A_567, %dma_start3A_568, %dma_start3A_569] : memref<4x8x8x129xf32, #tpu.memory_space<vmem>> -> memref<1x8x8x128xf32, #tpu.memory_space<vmem>>
      %dma_start3A_571 = tpu.memref_squeeze %dma_start3A_570 : memref<1x8x8x128xf32, #tpu.memory_space<vmem>> -> memref<8x8x128xf32, #tpu.memory_space<vmem>>
      tpu.enqueue_dma source(%dma_start3A_571 : memref<8x8x128xf32, #tpu.memory_space<vmem>>) target(%dma_start3A_566 : memref<8x8x128xf32, #tpu.memory_space<hbm>>) target_semaphore(%dma_start3A_561 : memref<!tpu.dma_semaphore, #tpu.memory_space<semaphore_mem>>)
      %mul3A_572 = arith.constant 4 : i32
      %mul3A_573 = arith.muli %mul3A_572, %scan3A_369 : i32
      %add3A_574 = arith.constant 3 : i32
      %add3A_575 = arith.addi %mul3A_573, %add3A_574 : i32
      %dma_wait3A_576 = arith.constant 3 : i32
      %dma_wait3A_577 = arith.constant 3 : i32
      %dma_wait3A_578 = arith.constant 0 : i32
      %dma_wait3A_579 = arith.constant 0 : i32
      %dma_wait3A_580 = tpu.memref_slice %arg8[%dma_wait3A_576, %dma_wait3A_578, %dma_wait3A_579] : memref<4x128x64xf32, #tpu.memory_space<vmem>> -> memref<1x128x64xf32, #tpu.memory_space<vmem>>
      %dma_wait3A_581 = tpu.memref_squeeze %dma_wait3A_580 : memref<1x128x64xf32, #tpu.memory_space<vmem>> -> memref<128x64xf32, #tpu.memory_space<vmem>>
      %dma_wait3A_582 = arith.constant 0 : i32
      %dma_wait3A_583 = tpu.memref_slice %arg7[%add3A_575, %dma_wait3A_582] : memref<200x128xi32, #tpu.memory_space<vmem>> -> memref<1x128xi32, #tpu.memory_space<vmem>>
      %dma_wait3A_584 = tpu.memref_squeeze %dma_wait3A_583 : memref<1x128xi32, #tpu.memory_space<vmem>> -> memref<128xi32, #tpu.memory_space<vmem>>
      %dma_wait3A_585 = arith.constant 0 : i32
      %dma_wait3A_586 = arith.constant 0 : i32
      %dma_wait3A_587 = tpu.memref_slice %arg3[%dma_wait3A_585, %dma_wait3A_586] : memref<1000000x64xf32, #tpu.memory_space<hbm>> -> memref<1000000x64xf32, #tpu.memory_space<hbm>>
      %dma_wait3A_588 = tpu.memref_slice %arg10[%dma_wait3A_577] : memref<4x!tpu.dma_semaphore, #tpu.memory_space<semaphore_mem>> -> memref<1x!tpu.dma_semaphore, #tpu.memory_space<semaphore_mem>>
      %dma_wait3A_589 = tpu.memref_squeeze %dma_wait3A_588 : memref<1x!tpu.dma_semaphore, #tpu.memory_space<semaphore_mem>> -> memref<!tpu.dma_semaphore, #tpu.memory_space<semaphore_mem>>
      tpu.wait_indirect_dma semaphore(%dma_wait3A_589 : memref<!tpu.dma_semaphore, #tpu.memory_space<semaphore_mem>>) src(%dma_wait3A_587 : memref<1000000x64xf32, #tpu.memory_space<hbm>>) dst(%dma_wait3A_581 : memref<128x64xf32, #tpu.memory_space<vmem>>)
      %add3A_590 = arith.constant 2 : i32
      %add3A_591 = arith.addi %add3A_575, %add3A_590 : i32
      %lt3A_592 = arith.constant 200 : i32
      %lt3A_593 = arith.cmpi slt, %add3A_591, %lt3A_592 : i32
      %convert_element_type3A_594 = arith.extui %lt3A_593 : i1 to i32
      %cond3A_595 = arith.constant 0 : i32
      %cond3A_596 = arith.cmpi ne, %convert_element_type3A_594, %cond3A_595 : i32
      scf.if %cond3A_596 {
        %add3A_641 = arith.constant 2 : i32
        %add3A_642 = arith.addi %add3A_575, %add3A_641 : i32
        %dma_start3A_643 = arith.constant 1 : i32
        %dma_start3A_644 = arith.constant 1 : i32
        %dma_start3A_645 = arith.constant 0 : i32
        %dma_start3A_646 = arith.constant 0 : i32
        %dma_start3A_647 = tpu.memref_slice %arg8[%dma_start3A_643, %dma_start3A_645, %dma_start3A_646] : memref<4x128x64xf32, #tpu.memory_space<vmem>> -> memref<1x128x64xf32, #tpu.memory_space<vmem>>
        %dma_start3A_648 = tpu.memref_squeeze %dma_start3A_647 : memref<1x128x64xf32, #tpu.memory_space<vmem>> -> memref<128x64xf32, #tpu.memory_space<vmem>>
        %dma_start3A_649 = arith.constant 0 : i32
        %dma_start3A_650 = tpu.memref_slice %arg7[%add3A_642, %dma_start3A_649] : memref<200x128xi32, #tpu.memory_space<vmem>> -> memref<1x128xi32, #tpu.memory_space<vmem>>
        %dma_start3A_651 = tpu.memref_squeeze %dma_start3A_650 : memref<1x128xi32, #tpu.memory_space<vmem>> -> memref<128xi32, #tpu.memory_space<vmem>>
        %dma_start3A_652 = arith.constant 0 : i32
        %dma_start3A_653 = arith.constant 0 : i32
        %dma_start3A_654 = tpu.memref_slice %arg3[%dma_start3A_652, %dma_start3A_653] : memref<1000000x64xf32, #tpu.memory_space<hbm>> -> memref<1000000x64xf32, #tpu.memory_space<hbm>>
        %dma_start3A_655 = tpu.memref_slice %arg10[%dma_start3A_644] : memref<4x!tpu.dma_semaphore, #tpu.memory_space<semaphore_mem>> -> memref<1x!tpu.dma_semaphore, #tpu.memory_space<semaphore_mem>>
        %dma_start3A_656 = tpu.memref_squeeze %dma_start3A_655 : memref<1x!tpu.dma_semaphore, #tpu.memory_space<semaphore_mem>> -> memref<!tpu.dma_semaphore, #tpu.memory_space<semaphore_mem>>
        tpu.enqueue_indirect_dma source(%dma_start3A_654 : memref<1000000x64xf32, #tpu.memory_space<hbm>>) target(%dma_start3A_648 : memref<128x64xf32, #tpu.memory_space<vmem>>) offsets(%dma_start3A_651 : memref<128xi32, #tpu.memory_space<vmem>>) semaphore(%dma_start3A_656 : memref<!tpu.dma_semaphore, #tpu.memory_space<semaphore_mem>>)
      } else {
      }
      %gt3A_597 = arith.constant 0 : i32
      %gt3A_598 = arith.cmpi sgt, %scan3A_369, %gt3A_597 : i32
      %convert_element_type3A_599 = arith.extui %gt3A_598 : i1 to i32
      %cond3A_600 = arith.constant 0 : i32
      %cond3A_601 = arith.cmpi ne, %convert_element_type3A_599, %cond3A_600 : i32
      scf.if %cond3A_601 {
        %sub3A_641 = arith.constant 4 : i32
        %sub3A_642 = arith.subi %add3A_575, %sub3A_641 : i32
        %dma_wait3A_643 = arith.constant 3 : i32
        %dma_wait3A_644 = arith.constant 3 : i32
        %dma_wait3A_645 = arith.constant 0 : i32
        %dma_wait3A_646 = arith.constant 0 : i32
        %dma_wait3A_647 = arith.constant 0 : i32
        %dma_wait3A_648 = tpu.memref_slice %arg9[%dma_wait3A_643, %dma_wait3A_645, %dma_wait3A_646, %dma_wait3A_647] : memref<4x8x8x129xf32, #tpu.memory_space<vmem>> -> memref<1x8x8x128xf32, #tpu.memory_space<vmem>>
        %dma_wait3A_649 = tpu.memref_squeeze %dma_wait3A_648 : memref<1x8x8x128xf32, #tpu.memory_space<vmem>> -> memref<8x8x128xf32, #tpu.memory_space<vmem>>
        %dma_wait3A_650 = arith.constant 0 : i32
        %dma_wait3A_651 = arith.constant 0 : i32
        %dma_wait3A_652 = arith.constant 0 : i32
        %dma_wait3A_653 = tpu.memref_slice %arg5[%sub3A_642, %dma_wait3A_650, %add3A, %dma_wait3A_651, %dma_wait3A_652] : memref<200x8x32x8x128xf32, #tpu.memory_space<hbm>> -> memref<1x8x1x8x128xf32, #tpu.memory_space<hbm>>
        %dma_wait3A_654 = tpu.memref_squeeze %dma_wait3A_653 : memref<1x8x1x8x128xf32, #tpu.memory_space<hbm>> -> memref<8x8x128xf32, #tpu.memory_space<hbm>>
        %dma_wait3A_655 = tpu.memref_slice %arg11[%dma_wait3A_644] : memref<4x!tpu.dma_semaphore, #tpu.memory_space<semaphore_mem>> -> memref<1x!tpu.dma_semaphore, #tpu.memory_space<semaphore_mem>>
        %dma_wait3A_656 = tpu.memref_squeeze %dma_wait3A_655 : memref<1x!tpu.dma_semaphore, #tpu.memory_space<semaphore_mem>> -> memref<!tpu.dma_semaphore, #tpu.memory_space<semaphore_mem>>
        %dma_wait3A_657 = arith.constant 0 : i32
        %dma_wait3A_658 = arith.constant 0 : i32
        %dma_wait3A_659 = arith.constant 0 : i32
        %dma_wait3A_660 = tpu.memref_slice %arg5[%sub3A_642, %dma_wait3A_657, %add3A, %dma_wait3A_658, %dma_wait3A_659] : memref<200x8x32x8x128xf32, #tpu.memory_space<hbm>> -> memref<1x8x1x8x128xf32, #tpu.memory_space<hbm>>
        %dma_wait3A_661 = tpu.memref_squeeze %dma_wait3A_660 : memref<1x8x1x8x128xf32, #tpu.memory_space<hbm>> -> memref<8x8x128xf32, #tpu.memory_space<hbm>>
        %dma_wait3A_662 = arith.constant 0 : i32
        %dma_wait3A_663 = arith.constant 0 : i32
        %dma_wait3A_664 = arith.constant 0 : i32
        %dma_wait3A_665 = tpu.memref_slice %arg9[%dma_wait3A_643, %dma_wait3A_662, %dma_wait3A_663, %dma_wait3A_664] : memref<4x8x8x129xf32, #tpu.memory_space<vmem>> -> memref<1x8x8x128xf32, #tpu.memory_space<vmem>>
        %dma_wait3A_666 = tpu.memref_squeeze %dma_wait3A_665 : memref<1x8x8x128xf32, #tpu.memory_space<vmem>> -> memref<8x8x128xf32, #tpu.memory_space<vmem>>
        tpu.wait_dma2 semaphore(%dma_wait3A_656 : memref<!tpu.dma_semaphore, #tpu.memory_space<semaphore_mem>>) src(%dma_wait3A_666 : memref<8x8x128xf32, #tpu.memory_space<vmem>>) dst(%dma_wait3A_661 : memref<8x8x128xf32, #tpu.memory_space<hbm>>)
      } else {
      }
      %get3A_602 = arith.index_cast %add3A_575 : i32 to index
      %get3A_603 = arith.constant 0 : index
      %get3A_604 = tpu.vector_load %arg6[%get3A_602, %get3A_603] {strides = array<i32>} : memref<200x64xf32, #tpu.memory_space<vmem>>, vector<16xf32>,
      %get3A_605 = arith.index_cast %add3A_575 : i32 to index
      %get3A_606 = arith.constant 16 : index
      %get3A_607 = tpu.vector_load %arg6[%get3A_605, %get3A_606] {strides = array<i32>} : memref<200x64xf32, #tpu.memory_space<vmem>>, vector<16xf32>,
      %get3A_608 = arith.index_cast %add3A_575 : i32 to index
      %get3A_609 = arith.constant 32 : index
      %get3A_610 = tpu.vector_load %arg6[%get3A_608, %get3A_609] {strides = array<i32>} : memref<200x64xf32, #tpu.memory_space<vmem>>, vector<16xf32>,
      %get3A_611 = arith.index_cast %add3A_575 : i32 to index
      %get3A_612 = arith.constant 48 : index
      %get3A_613 = tpu.vector_load %arg6[%get3A_611, %get3A_612] {strides = array<i32>} : memref<200x64xf32, #tpu.memory_space<vmem>>, vector<16xf32>,
      %parallel_loop3A_614 = arith.constant 0 : i32
      %parallel_loop3A_615 = arith.constant 128 : i32
      %parallel_loop3A_616 = arith.constant 1 : i32
      scf.for %parallel_loop3A_641 = %parallel_loop3A_614 to %parallel_loop3A_615 step %parallel_loop3A_616  : i32 {
        %parallel_loop3A_642 = vector.broadcast %parallel_loop3A_641 : i32 to vector<16xi32>
        %parallel_loop3A_643 = arith.constant 3 : i32
        %parallel_loop3A_644 = arith.index_cast %parallel_loop3A_643 : i32 to index
        %parallel_loop3A_645 = arith.index_cast %parallel_loop3A_641 : i32 to index
        %parallel_loop3A_646 = arith.constant 0 : index
        %parallel_loop3A_647 = tpu.vector_load %arg8[%parallel_loop3A_644, %parallel_loop3A_645, %parallel_loop3A_646] {strides = array<i32>} : memref<4x128x64xf32, #tpu.memory_space<vmem>>, vector<16xf32>,
        %parallel_loop3A_648 = arith.addf %parallel_loop3A_647, %get3A_604 : vector<16xf32>
        tpu.vector_store_idx %arg9[%broadcast_in_dim3A_235, %select_n3A, %select_n3A_153, %parallel_loop3A_642], %parallel_loop3A_648 : memref<4x8x8x129xf32, #tpu.memory_space<vmem>>[vector<16xi32>, vector<16xi32>, vector<16xi32>, vector<16xi32>], vector<16xf32>,
        %parallel_loop3A_649 = arith.constant 3 : i32
        %parallel_loop3A_650 = arith.index_cast %parallel_loop3A_649 : i32 to index
        %parallel_loop3A_651 = arith.index_cast %parallel_loop3A_641 : i32 to index
        %parallel_loop3A_652 = arith.constant 16 : index
        %parallel_loop3A_653 = tpu.vector_load %arg8[%parallel_loop3A_650, %parallel_loop3A_651, %parallel_loop3A_652] {strides = array<i32>} : memref<4x128x64xf32, #tpu.memory_space<vmem>>, vector<16xf32>,
        %parallel_loop3A_654 = arith.addf %parallel_loop3A_653, %get3A_607 : vector<16xf32>
        tpu.vector_store_idx %arg9[%broadcast_in_dim3A_235, %select_n3A_62, %select_n3A_178, %parallel_loop3A_642], %parallel_loop3A_654 : memref<4x8x8x129xf32, #tpu.memory_space<vmem>>[vector<16xi32>, vector<16xi32>, vector<16xi32>, vector<16xi32>], vector<16xf32>,
        %parallel_loop3A_655 = arith.constant 3 : i32
        %parallel_loop3A_656 = arith.index_cast %parallel_loop3A_655 : i32 to index
        %parallel_loop3A_657 = arith.index_cast %parallel_loop3A_641 : i32 to index
        %parallel_loop3A_658 = arith.constant 32 : index
        %parallel_loop3A_659 = tpu.vector_load %arg8[%parallel_loop3A_656, %parallel_loop3A_657, %parallel_loop3A_658] {strides = array<i32>} : memref<4x128x64xf32, #tpu.memory_space<vmem>>, vector<16xf32>,
        %parallel_loop3A_660 = arith.addf %parallel_loop3A_659, %get3A_610 : vector<16xf32>
        tpu.vector_store_idx %arg9[%broadcast_in_dim3A_235, %select_n3A_96, %select_n3A_203, %parallel_loop3A_642], %parallel_loop3A_660 : memref<4x8x8x129xf32, #tpu.memory_space<vmem>>[vector<16xi32>, vector<16xi32>, vector<16xi32>, vector<16xi32>], vector<16xf32>,
        %parallel_loop3A_661 = arith.constant 3 : i32
        %parallel_loop3A_662 = arith.index_cast %parallel_loop3A_661 : i32 to index
        %parallel_loop3A_663 = arith.index_cast %parallel_loop3A_641 : i32 to index
        %parallel_loop3A_664 = arith.constant 48 : index
        %parallel_loop3A_665 = tpu.vector_load %arg8[%parallel_loop3A_662, %parallel_loop3A_663, %parallel_loop3A_664] {strides = array<i32>} : memref<4x128x64xf32, #tpu.memory_space<vmem>>, vector<16xf32>,
        %parallel_loop3A_666 = arith.addf %parallel_loop3A_665, %get3A_613 : vector<16xf32>
        tpu.vector_store_idx %arg9[%broadcast_in_dim3A_235, %select_n3A_130, %select_n3A_228, %parallel_loop3A_642], %parallel_loop3A_666 : memref<4x8x8x129xf32, #tpu.memory_space<vmem>>[vector<16xi32>, vector<16xi32>, vector<16xi32>, vector<16xi32>], vector<16xf32>,
      } {sc.loop_unroll_factor = 8 : i64, sc.parallel_access}
      %dma_start3A_617 = arith.constant 3 : i32
      %dma_start3A_618 = arith.constant 3 : i32
      %dma_start3A_619 = arith.constant 0 : i32
      %dma_start3A_620 = arith.constant 0 : i32
      %dma_start3A_621 = arith.constant 0 : i32
      %dma_start3A_622 = tpu.memref_slice %arg9[%dma_start3A_617, %dma_start3A_619, %dma_start3A_620, %dma_start3A_621] : memref<4x8x8x129xf32, #tpu.memory_space<vmem>> -> memref<1x8x8x128xf32, #tpu.memory_space<vmem>>
      %dma_start3A_623 = tpu.memref_squeeze %dma_start3A_622 : memref<1x8x8x128xf32, #tpu.memory_space<vmem>> -> memref<8x8x128xf32, #tpu.memory_space<vmem>>
      %dma_start3A_624 = arith.constant 0 : i32
      %dma_start3A_625 = arith.constant 0 : i32
      %dma_start3A_626 = arith.constant 0 : i32
      %dma_start3A_627 = tpu.memref_slice %arg5[%add3A_575, %dma_start3A_624, %add3A, %dma_start3A_625, %dma_start3A_626] : memref<200x8x32x8x128xf32, #tpu.memory_space<hbm>> -> memref<1x8x1x8x128xf32, #tpu.memory_space<hbm>>
      %dma_start3A_628 = tpu.memref_squeeze %dma_start3A_627 : memref<1x8x1x8x128xf32, #tpu.memory_space<hbm>> -> memref<8x8x128xf32, #tpu.memory_space<hbm>>
      %dma_start3A_629 = tpu.memref_slice %arg11[%dma_start3A_618] : memref<4x!tpu.dma_semaphore, #tpu.memory_space<semaphore_mem>> -> memref<1x!tpu.dma_semaphore, #tpu.memory_space<semaphore_mem>>
      %dma_start3A_630 = tpu.memref_squeeze %dma_start3A_629 : memref<1x!tpu.dma_semaphore, #tpu.memory_space<semaphore_mem>> -> memref<!tpu.dma_semaphore, #tpu.memory_space<semaphore_mem>>
      %dma_start3A_631 = arith.constant 0 : i32
      %dma_start3A_632 = arith.constant 0 : i32
      %dma_start3A_633 = arith.constant 0 : i32
      %dma_start3A_634 = tpu.memref_slice %arg5[%add3A_575, %dma_start3A_631, %add3A, %dma_start3A_632, %dma_start3A_633] : memref<200x8x32x8x128xf32, #tpu.memory_space<hbm>> -> memref<1x8x1x8x128xf32, #tpu.memory_space<hbm>>
      %dma_start3A_635 = tpu.memref_squeeze %dma_start3A_634 : memref<1x8x1x8x128xf32, #tpu.memory_space<hbm>> -> memref<8x8x128xf32, #tpu.memory_space<hbm>>
      %dma_start3A_636 = arith.constant 0 : i32
      %dma_start3A_637 = arith.constant 0 : i32
      %dma_start3A_638 = arith.constant 0 : i32
      %dma_start3A_639 = tpu.memref_slice %arg9[%dma_start3A_617, %dma_start3A_636, %dma_start3A_637, %dma_start3A_638] : memref<4x8x8x129xf32, #tpu.memory_space<vmem>> -> memref<1x8x8x128xf32, #tpu.memory_space<vmem>>
      %dma_start3A_640 = tpu.memref_squeeze %dma_start3A_639 : memref<1x8x8x128xf32, #tpu.memory_space<vmem>> -> memref<8x8x128xf32, #tpu.memory_space<vmem>>
      tpu.enqueue_dma source(%dma_start3A_640 : memref<8x8x128xf32, #tpu.memory_space<vmem>>) target(%dma_start3A_635 : memref<8x8x128xf32, #tpu.memory_space<hbm>>) target_semaphore(%dma_start3A_630 : memref<!tpu.dma_semaphore, #tpu.memory_space<semaphore_mem>>)
    }
    %scan3A_269 = arith.constant 50 : i32
    %dma_wait3A = arith.constant 0 : i32
    %dma_wait3A_270 = arith.constant 196 : i32
    %dma_wait3A_271 = arith.constant 0 : i32
    %dma_wait3A_272 = arith.constant 0 : i32
    %dma_wait3A_273 = arith.constant 0 : i32
    %dma_wait3A_274 = arith.constant 0 : i32
    %dma_wait3A_275 = tpu.memref_slice %arg9[%dma_wait3A, %dma_wait3A_272, %dma_wait3A_273, %dma_wait3A_274] : memref<4x8x8x129xf32, #tpu.memory_space<vmem>> -> memref<1x8x8x128xf32, #tpu.memory_space<vmem>>
    %dma_wait3A_276 = tpu.memref_squeeze %dma_wait3A_275 : memref<1x8x8x128xf32, #tpu.memory_space<vmem>> -> memref<8x8x128xf32, #tpu.memory_space<vmem>>
    %dma_wait3A_277 = arith.constant 0 : i32
    %dma_wait3A_278 = arith.constant 0 : i32
    %dma_wait3A_279 = arith.constant 0 : i32
    %dma_wait3A_280 = tpu.memref_slice %arg5[%dma_wait3A_270, %dma_wait3A_277, %add3A, %dma_wait3A_278, %dma_wait3A_279] : memref<200x8x32x8x128xf32, #tpu.memory_space<hbm>> -> memref<1x8x1x8x128xf32, #tpu.memory_space<hbm>>
    %dma_wait3A_281 = tpu.memref_squeeze %dma_wait3A_280 : memref<1x8x1x8x128xf32, #tpu.memory_space<hbm>> -> memref<8x8x128xf32, #tpu.memory_space<hbm>>
    %dma_wait3A_282 = tpu.memref_slice %arg11[%dma_wait3A_271] : memref<4x!tpu.dma_semaphore, #tpu.memory_space<semaphore_mem>> -> memref<1x!tpu.dma_semaphore, #tpu.memory_space<semaphore_mem>>
    %dma_wait3A_283 = tpu.memref_squeeze %dma_wait3A_282 : memref<1x!tpu.dma_semaphore, #tpu.memory_space<semaphore_mem>> -> memref<!tpu.dma_semaphore, #tpu.memory_space<semaphore_mem>>
    %dma_wait3A_284 = arith.constant 0 : i32
    %dma_wait3A_285 = arith.constant 0 : i32
    %dma_wait3A_286 = arith.constant 0 : i32
    %dma_wait3A_287 = tpu.memref_slice %arg5[%dma_wait3A_270, %dma_wait3A_284, %add3A, %dma_wait3A_285, %dma_wait3A_286] : memref<200x8x32x8x128xf32, #tpu.memory_space<hbm>> -> memref<1x8x1x8x128xf32, #tpu.memory_space<hbm>>
    %dma_wait3A_288 = tpu.memref_squeeze %dma_wait3A_287 : memref<1x8x1x8x128xf32, #tpu.memory_space<hbm>> -> memref<8x8x128xf32, #tpu.memory_space<hbm>>
    %dma_wait3A_289 = arith.constant 0 : i32
    %dma_wait3A_290 = arith.constant 0 : i32
    %dma_wait3A_291 = arith.constant 0 : i32
    %dma_wait3A_292 = tpu.memref_slice %arg9[%dma_wait3A, %dma_wait3A_289, %dma_wait3A_290, %dma_wait3A_291] : memref<4x8x8x129xf32, #tpu.memory_space<vmem>> -> memref<1x8x8x128xf32, #tpu.memory_space<vmem>>
    %dma_wait3A_293 = tpu.memref_squeeze %dma_wait3A_292 : memref<1x8x8x128xf32, #tpu.memory_space<vmem>> -> memref<8x8x128xf32, #tpu.memory_space<vmem>>
    tpu.wait_dma2 semaphore(%dma_wait3A_283 : memref<!tpu.dma_semaphore, #tpu.memory_space<semaphore_mem>>) src(%dma_wait3A_293 : memref<8x8x128xf32, #tpu.memory_space<vmem>>) dst(%dma_wait3A_288 : memref<8x8x128xf32, #tpu.memory_space<hbm>>)
    %dma_wait3A_294 = arith.constant 1 : i32
    %dma_wait3A_295 = arith.constant 197 : i32
    %dma_wait3A_296 = arith.constant 1 : i32
    %dma_wait3A_297 = arith.constant 0 : i32
    %dma_wait3A_298 = arith.constant 0 : i32
    %dma_wait3A_299 = arith.constant 0 : i32
    %dma_wait3A_300 = tpu.memref_slice %arg9[%dma_wait3A_294, %dma_wait3A_297, %dma_wait3A_298, %dma_wait3A_299] : memref<4x8x8x129xf32, #tpu.memory_space<vmem>> -> memref<1x8x8x128xf32, #tpu.memory_space<vmem>>
    %dma_wait3A_301 = tpu.memref_squeeze %dma_wait3A_300 : memref<1x8x8x128xf32, #tpu.memory_space<vmem>> -> memref<8x8x128xf32, #tpu.memory_space<vmem>>
    %dma_wait3A_302 = arith.constant 0 : i32
    %dma_wait3A_303 = arith.constant 0 : i32
    %dma_wait3A_304 = arith.constant 0 : i32
    %dma_wait3A_305 = tpu.memref_slice %arg5[%dma_wait3A_295, %dma_wait3A_302, %add3A, %dma_wait3A_303, %dma_wait3A_304] : memref<200x8x32x8x128xf32, #tpu.memory_space<hbm>> -> memref<1x8x1x8x128xf32, #tpu.memory_space<hbm>>
    %dma_wait3A_306 = tpu.memref_squeeze %dma_wait3A_305 : memref<1x8x1x8x128xf32, #tpu.memory_space<hbm>> -> memref<8x8x128xf32, #tpu.memory_space<hbm>>
    %dma_wait3A_307 = tpu.memref_slice %arg11[%dma_wait3A_296] : memref<4x!tpu.dma_semaphore, #tpu.memory_space<semaphore_mem>> -> memref<1x!tpu.dma_semaphore, #tpu.memory_space<semaphore_mem>>
    %dma_wait3A_308 = tpu.memref_squeeze %dma_wait3A_307 : memref<1x!tpu.dma_semaphore, #tpu.memory_space<semaphore_mem>> -> memref<!tpu.dma_semaphore, #tpu.memory_space<semaphore_mem>>
    %dma_wait3A_309 = arith.constant 0 : i32
    %dma_wait3A_310 = arith.constant 0 : i32
    %dma_wait3A_311 = arith.constant 0 : i32
    %dma_wait3A_312 = tpu.memref_slice %arg5[%dma_wait3A_295, %dma_wait3A_309, %add3A, %dma_wait3A_310, %dma_wait3A_311] : memref<200x8x32x8x128xf32, #tpu.memory_space<hbm>> -> memref<1x8x1x8x128xf32, #tpu.memory_space<hbm>>
    %dma_wait3A_313 = tpu.memref_squeeze %dma_wait3A_312 : memref<1x8x1x8x128xf32, #tpu.memory_space<hbm>> -> memref<8x8x128xf32, #tpu.memory_space<hbm>>
    %dma_wait3A_314 = arith.constant 0 : i32
    %dma_wait3A_315 = arith.constant 0 : i32
    %dma_wait3A_316 = arith.constant 0 : i32
    %dma_wait3A_317 = tpu.memref_slice %arg9[%dma_wait3A_294, %dma_wait3A_314, %dma_wait3A_315, %dma_wait3A_316] : memref<4x8x8x129xf32, #tpu.memory_space<vmem>> -> memref<1x8x8x128xf32, #tpu.memory_space<vmem>>
    %dma_wait3A_318 = tpu.memref_squeeze %dma_wait3A_317 : memref<1x8x8x128xf32, #tpu.memory_space<vmem>> -> memref<8x8x128xf32, #tpu.memory_space<vmem>>
    tpu.wait_dma2 semaphore(%dma_wait3A_308 : memref<!tpu.dma_semaphore, #tpu.memory_space<semaphore_mem>>) src(%dma_wait3A_318 : memref<8x8x128xf32, #tpu.memory_space<vmem>>) dst(%dma_wait3A_313 : memref<8x8x128xf32, #tpu.memory_space<hbm>>)
    %dma_wait3A_319 = arith.constant 2 : i32
    %dma_wait3A_320 = arith.constant 198 : i32
    %dma_wait3A_321 = arith.constant 2 : i32
    %dma_wait3A_322 = arith.constant 0 : i32
    %dma_wait3A_323 = arith.constant 0 : i32
    %dma_wait3A_324 = arith.constant 0 : i32
    %dma_wait3A_325 = tpu.memref_slice %arg9[%dma_wait3A_319, %dma_wait3A_322, %dma_wait3A_323, %dma_wait3A_324] : memref<4x8x8x129xf32, #tpu.memory_space<vmem>> -> memref<1x8x8x128xf32, #tpu.memory_space<vmem>>
    %dma_wait3A_326 = tpu.memref_squeeze %dma_wait3A_325 : memref<1x8x8x128xf32, #tpu.memory_space<vmem>> -> memref<8x8x128xf32, #tpu.memory_space<vmem>>
    %dma_wait3A_327 = arith.constant 0 : i32
    %dma_wait3A_328 = arith.constant 0 : i32
    %dma_wait3A_329 = arith.constant 0 : i32
    %dma_wait3A_330 = tpu.memref_slice %arg5[%dma_wait3A_320, %dma_wait3A_327, %add3A, %dma_wait3A_328, %dma_wait3A_329] : memref<200x8x32x8x128xf32, #tpu.memory_space<hbm>> -> memref<1x8x1x8x128xf32, #tpu.memory_space<hbm>>
    %dma_wait3A_331 = tpu.memref_squeeze %dma_wait3A_330 : memref<1x8x1x8x128xf32, #tpu.memory_space<hbm>> -> memref<8x8x128xf32, #tpu.memory_space<hbm>>
    %dma_wait3A_332 = tpu.memref_slice %arg11[%dma_wait3A_321] : memref<4x!tpu.dma_semaphore, #tpu.memory_space<semaphore_mem>> -> memref<1x!tpu.dma_semaphore, #tpu.memory_space<semaphore_mem>>
    %dma_wait3A_333 = tpu.memref_squeeze %dma_wait3A_332 : memref<1x!tpu.dma_semaphore, #tpu.memory_space<semaphore_mem>> -> memref<!tpu.dma_semaphore, #tpu.memory_space<semaphore_mem>>
    %dma_wait3A_334 = arith.constant 0 : i32
    %dma_wait3A_335 = arith.constant 0 : i32
    %dma_wait3A_336 = arith.constant 0 : i32
    %dma_wait3A_337 = tpu.memref_slice %arg5[%dma_wait3A_320, %dma_wait3A_334, %add3A, %dma_wait3A_335, %dma_wait3A_336] : memref<200x8x32x8x128xf32, #tpu.memory_space<hbm>> -> memref<1x8x1x8x128xf32, #tpu.memory_space<hbm>>
    %dma_wait3A_338 = tpu.memref_squeeze %dma_wait3A_337 : memref<1x8x1x8x128xf32, #tpu.memory_space<hbm>> -> memref<8x8x128xf32, #tpu.memory_space<hbm>>
    %dma_wait3A_339 = arith.constant 0 : i32
    %dma_wait3A_340 = arith.constant 0 : i32
    %dma_wait3A_341 = arith.constant 0 : i32
    %dma_wait3A_342 = tpu.memref_slice %arg9[%dma_wait3A_319, %dma_wait3A_339, %dma_wait3A_340, %dma_wait3A_341] : memref<4x8x8x129xf32, #tpu.memory_space<vmem>> -> memref<1x8x8x128xf32, #tpu.memory_space<vmem>>
    %dma_wait3A_343 = tpu.memref_squeeze %dma_wait3A_342 : memref<1x8x8x128xf32, #tpu.memory_space<vmem>> -> memref<8x8x128xf32, #tpu.memory_space<vmem>>
    tpu.wait_dma2 semaphore(%dma_wait3A_333 : memref<!tpu.dma_semaphore, #tpu.memory_space<semaphore_mem>>) src(%dma_wait3A_343 : memref<8x8x128xf32, #tpu.memory_space<vmem>>) dst(%dma_wait3A_338 : memref<8x8x128xf32, #tpu.memory_space<hbm>>)
    %dma_wait3A_344 = arith.constant 3 : i32
    %dma_wait3A_345 = arith.constant 199 : i32
    %dma_wait3A_346 = arith.constant 3 : i32
    %dma_wait3A_347 = arith.constant 0 : i32
    %dma_wait3A_348 = arith.constant 0 : i32
    %dma_wait3A_349 = arith.constant 0 : i32
    %dma_wait3A_350 = tpu.memref_slice %arg9[%dma_wait3A_344, %dma_wait3A_347, %dma_wait3A_348, %dma_wait3A_349] : memref<4x8x8x129xf32, #tpu.memory_space<vmem>> -> memref<1x8x8x128xf32, #tpu.memory_space<vmem>>
    %dma_wait3A_351 = tpu.memref_squeeze %dma_wait3A_350 : memref<1x8x8x128xf32, #tpu.memory_space<vmem>> -> memref<8x8x128xf32, #tpu.memory_space<vmem>>
    %dma_wait3A_352 = arith.constant 0 : i32
    %dma_wait3A_353 = arith.constant 0 : i32
    %dma_wait3A_354 = arith.constant 0 : i32
    %dma_wait3A_355 = tpu.memref_slice %arg5[%dma_wait3A_345, %dma_wait3A_352, %add3A, %dma_wait3A_353, %dma_wait3A_354] : memref<200x8x32x8x128xf32, #tpu.memory_space<hbm>> -> memref<1x8x1x8x128xf32, #tpu.memory_space<hbm>>
    %dma_wait3A_356 = tpu.memref_squeeze %dma_wait3A_355 : memref<1x8x1x8x128xf32, #tpu.memory_space<hbm>> -> memref<8x8x128xf32, #tpu.memory_space<hbm>>
    %dma_wait3A_357 = tpu.memref_slice %arg11[%dma_wait3A_346] : memref<4x!tpu.dma_semaphore, #tpu.memory_space<semaphore_mem>> -> memref<1x!tpu.dma_semaphore, #tpu.memory_space<semaphore_mem>>
    %dma_wait3A_358 = tpu.memref_squeeze %dma_wait3A_357 : memref<1x!tpu.dma_semaphore, #tpu.memory_space<semaphore_mem>> -> memref<!tpu.dma_semaphore, #tpu.memory_space<semaphore_mem>>
    %dma_wait3A_359 = arith.constant 0 : i32
    %dma_wait3A_360 = arith.constant 0 : i32
    %dma_wait3A_361 = arith.constant 0 : i32
    %dma_wait3A_362 = tpu.memref_slice %arg5[%dma_wait3A_345, %dma_wait3A_359, %add3A, %dma_wait3A_360, %dma_wait3A_361] : memref<200x8x32x8x128xf32, #tpu.memory_space<hbm>> -> memref<1x8x1x8x128xf32, #tpu.memory_space<hbm>>
    %dma_wait3A_363 = tpu.memref_squeeze %dma_wait3A_362 : memref<1x8x1x8x128xf32, #tpu.memory_space<hbm>> -> memref<8x8x128xf32, #tpu.memory_space<hbm>>
    %dma_wait3A_364 = arith.constant 0 : i32
    %dma_wait3A_365 = arith.constant 0 : i32
    %dma_wait3A_366 = arith.constant 0 : i32
    %dma_wait3A_367 = tpu.memref_slice %arg9[%dma_wait3A_344, %dma_wait3A_364, %dma_wait3A_365, %dma_wait3A_366] : memref<4x8x8x129xf32, #tpu.memory_space<vmem>> -> memref<1x8x8x128xf32, #tpu.memory_space<vmem>>
    %dma_wait3A_368 = tpu.memref_squeeze %dma_wait3A_367 : memref<1x8x8x128xf32, #tpu.memory_space<vmem>> -> memref<8x8x128xf32, #tpu.memory_space<vmem>>
    tpu.wait_dma2 semaphore(%dma_wait3A_358 : memref<!tpu.dma_semaphore, #tpu.memory_space<semaphore_mem>>) src(%dma_wait3A_368 : memref<8x8x128xf32, #tpu.memory_space<vmem>>) dst(%dma_wait3A_363 : memref<8x8x128xf32, #tpu.memory_space<hbm>>)
    return
  }
}

</mosaic_0001>

<sc_bundles>
// kernel: _emb_call.3.cloned.1.call-start
scs
__scs_entry_jumppad:
0x0: {  	(pc) =	sbr.rel $0x88, $3  }
0x1: {  	(tag) =	ssettag $0x0;
	lr =	simm.s32 $0x1  }
0x2: {  	[smem:$0x3F9E] =	sst lr;
	_ =	strace $0xD0000000  }
0x3: {  	_ = 	snop  }
0x4: {  	_ = 	snop  }
0x5: {  	_ = 	snop  }
0x6: {  	_ = 	snop  }
0x7: {  	_ = 	snop  }
__scs_overlays_trampoline_lowered:
0x8: {  	[smem:$0x3FAD] =	sst s0  }
0x9: {  	[smem:$0x3FAE] =	sst s1  }
0xa: {  	[smem:$0x3FAF] =	sst s2  }
0xb: {  	[smem:$0x3FB0] =	sst s3  }
0xc: {  	[smem:$0x3FB1] =	sst s4  }
0xd: {  	[smem:$0x3FB2] =	sst s5  }
0xe: {  	[smem:$0x3FB3] =	sst s6  }
0xf: {  	[smem:$0x3FB4] =	sst s7  }
0x10: {  	[smem:$0x3FB5] =	sst s8  }
0x11: {  	[smem:$0x3FB6] =	sst s9;
	s0 =	simm.s32 @!p0 $0x0  }
0x12: {  	s1 =	sld [smem:$0x3F9C];
	s0 =	simm.s32 @p0 $0x1  }
0x13: {  	[smem:$0x3FB7] =	sst s0;
	s0 =	simm.s32 @!p1 $0x0  }
0x14: {  	s2 =	sld [smem:$0x3F9B];
	s0 =	simm.s32 @p1 $0x1  }
0x15: {  	[smem:$0x3FB8] =	sst s0;
	s0 =	simm.s32 @!p2 $0x0  }
0x16: {  	s3 =	sld [smem:$0x3FDB];
	s0 =	simm.s32 @p2 $0x1  }
0x17: {  	s4 =	simm.s32 $0x1BF5;
	[smem:$0x3FBA] =	sst s0  }
0x18: {  	s0 =	sld [smem:$0x3F9D];
	_ =	swait.ge [sflag:s4], $0x0  }
0x19: {  	s7 =	sld [smem:$0x3F9E]  }
0x1a: {  	s8 =	sadd.s32 $0xFFFFE003, lr  }
0x1b: {  	s9 =	sadd.s32 $0xFFFFFEF7, lr;
	s5 =	simm.s32 $0xFFFFFFFF;
	p2 =	slt.u32 s8, $0xFFFFF086  }
0x1c: {  	p1 =	slt.u32 s9, $0xF7A;
	s5 =	simm.s32 @!p2 $0x0  }
0x1d: {  	s5 =	simm.s32 @p1 $0x1;
	p0 =	seq.s32 s7, s2  }
0x1e: {  	s7 =	smul.u32 @!p0 $0xF7A, s2;
	p2 =	seq.s32 @!p0 s5, $0x0  }
0x1f: {  	s9 =	smul.u32 $0xF7A, s1;
	s8 =	simm.s32 @!p0 $0x1BF5;
	p2 =	por !p2, p0  }
0x20: {  	[sflag:s8] =	ssyncset.s32 @!p0 $0xFFFFF086;
	s6 =	sadd.s32 @!p0 s3, s7;
	s7 =	simm.s32 @!p0 $0x108  }
0x21: {  	s3 =	sadd.s32 s3, s9;
	s6 =	sadd.s32 @!p0 $0x88, s6;
	s7 =	simm.s32 @p2 $0x1082  }
0x22: {  	[simem:s7], [sflag:s8] =	dma.local @!p0 [hbm:s6], $0xF7A  }
0x23: {  	s9 =	sor.u32 $0xD0000000, s2;
	s6 =	simm.s32 $0x108;
	_ =	swait.ge @!p0 [sflag:s8], $0x0  }
0x24: {  	s3 =	sadd.s32 $0x88, s3;
	s6 =	simm.s32 @!p1 $0x1082;
	[sflag:s4] =	ssyncset.s32 $0xFFFFF086  }
0x25: {  	[simem:s6], [sflag:s4] =	dma.local [hbm:s3], $0xF7A  }
0x26: {  	[smem:$0x3F9E] =	sst s1;
	(tag) =	ssettag s2;
	_ =	strace s9  }
0x27: {  	s1 =	sld [smem:$0x3FAE]  }
0x28: {  	s2 =	sld [smem:$0x3FAF]  }
0x29: {  	s4 =	sld [smem:$0x3FB1]  }
0x2a: {  	p0 =	seq.s32 s5, $0x0;
	s5 =	sld [smem:$0x3FB2]  }
0x2b: {  	s6 =	sld [smem:$0x3FB3]  }
0x2c: {  	s7 =	sld [smem:$0x3FB4]  }
0x2d: {  	s3 =	simm.s32 $0x108;
	s8 =	sld [smem:$0x3FB5]  }
0x2e: {  	s3 =	simm.s32 @!p0 $0x1082;
	s9 =	sld [smem:$0x3FB6]  }
0x2f: {  	lr =	sadd.s32 s0, s3;
	s0 =	sld [smem:$0x3FAD]  }
0x30: {  	s3 =	sld [smem:$0x3FB0]  }
0x31: {  	[smem:$0x3FB9] =	sst s10  }
0x32: {  	s10 =	sld [smem:$0x3FB7];
	_ =	sdelay $0x3  }
0x33: {  	p0 =	seq.s32 s10, $0x1;
	s10 =	sld [smem:$0x3FB9];
	_ =	sdelay $0x3  }
0x34: {  	[smem:$0x3FB9] =	sst s10  }
0x35: {  	s10 =	sld [smem:$0x3FB8];
	_ =	sdelay $0x3  }
0x36: {  	p1 =	seq.s32 s10, $0x1;
	s10 =	sld [smem:$0x3FB9];
	_ =	sdelay $0x3  }
0x37: {  	[smem:$0x3FB9] =	sst s10  }
0x38: {  	s10 =	sld [smem:$0x3FBA]  }
0x39: {  	_ = 	snop;
	(pc) =	sbr.ind lr, $3  }
0x3a: {  	_ = 	snop  }
0x3b: {  	_ = 	snop  }
0x3c: {  	p2 =	seq.s32 s10, $0x1;
	s10 =	sld [smem:$0x3FB9]  }
0x3d: {  	_ =	shalt  }
0x3e: {  	_ =	shalt  }
0x3f: {  	_ =	shalt  }
0x40: {  	_ =	shalt  }
0x41: {  	_ =	shalt  }
0x42: {  	_ =	shalt  }
0x43: {  	_ =	shalt  }
0x44: {  	_ =	shalt  }
0x45: {  	_ =	shalt  }
0x46: {  	_ =	shalt  }
0x47: {  	_ =	shalt  }
0x48: {  	_ =	shalt  }
0x49: {  	_ =	shalt  }
0x4a: {  	_ =	shalt  }
0x4b: {  	_ =	shalt  }
0x4c: {  	_ =	shalt  }
0x4d: {  	_ =	shalt  }
0x4e: {  	_ =	shalt  }
0x4f: {  	_ =	shalt  }
0x50: {  	_ =	shalt  }
0x51: {  	_ =	shalt  }
0x52: {  	_ =	shalt  }
0x53: {  	_ =	shalt  }
0x54: {  	_ =	shalt  }
0x55: {  	_ =	shalt  }
0x56: {  	_ =	shalt  }
0x57: {  	_ =	shalt  }
0x58: {  	_ =	shalt  }
0x59: {  	_ =	shalt  }
0x5a: {  	_ =	shalt  }
0x5b: {  	_ =	shalt  }
0x5c: {  	_ =	shalt  }
0x5d: {  	_ =	shalt  }
0x5e: {  	_ =	shalt  }
0x5f: {  	_ =	shalt  }
0x60: {  	_ =	shalt  }
0x61: {  	_ =	shalt  }
0x62: {  	_ =	shalt  }
0x63: {  	_ =	shalt  }
0x64: {  	_ =	shalt  }
0x65: {  	_ =	shalt  }
0x66: {  	_ =	shalt  }
0x67: {  	_ =	shalt  }
0x68: {  	_ =	shalt  }
0x69: {  	_ =	shalt  }
0x6a: {  	_ =	shalt  }
0x6b: {  	_ =	shalt  }
0x6c: {  	_ =	shalt  }
0x6d: {  	_ =	shalt  }
0x6e: {  	_ =	shalt  }
0x6f: {  	_ =	shalt  }
0x70: {  	_ =	shalt  }
0x71: {  	_ =	shalt  }
0x72: {  	_ =	shalt  }
0x73: {  	_ =	shalt  }
0x74: {  	_ =	shalt  }
0x75: {  	_ =	shalt  }
0x76: {  	_ =	shalt  }
0x77: {  	_ =	shalt  }
0x78: {  	_ =	shalt  }
0x79: {  	_ =	shalt  }
0x7a: {  	_ =	shalt  }
0x7b: {  	_ =	shalt  }
0x7c: {  	_ =	shalt  }
0x7d: {  	_ =	shalt  }
0x7e: {  	_ =	shalt  }
0x7f: {  	_ =	shalt  }
0x80: {  	_ =	shalt  }
0x81: {  	_ =	shalt  }
0x82: {  	_ =	shalt  }
0x83: {  	_ =	shalt  }
0x84: {  	_ =	shalt  }
0x85: {  	_ =	shalt  }
0x86: {  	_ =	shalt  }
0x87: {  	_ =	shalt  }
.Lfunc_end0:
.L_simem_size_0:
called_computation_lowered:
.L_overlay_start_0:
0x88: {  	s2 =	sld [smem:$0x3FD9]  }
0x89: {  	s3 =	sld [smem:$0x3FFE];
	_ =	sdelay $0x1  }
0x8a: {  	s1 =	srdreg.scid  }
0x8b: {  	s0 =	sand.u32 $0x1, s1  }
0x8c: {  	s17 =	sshll.u32 s0, $0xA;
	s2 =	sadd.s32 s3, s2  }
0x8d: {  	s2 =	sadd.s32 s2, s17  }
0x8e: {  	[smem:$0x3FC5] =	sst s2  }
0x8f: {  	_ = 	snop  }
0x90: {  	s2 =	sld [smem:$0x3FD0];
	(tm) =	ssettm $0x1  }
0x91: {  	s18 =	sld [smem:$0x3FFB];
	_ =	sdelay $0x3  }
0x92: {  	_ =	strace s18  }
0x93: {  	s3 =	sld [smem:$0x3FFC];
	_ =	sdelay $0x3  }
0x94: {  	_ =	strace s3  }
0x95: {  	s3 =	sld [smem:$0x3FFD];
	_ =	sdelay $0x3  }
0x96: {  	_ =	strace s3  }
0x97: {  	_ =	strace $0x8FFFFFFF  }
0x98: {  	s19 =	sld [smem:$0x3FDB];
	_ =	sdelay $0x1  }
0x99: {  	s4 =	simm.s32 $_scs_section_size  }
0x9a: {  	s5 =	simm.s32 $_size__tile_overlayer_lowered;
	s6 =	simm.s32 $_tile_overlayer_lowered  }
0x9b: {  	s22 =	simm.s32 $0x1BFF;
	s21 =	sshll.u32 s6, $0x1;
	s3 =	sadd.s32 s4, s19  }
0x9c: {  	s7 =	simm.s32 $0x0;
	s20 =	sshll.u32 s5, $0x1;
	s5 =	sadd.s32 s21, s3  }
0x9d: {  	[timem:s7], [sflag:s22] =	dma.local [hbm:s5], s20  }
0x9e: {  	_ =	swait.ge [sflag:s22], s20  }
0x9f: {  	s4 =	ssub.s32 $0x0, s20;
	[sflag:s22] =	ssyncset.done $0x0  }
0xa0: {  	[sflag:s22] =	ssyncadd.s32 s4;
	_ =	sdelay $0x1  }
0xa1: {  	s23 =	simm.s32 $0x1B8B  }
0xa2: {  	_ =	swait.ge [sflag:s23], $0x1  }
0xa3: {  	[sflag:s23] =	ssyncset.done $0x0  }
0xa4: {  	s25 =	simm.s32 $0x1B8E;
	s24 =	sld [smem:$0x3FFE];
	[sflag:s23] =	ssyncadd.s32 $0xFFFFFFFF  }
0xa5: {  	s26 =	simm.s32 $execute0_lowered;
	[smem:$0x3FD2] =	sst s25  }
0xa6: {  	s5 =	sshll.u32 s26, $0x1;
	_ =	strace $0x80000046;
	[dreg:$0x1] =	wrdreg $0xFFFFFFFF  }
0xa7: {  	s28 =	simm.s32 $_size_execute0_lowered;
	s3 =	sadd.s32 s3, s5;
	[dreg:$0x0] =	wrdreg $0x0  }
0xa8: {  	s5 =	sshll.u32 s28, $0x1;
	[dreg:$0x2] =	wrdreg s3  }
0xa9: {  	[dreg:$0x3] =	wrdreg s5  }
0xaa: {  	[dreg:$0x4] =	wrdreg $0xC0  }
0xab: {  	_ =	task [dreg:s7], $0x5FFFF  }
0xac: {  	[dreg:$0x1] =	wrdreg $0xFFFFFFFF  }
0xad: {  	[dreg:$0x0] =	wrdreg $0x60  }
0xae: {  	[dreg:$0x2] =	wrdreg s24  }
0xaf: {  	[dreg:$0x3] =	wrdreg s2  }
0xb0: {  	[dreg:$0x4] =	wrdreg $0x9  }
0xb1: {  	_ =	task.clear_ibuf [dreg:s7], $0x5FFFF;
	_ =	strace $0x90000046  }
0xb2: {  	s29 =	simm.s32 $0x9;
	_ =	strace $0x80000048  }
0xb3: {  	_ =	swait.ge [sflag:s29], $0x1  }
0xb4: {  	[sflag:s29] =	ssyncadd.s32 $0xFFFFFFFF  }
0xb5: {  	_ =	strace $0x90000048  }
0xb6: {  	_ =	sfence  }
0xb7: {  	s30 =	sld [smem:$0x0];
	_ =	sdelay $0x2  }
0xb8: {  	s31 =	sshll.u32 s1, $0xD;
	s1 =	sshrl.u32 s1, $0x2  }
0xb9: {  	s3 =	sand.u32 $0x4000, s31;
	s1 =	sadd.s32 s1, s30  }
0xba: {  	s0 =	sor.u32 s3, s0;
	s1 =	sshll.u32 s1, $0x11  }
0xbb: {  	s0 =	sor.u32 s1, s0  }
0xbc: {  	s0 =	sadd.s32 $0x8F2B, s0  }
0xbd: {  	[sflag:s0] =	ssyncadd.remote.s32 $0x1  }
0xbe: {  	_ =	sfence.sel $0xFFFF  }
0xbf: {  	[dreg:$0x0] =	wrdreg $0xFFFFFFFF;
	(pc) =	sbr.abs _section_cstart, $3  }
0xc0: {  	[dreg:$0x1] =	wrdreg $0xFFFFFFFF  }
0xc1: {  	_ =	task.clear_ibuf [dreg:s7], $0x2FFFF;
	_ =	strace $0x9FFFFFFF  }
0xc2: {  	(tm) =	ssettm $0x7FFFFFFF  }
0xc3: {  	_ =	shalt  }
tec
execute0_lowered:
.L_overlay_start_1:
0x0: {  	(tag) =	ssettag $0x1  }
0x1: {  	v0 =	vlaneseq.u32  }
0x2: {  	v2 =	vmul.u32 $0x88, v0  }
0x3: {  	vm0 =	vcmask $0x300;
	v0 =	vimm.s32 $0x0  }
0x4: {  	v1 =	vsel vm0, $0x3, v0;
	v0 =	vadd.s32 $0x1983, v2  }
0x5: {  	[tilespmem:$0x1FC50] =	vst v0;
	v0 =	vadd.s32 $0x1985, v2  }
0x6: {  	s0 =	rddreg [dreg:$0x0];
	s3 =	simm.s32 $0x0;
	[tilespmem:$0x1FC60] =	vst v0;
	v0 =	vadd.s32 $0x1986, v2  }
0x7: {  	[smem:$0x7FF] =	sst s3;
	[tilespmem:$0x1FC70] =	vst v0;
	v0 =	vadd.s32 $0x1987, v2  }
0x8: {  	s1 =	rddreg [dreg:$0x1];
	_ =	strace $0x80000047;
	[tilespmem:$0x1FC80] =	vst v0  }
0x9: {  	v29 =	vadd.s32 $0x880, v2;
	[tilespmem:$0x1FE30] =	vst v2  }
0xa: {  	v39 =	vadd.s32 $0x1100, v2;
	[tilespmem:$0x1FE50] =	vst v29  }
0xb: {  	v3 =	vadd.s32 $0x1980, v2;
	[tilespmem:$0x1FE60] =	vst v39  }
0xc: {  	v31 =	vor.u32 $0x1, v2;
	[tilespmem:$0x1FE70] =	vst v3  }
0xd: {  	v59 =	vadd.s32 $0x881, v2;
	[tilespmem:$0x1FE80] =	vst v31  }
0xe: {  	v34 =	vadd.s32 $0x1101, v2;
	[tilespmem:$0x1FE90] =	vst v59  }
0xf: {  	v43 =	vadd.s32 $0x1981, v2;
	[tilespmem:$0x1FEA0] =	vst v34  }
0x10: {  	v44 =	vor.u32 $0x2, v2;
	[tilespmem:$0x1FEB0] =	vst v43  }
0x11: {  	v48 =	vadd.s32 $0x882, v2;
	[tilespmem:$0x1FEC0] =	vst v44  }
0x12: {  	v49 =	vadd.s32 $0x1102, v2;
	[tilespmem:$0x1FED0] =	vst v48  }
0x13: {  	v50 =	vadd.s32 $0x1982, v2;
	[tilespmem:$0x1FEE0] =	vst v49  }
0x14: {  	v47 =	vor.u32 $0x3, v2;
	[tilespmem:$0x1FEF0] =	vst v50  }
0x15: {  	v15 =	vadd.s32 $0x883, v2;
	[tilespmem:$0x1FF00] =	vst v47  }
0x16: {  	v56 =	vadd.s32 $0x1103, v2;
	[tilespmem:$0x1FF10] =	vst v15  }
0x17: {  	v52 =	vor.u32 $0x4, v2;
	[tilespmem:$0x1FF20] =	vst v56  }
0x18: {  	v58 =	vadd.s32 $0x884, v2;
	[tilespmem:$0x1FF30] =	vst v52  }
0x19: {  	v38 =	vadd.s32 $0x1104, v2;
	[tilespmem:$0x1FF40] =	vst v58  }
0x1a: {  	v4 =	vadd.s32 $0x1984, v2;
	[tilespmem:$0x1FF50] =	vst v38  }
0x1b: {  	v30 =	vor.u32 $0x5, v2;
	[tilespmem:$0x1FF60] =	vst v4  }
0x1c: {  	v55 =	vadd.s32 $0x885, v2;
	[tilespmem:$0x1FF70] =	vst v30  }
0x1d: {  	v35 =	vadd.s32 $0x1105, v2;
	[tilespmem:$0x1FF80] =	vst v55  }
0x1e: {  	v57 =	vor.u32 $0x6, v2;
	[tilespmem:$0x1FF90] =	vst v35  }
0x1f: {  	v53 =	vadd.s32 $0x886, v2;
	[tilespmem:$0x1FFA0] =	vst v57  }
0x20: {  	v46 =	vadd.s32 $0x1106, v2;
	[tilespmem:$0x1FFB0] =	vst v53  }
0x21: {  	v22 =	vor.u32 $0x7, v2;
	[tilespmem:$0x1FFC0] =	vst v46  }
0x22: {  	v28 =	vadd.s32 $0x887, v2;
	[tilespmem:$0x1FFD0] =	vst v22  }
0x23: {  	v32 =	vadd.s32 $0x1107, v2;
	[tilespmem:$0x1FFE0] =	vst v28  }
0x24: {  	v0 =	vadd.s32 $0x2200, v2;
	[tilespmem:$0x1FFF0] =	vst v32  }
0x25: {  	[tilespmem:$0x1FC90] =	vst v0;
	v0 =	vadd.s32 $0x2A80, v2  }
0x26: {  	[tilespmem:$0x1FCA0] =	vst v0;
	v0 =	vadd.s32 $0x3300, v2  }
0x27: {  	[tilespmem:$0x1FCB0] =	vst v0;
	v0 =	vadd.s32 $0x3B80, v2  }
0x28: {  	[tilespmem:$0x1FCC0] =	vst v0;
	v0 =	vadd.s32 $0x2201, v2  }
0x29: {  	[tilespmem:$0x1FCD0] =	vst v0;
	v0 =	vadd.s32 $0x2A81, v2  }
0x2a: {  	[tilespmem:$0x1FCE0] =	vst v0;
	v0 =	vadd.s32 $0x3301, v2  }
0x2b: {  	[tilespmem:$0x1FCF0] =	vst v0;
	v0 =	vadd.s32 $0x3B81, v2  }
0x2c: {  	[tilespmem:$0x1FD00] =	vst v0;
	v0 =	vadd.s32 $0x2202, v2  }
0x2d: {  	[tilespmem:$0x1FD10] =	vst v0;
	v0 =	vadd.s32 $0x2A82, v2  }
0x2e: {  	[tilespmem:$0x1FD20] =	vst v0;
	v0 =	vadd.s32 $0x3302, v2  }
0x2f: {  	[tilespmem:$0x1FD30] =	vst v0;
	v0 =	vadd.s32 $0x3B82, v2  }
0x30: {  	[tilespmem:$0x1FD40] =	vst v0;
	v0 =	vadd.s32 $0x2203, v2  }
0x31: {  	[tilespmem:$0x1FD50] =	vst v0;
	v0 =	vadd.s32 $0x2A83, v2  }
0x32: {  	[tilespmem:$0x1FD60] =	vst v0;
	v0 =	vadd.s32 $0x3303, v2  }
0x33: {  	[tilespmem:$0x1FD70] =	vst v0;
	v0 =	vadd.s32 $0x3B83, v2  }
0x34: {  	[tilespmem:$0x1FD80] =	vst v0;
	v0 =	vadd.s32 $0x2204, v2  }
0x35: {  	s2 =	srdreg.scid;
	s5 =	stileid.u32;
	[tilespmem:$0x1FD90] =	vst v0;
	v0 =	vadd.s32 $0x2A84, v2  }
0x36: {  	s9 =	simm.s32 $0x9;
	s10 =	simm.s32 $0x80;
	s16 =	simm.s32 $0x1;
	[tilespmem:$0x1FDA0] =	vst v0;
	v0 =	vadd.s32 $0x3304, v2  }
0x37: {  	s17 =	simm.s32 $0xD600;
	s18 =	simm.s32 $0x11600;
	s19 =	simm.s32 $0x2;
	[tilespmem:$0x1FDB0] =	vst v0;
	v0 =	vadd.s32 $0x3B84, v2  }
0x38: {  	s20 =	simm.s32 $0xF600;
	s21 =	simm.s32 $0x3;
	s2 =	sand.u32 $0x1, s2;
	[tilespmem:$0x1FDC0] =	vst v0;
	v0 =	vadd.s32 $0x2205, v2  }
0x39: {  	s22 =	simm.s32 $0x4;
	s23 =	simm.s32 $0x5;
	s4 =	sshll.u32 s2, $0x4;
	[tilespmem:$0x1FDD0] =	vst v0;
	v0 =	vadd.s32 $0x2A85, v2  }
0x3a: {  	s24 =	simm.s32 $0x6;
	s2 =	ssub.s32 $0x2, s2;
	s7 =	sor.u32 s5, s4;
	[tilespmem:$0x1FDE0] =	vst v0;
	v0 =	vadd.s32 $0x3305, v2  }
0x3b: {  	s25 =	simm.s32 $0x7;
	s8 =	sshrl.u32 s2, $0x1;
	s4 =	sshll.u32 s7, $0x4;
	[tilespmem:$0x1FDF0] =	vst v0;
	v0 =	vadd.s32 $0x3B85, v2  }
0x3c: {  	s6 =	sadd.s32 s4, s0;
	s4 =	sadd.s32 $0xF42C00, s0;
	s0 =	sadd.s32 $0x19800, s0;
	[tilespmem:$0x1FE00] =	vst v0;
	v0 =	vadd.s32 $0x2206, v2  }
0x3d: {  	s30 =	ssub.s32 s2, s8;
	s31 =	sadd.s32 $0x800, s6;
	[dreg:$0x3] =	wrdreg s0;
	[tilespmem:$0x1FE10] =	vst v0;
	v0 =	vadd.s32 $0x2A86, v2  }
0x3e: {  	s26 =	simm.s32 $0x8;
	[dreg:$0x4] =	wrdreg s31;
	s0 =	smax.u32 s30, $0x1;
	[tilespmem:$0x1FE20] =	vst v0;
	v0 =	vadd.s32 $0x3306, v2  }
0x3f: {  	s28 =	simm.s32 $0x0;
	s7 =	sshll.u32 s7, $0xA;
	[dreg:$0x5] =	wrdreg s0;
	[tilespmem:$0x1FE40] =	vst v0  }
.LBB2_1:
0x40: {  	s0 =	rddreg [dreg:$0x3]  }
0x41: {  	[tilespmem:s3], [sflag:$0x9] =	stream.linear.gather [hbm4b:s0+s3], $0x3200, $0x38;
	[tilespmem:$0x19E00] =	vst v63  }
0x42: {  	_ =	swait.ge [sflag:s9], $0x3200  }
0x43: {  	s2 =	simm.s32 $0x1000;
	[sflag:s9] =	ssyncset.done $0x0  }
0x44: {  	s5 =	simm.s32 $0x3200;
	s14 =	rddreg [dreg:$0x4];
	[sflag:s9] =	ssyncadd.s32 $0xFFFFCE00  }
0x45: {  	[tilespmem:s5], [sflag:$0x9] =	stream.strided.gather [hbm4b:s14+s10], $0x6400, s2, s10, $0x38;
	[tilespmem:$0x19E00] =	vst v63  }
0x46: {  	_ =	swait.ge [sflag:s9], $0x6400  }
0x47: {  	[sflag:s9] =	ssyncset.done $0x0  }
0x48: {  	s15 =	simm.s32 $0x9600;
	[sflag:s9] =	ssyncadd.s32 $0xFFFF9C00  }
0x49: {  	[tilespmem:s15], [sflag:$0x1] =	stream.indirect.gather [hbm4b:s4+s10], $0x40, s5, s10, $0xb8;
	[tilespmem:$0x19E00] =	vst v63  }
0x4a: {  	s30 =	simm.s32 $0x3280;
	s31 =	simm.s32 $0xB600;
	s29 =	simm.s32 $0x0  }
0x4b: {  	[tilespmem:s31], [sflag:$0x2] =	stream.indirect.gather [hbm4b:s4+s10], $0x40, s30, s10, $0xb8;
	[tilespmem:$0x19E00] =	vst v63  }
.LBB2_2:
0x4c: {  	s0 =	sshll.u32 s29, $0x2  }
0x4d: {  	s31 =	sor.u32 $0x2, s0  }
0x4e: {  	_ =	swait.ge [sflag:s16], $0x2000;
	s2 =	sshll.u32 s31, $0x7  }
0x4f: {  	[sflag:s16] =	ssyncset.done $0x0;
	s2 =	sand.u32 $0x3FFFFF00, s2  }
0x50: {  	p0 =	seq.s32 s29, $0x0;
	[sflag:s16] =	ssyncadd.s32 $0xFFFFE000;
	s2 =	sadd.s32 $0x3200, s2  }
0x51: {  	[tilespmem:s17], [sflag:$0x3] =	stream.indirect.gather [hbm4b:s4+s10], $0x40, s2, s10, $0xb8;
	[tilespmem:$0x19E00] =	vst v63  }
0x52: {  	s2 =	simm.s32 @!p0 $0x5  }
0x53: {  	s5 =	sshll.u32 s29, $0x8;
	_ =	swait.ge @!p0 [sflag:s2], $0x2000  }
0x54: {  	s11 =	simm.s32 $0x0;
	s13 =	simm.s32 $0x7;
	[sflag:s2] =	ssyncset.done @!p0 $0x0  }
0x55: {  	s8 =	simm.s32 $0x1;
	[sflag:s2] =	ssyncadd.s32 @!p0 $0xFFFFE000;
	s2 =	sand.u32 $0x3FFFFF00, s5  }
0x56: {  	s6 =	simm.s32 $0x4;
	s30 =	simm.s32 $0x2;
	v0 =	vmov s11;
	v2 =	vmov s13;
	v5 =	vmov s8;
	v63 =	vld [tilespmem:s2+$0x0]  }
0x57: {  	v3 =	vmov s6;
	v6 =	vmov s30;
	v5 =	vshrl.u32 v5, $0x3;
	v62 =	vld [tilespmem:s2+$0x10]  }
0x58: {  	v3 =	vshrl.u32 v3, $0x3;
	v6 =	vshrl.u32 v6, $0x3;
	v5 =	vshll.u32 v5, v1;
	v61 =	vld [tilespmem:s2+$0x20]  }
0x59: {  	s12 =	simm.s32 $0x3;
	s11 =	simm.s32 $0x9700;
	v10 =	vshrl.u32 v2, $0x3;
	v3 =	vshll.u32 v3, v1;
	v5 =	vbroadcast v5, $0x0;
	v60 =	vld [tilespmem:s2+$0x30]  }
0x5a: {  	v6 =	vshll.u32 v6, v1;
	v9 =	vbroadcast v3, $0x0;
	v3 =	vmov s12;
	v7 =	vld [tilespmem:s11+$0x0]  }
0x5b: {  	v2 =	vbroadcast v6, $0x0;
	v3 =	vshrl.u32 v3, $0x3;
	v13 =	vadd.s32 v43, v5;
	v11 =	vld [tilespmem:s11+$0xFFFFFF80]  }
0x5c: {  	v6 =	vadd.s32 v52, v9;
	v3 =	vshll.u32 v3, v1;
	v8 =	vld [tilespmem:s11+$0xFFFFFF40];
	[tilespmem:$0x1FC00] =	vst v13  }
0x5d: {  	s14 =	simm.s32 $0x5;
	v14 =	vadd.s32 v44, v2;
	v54 =	vbroadcast v3, $0x0;
	v13 =	vld [tilespmem:s11+$0xFFFFFFC0]  }
0x5e: {  	v4 =	vmov s14;
	s13 =	simm.s32 $0x6;
	v0 =	vshrl.u32 v0, $0x3;
	v12 =	vadd.s32 v31, v5;
	v3 =	vld [tilespmem:s11+$0xFFFFFF00]  }
0x5f: {  	v17 =	vmov s13;
	v21 =	vadd.s32 v47, v54;
	v18 =	vld [tilespmem:s11+$0xC0];
	v7 =	vadd.f32 v7, v63  }
0x60: {  	v4 =	vshrl.u32 v4, $0x3;
	v10 =	vshll.u32 v10, v1;
	v23 =	vld [tilespmem:s11+$0x80];
	v11 =	vadd.f32 v11, v63  }
0x61: {  	v0 =	vshll.u32 v0, v1;
	v17 =	vshrl.u32 v17, $0x3;
	v24 =	vld [tilespmem:s11+$0x40];
	v8 =	vadd.f32 v8, v63;
	[tilespmem:v6+s18+$0x0] =	vst.idx.msk $0xffff, v7  }
0x62: {  	v19 =	vbroadcast v10, $0x0;
	v16 =	vadd.s32 v56, v54;
	v7 =	vadd.f32 v13, v63;
	[tilespmem:v14+s18+$0x0] =	vst.idx.msk $0xffff, v11;
	v6 =	vld [tilespmem:s11+$0x10]  }
0x63: {  	v4 =	vshll.u32 v4, v1;
	v17 =	vshll.u32 v17, v1;
	[tilespmem:v12+s18+$0x0] =	vst.idx.msk $0xffff, v8;
	v10 =	vld [tilespmem:s11+$0xFFFFFF90]  }
0x64: {  	v8 =	vadd.f32 v3, v63;
	v14 =	vadd.s32 v22, v19;
	v3 =	vld [tilespmem:s11+$0xFFFFFF50];
	[tilespmem:v21+s18+$0x0] =	vst.idx.msk $0xffff, v7  }
0x65: {  	v20 =	vbroadcast v4, $0x0;
	v13 =	vld [tilespmem:s11+$0xFFFFFFD0];
	[tilespmem:$0x1FC10] =	vst v16;
	v16 =	vmovc v56;
	v56 =	vmovc v22;
	v22 =	vbroadcast v0, $0x0;
	v0 =	vadd.s32 v48, v2  }
0x66: {  	v17 =	vbroadcast v17, $0x0  }
0x67: {  	v4 =	vadd.s32 v59, v5;
	v34 =	vadd.s32 v34, v5;
	v5 =	vadd.s32 v35, v20  }
0x68: {  	[tilespmem:$0x1FC20] =	vst v5;
	v33 =	vadd.s32 v29, v22;
	v10 =	vadd.f32 v10, v62  }
0x69: {  	v45 =	vadd.s32 v30, v20;
	v7 =	vadd.s32 v57, v17;
	[tilespmem:$0x1FBF0] =	vst v33  }
0x6a: {  	s5 =	simm.s32 $0x9;
	s2 =	simm.s32 $0x9900;
	v12 =	vadd.s32 v58, v9;
	v51 =	vld [tilespmem:$0x1FE30];
	[tilespmem:v0+s18+$0x0] =	vst.idx.msk $0xffff, v10;
	v0 =	vadd.s32 v39, v22  }
0x6b: {  	v36 =	vadd.s32 v49, v2;
	v26 =	vadd.s32 v53, v17;
	v40 =	vmov s5;
	v37 =	vld [tilespmem:s2+$0xFFFFFF40];
	[tilespmem:$0x1FC30] =	vst v0  }
0x6c: {  	v27 =	vadd.s32 v15, v54;
	v40 =	vshrl.u32 v40, $0x3;
	v23 =	vadd.f32 v23, v63;
	v5 =	vld [tilespmem:s11+$0xFFFFFFA0]  }
0x6d: {  	s15 =	simm.s32 $0xF;
	v24 =	vadd.f32 v24, v63;
	v6 =	vadd.f32 v6, v62;
	v0 =	vadd.s32 v38, v9;
	v38 =	vld [tilespmem:s2+$0x80]  }
0x6e: {  	s8 =	simm.s32 $0xA;
	v11 =	vadd.f32 v18, v63;
	v3 =	vadd.f32 v3, v62;
	v39 =	vmov s15;
	[tilespmem:v7+s18+$0x0] =	vst.idx.msk $0xffff, v23;
	v41 =	vld [tilespmem:s2+$0xFFFFFF80]  }
0x6f: {  	s6 =	simm.s32 $0xC;
	v25 =	vadd.s32 v51, v22;
	v23 =	vmov s8;
	[tilespmem:v12+s18+$0x0] =	vst.idx.msk $0xffff, v6;
	v12 =	vshrl.u32 v39, $0x3;
	v39 =	vld [tilespmem:s2+$0x0]  }
0x70: {  	v13 =	vadd.f32 v13, v62;
	v7 =	vmov s6;
	[tilespmem:v4+s18+$0x0] =	vst.idx.msk $0xffff, v3;
	v3 =	vshrl.u32 v23, $0x3;
	v23 =	vld [tilespmem:s11+$0x90]  }
0x71: {  	v4 =	vshll.u32 v40, v1;
	[tilespmem:v45+s18+$0x0] =	vst.idx.msk $0xffff, v24;
	v7 =	vshrl.u32 v7, $0x3;
	v24 =	vld [tilespmem:s11+$0xFFFFFF60];
	v3 =	vshll.u32 v3, v1  }
0x72: {  	s14 =	simm.s32 $0x8;
	[tilespmem:v27+s18+$0x0] =	vst.idx.msk $0xffff, v13;
	v13 =	vld [tilespmem:s2+$0xFFFFFF00];
	v45 =	vbroadcast v4, $0x0;
	v4 =	vbroadcast v3, $0x0;
	v3 =	vshll.u32 v7, v1  }
0x73: {  	v10 =	vmov s14;
	[tilespmem:v14+s18+$0x0] =	vst.idx.msk $0xffff, v11;
	v40 =	vld [tilespmem:s2+$0xFFFFFFC0];
	v7 =	vadd.f32 v5, v61;
	v5 =	vbroadcast v3, $0x0  }
0x74: {  	v18 =	vadd.s32 v55, v20;
	v10 =	vshrl.u32 v10, $0x3;
	v6 =	vld [tilespmem:s11+$0x50];
	[tilespmem:v25+s18+$0x0] =	vst.idx.msk $0xffff, v8  }
0x75: {  	s12 =	simm.s32 $0xD;
	v14 =	vadd.f32 v23, v62;
	v23 =	vshll.u32 v10, v1;
	v10 =	vld [tilespmem:s2+$0xC0];
	v11 =	vadd.s32 v52, v5  }
0x76: {  	v42 =	vmov s12;
	v21 =	vmovc v28;
	v28 =	vadd.s32 v28, v19;
	s15 =	simm.s32 $0xB;
	v24 =	vadd.f32 v24, v61;
	[tilespmem:v36+s18+$0x0] =	vst.idx.msk $0xffff, v7;
	v36 =	vld [tilespmem:s2+$0x40]  }
0x77: {  	v37 =	vadd.f32 v37, v63;
	v27 =	vadd.s32 v44, v4;
	v7 =	vmov s15;
	v52 =	vld [tilespmem:s11+$0xFFFFFF10];
	[tilespmem:v26+s18+$0x0] =	vst.idx.msk $0xffff, v14  }
0x78: {  	v33 =	vadd.s32 v31, v45;
	v7 =	vshrl.u32 v7, $0x3;
	v26 =	vld [tilespmem:s11+$0xD0];
	[tilespmem:v34+s18+$0x0] =	vst.idx.msk $0xffff, v24;
	v24 =	vadd.f32 v39, v63  }
0x79: {  	s30 =	simm.s32 $0xE;
	v3 =	vadd.s32 v43, v45;
	v25 =	vadd.f32 v41, v63;
	v34 =	vld [tilespmem:s11+$0x20];
	v7 =	vshll.u32 v7, v1  }
0x7a: {  	v14 =	vmov s30;
	v43 =	vld [tilespmem:s11+$0xFFFFFFB0];
	v8 =	vbroadcast v7, $0x0;
	v7 =	vadd.s32 v59, v45;
	[tilespmem:v11+s18+$0x0] =	vst.idx.msk $0xffff, v24  }
0x7b: {  	v39 =	vadd.f32 v6, v62;
	v6 =	vshrl.u32 v42, $0x3;
	v14 =	vshrl.u32 v14, $0x3;
	v44 =	vld [tilespmem:s11+$0xFFFFFF70];
	[tilespmem:$0x1FC40] =	vst v7  }
0x7c: {  	v41 =	vshll.u32 v6, v1;
	v14 =	vshll.u32 v14, v1;
	[tilespmem:v27+s18+$0x0] =	vst.idx.msk $0xffff, v25  }
0x7d: {  	v6 =	vbroadcast v14, $0x0;
	v14 =	vadd.f32 v10, v63;
	v10 =	vadd.f32 v26, v62;
	[tilespmem:v33+s18+$0x0] =	vst.idx.msk $0xffff, v37  }
0x7e: {  	[tilespmem:v18+s18+$0x0] =	vst.idx.msk $0xffff, v39  }
0x7f: {  	[tilespmem:v28+s18+$0x0] =	vst.idx.msk $0xffff, v10  }
0x80: {  	v18 =	vld [tilespmem:$0x1FF60];
	_ =	sdelay $0x1  }
0x81: {  	v11 =	vadd.f32 v34, v61;
	_ =	sdelay $0x1  }
0x82: {  	[tilespmem:v0+s18+$0x0] =	vst.idx.msk $0xffff, v11  }
0x83: {  	v37 =	vadd.f32 v40, v63;
	v40 =	vadd.s32 v18, v9;
	v9 =	vld [tilespmem:$0x1FBF0];
	_ =	sdelay $0x1  }
0x84: {  	v25 =	vadd.s32 v47, v8;
	_ =	sdelay $0x3  }
0x85: {  	v27 =	vadd.f32 v52, v62  }
0x86: {  	[tilespmem:v25+s18+$0x0] =	vst.idx.msk $0xffff, v37  }
0x87: {  	v28 =	vld [tilespmem:s11+$0xE0];
	[tilespmem:v9+s18+$0x0] =	vst.idx.msk $0xffff, v27  }
0x88: {  	v11 =	vadd.s32 v16, v8;
	v16 =	vld [tilespmem:$0x1FC00];
	_ =	sdelay $0x1  }
0x89: {  	v30 =	vmov v35;
	v35 =	vadd.s32 v32, v19  }
0x8a: {  	v12 =	vshll.u32 v12, v1;
	v26 =	vld [tilespmem:s2+$0x10]  }
0x8b: {  	v10 =	vbroadcast v12, $0x0;
	v9 =	vbroadcast v23, $0x0;
	v23 =	vld [tilespmem:s11+$0x60]  }
0x8c: {  	v28 =	vadd.f32 v28, v61  }
0x8d: {  	v18 =	vadd.s32 v56, v10;
	v56 =	vadd.f32 v44, v60  }
0x8e: {  	v25 =	vld [tilespmem:$0x1FC60];
	[tilespmem:v35+s18+$0x0] =	vst.idx.msk $0xffff, v28  }
0x8f: {  	v31 =	vadd.s32 v48, v4;
	v48 =	vadd.f32 v26, v62;
	[tilespmem:v16+s18+$0x0] =	vst.idx.msk $0xffff, v56  }
0x90: {  	v26 =	vadd.f32 v43, v60;
	v43 =	vadd.f32 v23, v61;
	v23 =	vld [tilespmem:$0x1FC10]  }
0x91: {  	v52 =	vld [tilespmem:s11+$0xFFFFFFE0]  }
0x92: {  	v59 =	vld [tilespmem:s11+$0xA0];
	_ =	sdelay $0x1  }
0x93: {  	v32 =	vadd.s32 v46, v17  }
0x94: {  	v16 =	vld [tilespmem:s2+$0xFFFFFF90]  }
0x95: {  	v24 =	vadd.s32 v57, v6;
	v57 =	vadd.f32 v52, v61  }
0x96: {  	v34 =	vadd.f32 v59, v61  }
0x97: {  	[tilespmem:v23+s18+$0x0] =	vst.idx.msk $0xffff, v57  }
0x98: {  	v28 =	vld [tilespmem:$0x1FC50];
	[tilespmem:v32+s18+$0x0] =	vst.idx.msk $0xffff, v34  }
0x99: {  	v42 =	vadd.f32 v16, v62;
	v16 =	vld [tilespmem:$0x1FC80];
	_ =	sdelay $0x4  }
0x9a: {  	v39 =	vadd.s32 v16, v19;
	v16 =	vld [tilespmem:$0x1FC20];
	_ =	sdelay $0x2  }
0x9b: {  	v0 =	vld [tilespmem:s2+$0xFFFFFF50];
	_ =	sdelay $0x2  }
0x9c: {  	v27 =	vadd.f32 v36, v63;
	v36 =	vadd.f32 v38, v63;
	v38 =	vld [tilespmem:s11+$0x30];
	_ =	sdelay $0x1  }
0x9d: {  	v7 =	vbroadcast v41, $0x0;
	v41 =	vadd.f32 v0, v62;
	v0 =	vld [tilespmem:s2+$0xFFFFFFD0];
	[tilespmem:v16+s18+$0x0] =	vst.idx.msk $0xffff, v43  }
0x9e: {  	v16 =	vld [tilespmem:$0x1FC70];
	_ =	sdelay $0x1  }
0x9f: {  	v59 =	vadd.f32 v38, v60;
	_ =	sdelay $0x1  }
0xa0: {  	v47 =	vadd.s32 v58, v5;
	v34 =	vadd.f32 v0, v62;
	v0 =	vld [tilespmem:$0x1FE70];
	[tilespmem:v40+s18+$0x0] =	vst.idx.msk $0xffff, v59  }
0xa1: {  	v38 =	vadd.s32 v16, v17;
	v16 =	vld [tilespmem:$0x1FEA0];
	_ =	sdelay $0x3  }
0xa2: {  	v25 =	vadd.s32 v25, v20;
	v33 =	vadd.s32 v0, v22;
	v0 =	vld [tilespmem:$0x1FF70];
	[tilespmem:v47+s18+$0x0] =	vst.idx.msk $0xffff, v48  }
0xa3: {  	v20 =	vadd.s32 v51, v9;
	v51 =	vmovc v29;
	v19 =	vadd.s32 v29, v9;
	v29 =	vadd.s32 v16, v45;
	v16 =	vld [tilespmem:$0x1FFF0];
	_ =	sdelay $0x4  }
0xa4: {  	v37 =	vadd.s32 v28, v54;
	v54 =	vmov v16;
	v17 =	vadd.s32 v16, v10;
	v16 =	vld [tilespmem:$0x1FC30]  }
0xa5: {  	v35 =	vld [tilespmem:s11+$0xFFFFFF20];
	_ =	sdelay $0x4  }
0xa6: {  	v59 =	vmov v0;
	v44 =	vadd.s32 v0, v7;
	v0 =	vadd.f32 v35, v61;
	_ =	sdelay $0x1  }
0xa7: {  	[tilespmem:v16+s18+$0x0] =	vst.idx.msk $0xffff, v0  }
0xa8: {  	v16 =	vld [tilespmem:$0x1FC40];
	_ =	sdelay $0x1  }
0xa9: {  	v28 =	vadd.s32 v15, v8;
	v15 =	vld [tilespmem:s11+$0xF0];
	_ =	sdelay $0x2  }
0xaa: {  	v13 =	vadd.f32 v13, v63;
	v43 =	vld [tilespmem:s11+$0xFFFFFFF0]  }
0xab: {  	v12 =	vadd.s32 v55, v7;
	v52 =	vmovc v21;
	v21 =	vadd.s32 v21, v10;
	v56 =	vmovc v30;
	v57 =	vmov v53;
	v40 =	vld [tilespmem:s11+$0xB0]  }
0xac: {  	v23 =	vadd.s32 v53, v6;
	v53 =	vmovc v58;
	v32 =	vadd.s32 v49, v4;
	v45 =	vadd.f32 v15, v60;
	v0 =	vld [tilespmem:s11+$0x70]  }
0xad: {  	s13 =	simm.s32 $0x10;
	s14 =	simm.s32 $0x9B00;
	v58 =	vmov v46;
	v15 =	vadd.s32 v30, v7;
	[tilespmem:v16+s18+$0x0] =	vst.idx.msk $0xffff, v41;
	v16 =	vadd.s32 v46, v6;
	v41 =	vld [tilespmem:s11+$0xFFFFFF30]  }
.LBB2_3:
0xae: {  	v46 =	vld [tilespmem:s14+$0xFFFFFF40]  }
0xaf: {  	v22 =	vld [tilespmem:$0x1FE60]  }
0xb0: {  	v30 =	vld [tilespmem:$0x1FF50]  }
0xb1: {  	v49 =	vld [tilespmem:$0x1FEC0];
	[tilespmem:v24+s18+$0x0] =	vst.idx.msk $0xffff, v36  }
0xb2: {  	[tilespmem:v31+s18+$0x0] =	vst.idx.msk $0xffff, v42;
	v36 =	vld [tilespmem:s14+$0x80]  }
0xb3: {  	s15 =	smov.u32 s13;
	v47 =	vld [tilespmem:s2+$0xFFFFFFA0]  }
0xb4: {  	s6 =	sadd.s32 $0x2, s15;
	[tilespmem:v39+s18+$0x0] =	vst.idx.msk $0xffff, v45;
	v45 =	vld [tilespmem:s14+$0xFFFFFF80];
	v31 =	vadd.f32 v43, v60  }
0xb5: {  	[tilespmem:v44+s18+$0x0] =	vst.idx.msk $0xffff, v27;
	v44 =	vld [tilespmem:s14+$0xC0];
	v48 =	vadd.s32 v50, v2;
	v50 =	vmov s6;
	v27 =	vadd.f32 v40, v60  }
0xb6: {  	s8 =	sadd.s32 $0x1, s15;
	v40 =	vld [tilespmem:s2+$0x50];
	v0 =	vadd.f32 v0, v60;
	v39 =	vshrl.u32 v50, $0x3;
	[tilespmem:v37+s18+$0x0] =	vst.idx.msk $0xffff, v31  }
0xb7: {  	v2 =	vmov v4;
	v4 =	vmov s8;
	v31 =	vshll.u32 v39, v1;
	v39 =	vld [tilespmem:s2+$0x90];
	[tilespmem:v38+s18+$0x0] =	vst.idx.msk $0xffff, v27  }
0xb8: {  	s30 =	sadd.s32 $0x7, s13;
	v41 =	vadd.f32 v41, v60;
	v4 =	vshrl.u32 v4, $0x3;
	v38 =	vld [tilespmem:s2+$0xFFFFFF60];
	[tilespmem:v25+s18+$0x0] =	vst.idx.msk $0xffff, v0  }
0xb9: {  	v35 =	vadd.s32 v30, v5;
	v30 =	vmov s30;
	v4 =	vshll.u32 v4, v1;
	v25 =	vld [tilespmem:s14+$0x40]  }
0xba: {  	v37 =	vshrl.u32 v30, $0x3;
	[tilespmem:v33+s18+$0x0] =	vst.idx.msk $0xffff, v41;
	v30 =	vbroadcast v4, $0x0;
	v4 =	vbroadcast v31, $0x0;
	v31 =	vld [tilespmem:$0x1FEB0]  }
0xbb: {  	v24 =	vmov s15;
	s12 =	sadd.s32 $0x4, s15;
	s5 =	sadd.s32 $0x5, s15;
	v33 =	vld [tilespmem:s14+$0xFFFFFF00]  }
0xbc: {  	s11 =	sadd.s32 $0x6, s15;
	s15 =	sadd.s32 $0x3, s15;
	v42 =	vmov s12;
	v24 =	vshrl.u32 v24, $0x3;
	v43 =	vmov s5;
	[tilespmem:v28+s18+$0x0] =	vst.idx.msk $0xffff, v34;
	v28 =	vld [tilespmem:$0x1FF30]  }
0xbd: {  	v50 =	vmov s15;
	v43 =	vshrl.u32 v43, $0x3;
	v27 =	vshrl.u32 v42, $0x3;
	[tilespmem:v20+s18+$0x0] =	vst.idx.msk $0xffff, v13;
	v13 =	vld [tilespmem:$0x1FE90]  }
0xbe: {  	v0 =	vshll.u32 v27, v1;
	v27 =	vadd.f32 v47, v61;
	v34 =	vshll.u32 v37, v1;
	v37 =	vld [tilespmem:s2+$0x20]  }
0xbf: {  	v47 =	vshll.u32 v24, v1;
	v24 =	vshrl.u32 v50, $0x3;
	v50 =	vshll.u32 v43, v1;
	v43 =	vld [tilespmem:s2+$0xFFFFFF10]  }
0xc0: {  	v0 =	vbroadcast v0, $0x0;
	[tilespmem:v48+s18+$0x0] =	vst.idx.msk $0xffff, v26;
	v26 =	vld [tilespmem:$0x1FE80]  }
0xc1: {  	v41 =	vadd.s32 v49, v4;
	v48 =	vmov s11;
	[tilespmem:v32+s18+$0x0] =	vst.idx.msk $0xffff, v27;
	v42 =	vadd.s32 v31, v30;
	v31 =	vld [tilespmem:s14+$0x0]  }
0xc2: {  	v27 =	vadd.f32 v46, v63;
	v39 =	vadd.f32 v39, v62;
	v46 =	vadd.s32 v13, v30;
	v13 =	vld [tilespmem:$0x1FFA0]  }
0xc3: {  	[tilespmem:v18+s18+$0x0] =	vst.idx.msk $0xffff, v14;
	v32 =	vld [tilespmem:s14+$0xFFFFFFC0];
	v18 =	vshrl.u32 v48, $0x3;
	v38 =	vadd.f32 v38, v61;
	v28 =	vadd.s32 v28, v0  }
0xc4: {  	v49 =	vadd.f32 v45, v63;
	v18 =	vshll.u32 v18, v1;
	[tilespmem:v23+s18+$0x0] =	vst.idx.msk $0xffff, v39;
	v23 =	vld [tilespmem:s2+$0xD0]  }
0xc5: {  	v33 =	vadd.f32 v33, v63;
	v45 =	vbroadcast v18, $0x0;
	[tilespmem:v29+s18+$0x0] =	vst.idx.msk $0xffff, v38;
	v29 =	vld [tilespmem:s2+$0xFFFFFFB0];
	v26 =	vadd.s32 v26, v30  }
0xc6: {  	v18 =	vshll.u32 v24, v1;
	v14 =	vadd.f32 v31, v63;
	v31 =	vadd.f32 v40, v62;
	v40 =	vld [tilespmem:s2+$0xFFFFFF70]  }
0xc7: {  	v24 =	vadd.s32 v13, v45;
	v13 =	vmov v33;
	v33 =	vbroadcast v18, $0x0;
	v18 =	vld [tilespmem:$0x1FF60]  }
0xc8: {  	[tilespmem:v28+s18+$0x0] =	vst.idx.msk $0xffff, v14;
	v28 =	vld [tilespmem:s2+$0xA0]  }
0xc9: {  	v14 =	vadd.f32 v44, v63;
	v44 =	vld [tilespmem:s2+$0xFFFFFFE0]  }
0xca: {  	[tilespmem:v26+s18+$0x0] =	vst.idx.msk $0xffff, v27;
	v27 =	vld [tilespmem:$0x1FED0]  }
0xcb: {  	v38 =	vld [tilespmem:s14+$0x10]  }
0xcc: {  	[tilespmem:v41+s18+$0x0] =	vst.idx.msk $0xffff, v49;
	v26 =	vadd.f32 v37, v61;
	v49 =	vld [tilespmem:s14+$0xFFFFFF50]  }
0xcd: {  	v23 =	vadd.f32 v23, v62;
	[tilespmem:v12+s18+$0x0] =	vst.idx.msk $0xffff, v31;
	v48 =	vadd.s32 v18, v5;
	v5 =	vld [tilespmem:$0x1FFD0]  }
0xce: {  	[tilespmem:v35+s18+$0x0] =	vst.idx.msk $0xffff, v26;
	v35 =	vld [tilespmem:s2+$0x60]  }
0xcf: {  	[tilespmem:v21+s18+$0x0] =	vst.idx.msk $0xffff, v23;
	v21 =	vld [tilespmem:$0x1FF20]  }
0xd0: {  	v20 =	vbroadcast v50, $0x0;
	v34 =	vbroadcast v34, $0x0;
	v23 =	vld [tilespmem:s2+$0xE0]  }
0xd1: {  	v26 =	vadd.f32 v43, v62;
	v43 =	vld [tilespmem:$0x1FC50]  }
0xd2: {  	v39 =	vadd.s32 v55, v20;
	v41 =	vadd.s32 v53, v0;
	v18 =	vadd.s32 v5, v34;
	v5 =	vmovc v0;
	v0 =	vld [tilespmem:$0x1FF00]  }
0xd3: {  	v12 =	vmov v39;
	v39 =	vld [tilespmem:s2+$0x30];
	v35 =	vadd.f32 v35, v61  }
0xd4: {  	[tilespmem:v19+s18+$0x0] =	vst.idx.msk $0xffff, v26;
	v31 =	vadd.s32 v27, v4;
	v27 =	vadd.f32 v25, v63;
	v25 =	vld [tilespmem:$0x1FC60]  }
0xd5: {  	v19 =	vadd.f32 v28, v61;
	[tilespmem:v15+s18+$0x0] =	vst.idx.msk $0xffff, v35;
	v15 =	vld [tilespmem:$0x1FC70]  }
0xd6: {  	v37 =	vadd.f32 v40, v60;
	v40 =	vld [tilespmem:s14+$0xFFFFFF90];
	v28 =	vadd.f32 v23, v61  }
0xd7: {  	[tilespmem:v16+s18+$0x0] =	vst.idx.msk $0xffff, v19;
	v16 =	vld [tilespmem:$0x1FC80];
	v0 =	vadd.s32 v0, v33  }
0xd8: {  	v22 =	vadd.s32 v22, v9;
	[tilespmem:v17+s18+$0x0] =	vst.idx.msk $0xffff, v28;
	v17 =	vld [tilespmem:$0x1FF10]  }
0xd9: {  	v36 =	vadd.f32 v36, v63;
	v32 =	vadd.f32 v32, v63;
	v25 =	vadd.s32 v25, v7;
	v7 =	vmovc v20;
	v20 =	vld [tilespmem:$0x1FE30]  }
0xda: {  	v26 =	vadd.f32 v29, v60;
	v50 =	vadd.f32 v38, v62;
	v38 =	vadd.s32 v15, v6;
	v15 =	vld [tilespmem:$0x1FE70]  }
0xdb: {  	v47 =	vbroadcast v47, $0x0;
	v29 =	vadd.f32 v44, v61;
	[tilespmem:v3+s18+$0x0] =	vst.idx.msk $0xffff, v37;
	v21 =	vadd.s32 v21, v33;
	v35 =	vld [tilespmem:$0x1FEA0]  }
0xdc: {  	v23 =	vadd.s32 v57, v45;
	v37 =	vadd.s32 v43, v8;
	v8 =	vmov v33;
	[tilespmem:v0+s18+$0x0] =	vst.idx.msk $0xffff, v32;
	v0 =	vld [tilespmem:s2+$0xFFFFFF20]  }
0xdd: {  	v28 =	vadd.s32 v17, v8;
	v17 =	vadd.f32 v39, v60;
	v32 =	vadd.f32 v49, v62;
	v49 =	vld [tilespmem:s2+$0xF0]  }
0xde: {  	v3 =	vmovc v42;
	v42 =	vadd.f32 v40, v62;
	v39 =	vadd.s32 v16, v10;
	v10 =	vmovc v34;
	v6 =	vmov v45;
	v44 =	vld [tilespmem:s14+$0xFFFFFFD0]  }
0xdf: {  	p1 =	slt.u32 s13, $0x78;
	v20 =	vadd.s32 v20, v47;
	[tilespmem:v48+s18+$0x0] =	vst.idx.msk $0xffff, v17;
	v33 =	vadd.s32 v15, v9;
	v9 =	vmov v47;
	v47 =	vld [tilespmem:$0x1FEE0]  }
.Ltmp0:
0xe0: {  	v40 =	vld [tilespmem:s2+$0xB0];
	v16 =	vadd.s32 v58, v6;
	v17 =	vadd.s32 v54, v10;
	[tilespmem:v41+s18+$0x0] =	vst.idx.msk $0xffff, v50;
	(pc) =	sbr.rel @p1 .LBB2_3-.Ltmp0, $4  }
0xe1: {  	v50 =	vld [tilespmem:$0x1FEF0];
	[tilespmem:v11+s18+$0x0] =	vst.idx.msk $0xffff, v29;
	v11 =	vmov v21;
	v21 =	vadd.s32 v52, v10;
	v0 =	vadd.f32 v0, v61  }
0xe2: {  	v29 =	vadd.s32 v35, v30;
	v15 =	vadd.s32 v56, v7;
	v43 =	vld [tilespmem:s2+$0xFFFFFFF0];
	[tilespmem:v46+s18+$0x0] =	vst.idx.msk $0xffff, v32  }
0xe3: {  	v19 =	vadd.s32 v51, v9;
	v45 =	vadd.f32 v49, v60;
	[tilespmem:v22+s18+$0x0] =	vst.idx.msk $0xffff, v0;
	v0 =	vld [tilespmem:s2+$0x70]  }
0xe4: {  	s13 =	sadd.s32 $0x8, s13;
	v34 =	vadd.f32 v44, v62;
	v44 =	vadd.s32 v59, v7;
	v32 =	vadd.s32 v47, v4;
	v41 =	vld [tilespmem:s2+$0xFFFFFF30];
	s2 =	smov.u32 s14;
	s14 =	sadd.s32 $0x200, s14  }
0xe5: {  	_ =	sdelay $0x3  }
0xe6: {  	[tilespmem:v24+s18+$0x0] =	vst.idx.msk $0xffff, v36  }
0xe7: {  	[tilespmem:v31+s18+$0x0] =	vst.idx.msk $0xffff, v42  }
0xe8: {  	[tilespmem:v18+s18+$0x0] =	vst.idx.msk $0xffff, v14  }
0xe9: {  	[tilespmem:v39+s18+$0x0] =	vst.idx.msk $0xffff, v45  }
0xea: {  	[tilespmem:v44+s18+$0x0] =	vst.idx.msk $0xffff, v27;
	v18 =	vld [tilespmem:s2+$0xD0]  }
0xeb: {  	v22 =	vadd.f32 v40, v60;
	[tilespmem:v20+s18+$0x0] =	vst.idx.msk $0xffff, v13;
	v2 =	vadd.s32 v50, v2  }
0xec: {  	[tilespmem:v28+s18+$0x0] =	vst.idx.msk $0xffff, v34;
	v59 =	vadd.f32 v43, v60  }
0xed: {  	[tilespmem:v38+s18+$0x0] =	vst.idx.msk $0xffff, v22;
	v0 =	vadd.f32 v0, v60  }
0xee: {  	[tilespmem:v37+s18+$0x0] =	vst.idx.msk $0xffff, v59  }
0xef: {  	[tilespmem:v25+s18+$0x0] =	vst.idx.msk $0xffff, v0;
	v31 =	vadd.f32 v18, v62  }
0xf0: {  	v63 =	vld [tilespmem:s2+$0x90];
	[tilespmem:v2+s18+$0x0] =	vst.idx.msk $0xffff, v26  }
0xf1: {  	v30 =	vld [tilespmem:s2+$0x50];
	[tilespmem:v21+s18+$0x0] =	vst.idx.msk $0xffff, v31  }
0xf2: {  	v21 =	vld [tilespmem:$0x1FF50]  }
0xf3: {  	v35 =	vld [tilespmem:s2+$0xFFFFFF60]  }
0xf4: {  	v0 =	vld [tilespmem:s2+$0xFFFFFF10]  }
0xf5: {  	v2 =	vld [tilespmem:s2+$0x20];
	v14 =	vadd.f32 v63, v62  }
0xf6: {  	v36 =	vadd.f32 v30, v62;
	v37 =	vld [tilespmem:s2+$0xE0]  }
0xf7: {  	v39 =	vld [tilespmem:s2+$0xFFFFFFE0];
	v38 =	vadd.f32 v41, v60;
	[tilespmem:v23+s18+$0x0] =	vst.idx.msk $0xffff, v14;
	v21 =	vadd.s32 v21, v5  }
0xf8: {  	v40 =	vadd.f32 v35, v61;
	[tilespmem:v12+s18+$0x0] =	vst.idx.msk $0xffff, v36  }
0xf9: {  	[tilespmem:v33+s18+$0x0] =	vst.idx.msk $0xffff, v38;
	v0 =	vadd.f32 v0, v62  }
0xfa: {  	[tilespmem:v29+s18+$0x0] =	vst.idx.msk $0xffff, v40;
	v2 =	vadd.f32 v2, v61  }
0xfb: {  	v23 =	vld [tilespmem:s2+$0xA0];
	[tilespmem:v19+s18+$0x0] =	vst.idx.msk $0xffff, v0;
	v42 =	vadd.f32 v37, v61  }
0xfc: {  	v13 =	vld [tilespmem:s2+$0x60];
	[tilespmem:v21+s18+$0x0] =	vst.idx.msk $0xffff, v2;
	v2 =	vadd.f32 v39, v61  }
0xfd: {  	v44 =	vld [tilespmem:$0x1FE60];
	[tilespmem:v17+s18+$0x0] =	vst.idx.msk $0xffff, v42  }
0xfe: {  	v41 =	vld [tilespmem:s2+$0xFFFFFFA0];
	[tilespmem:v11+s18+$0x0] =	vst.idx.msk $0xffff, v2  }
0xff: {  	v49 =	vld [tilespmem:$0x1FF60]  }
0x100: {  	v0 =	vld [tilespmem:s2+$0xFFFFFF20]  }
0x101: {  	v43 =	vld [tilespmem:s2+$0xFFFFFF70];
	v46 =	vadd.f32 v23, v61  }
0x102: {  	v47 =	vadd.f32 v13, v61;
	v45 =	vld [tilespmem:s2+$0x30];
	v14 =	vadd.s32 v44, v9  }
0x103: {  	v48 =	vadd.f32 v41, v61;
	v2 =	vld [tilespmem:s2+$0xF0];
	[tilespmem:v16+s18+$0x0] =	vst.idx.msk $0xffff, v46  }
0x104: {  	v16 =	vld [tilespmem:$0x1FC80];
	[tilespmem:v15+s18+$0x0] =	vst.idx.msk $0xffff, v47;
	v51 =	vadd.s32 v49, v5  }
0x105: {  	v0 =	vadd.f32 v0, v61;
	v52 =	vld [tilespmem:s2+$0xFFFFFFF0];
	[tilespmem:v32+s18+$0x0] =	vst.idx.msk $0xffff, v48  }
0x106: {  	v54 =	vadd.f32 v43, v60;
	v15 =	vld [tilespmem:$0x1FC50]  }
0x107: {  	v58 =	vld [tilespmem:$0x1FC70];
	v57 =	vadd.f32 v45, v60;
	[tilespmem:v14+s18+$0x0] =	vst.idx.msk $0xffff, v0  }
0x108: {  	v0 =	vld [tilespmem:$0x1FC60];
	[tilespmem:v3+s18+$0x0] =	vst.idx.msk $0xffff, v54  }
0x109: {  	v56 =	vld [tilespmem:s2+$0xFFFFFFB0];
	[tilespmem:v51+s18+$0x0] =	vst.idx.msk $0xffff, v57  }
0x10a: {  	v10 =	vadd.s32 v16, v10;
	v61 =	vld [tilespmem:$0x1FE70]  }
0x10b: {  	v4 =	vadd.s32 v50, v4;
	v53 =	vld [tilespmem:s2+$0xB0]  }
0x10c: {  	v55 =	vld [tilespmem:s2+$0x70];
	v8 =	vadd.s32 v15, v8  }
0x10d: {  	v2 =	vadd.f32 v2, v60;
	v6 =	vadd.s32 v58, v6;
	v3 =	vld [tilespmem:s2+$0xFFFFFF30]  }
0x10e: {  	v63 =	vadd.f32 v56, v60;
	v0 =	vadd.s32 v0, v7  }
0x10f: {  	v59 =	vadd.f32 v52, v60;
	[tilespmem:v10+s18+$0x0] =	vst.idx.msk $0xffff, v2;
	v7 =	vadd.s32 v61, v9  }
0x110: {  	v2 =	vadd.f32 v53, v60;
	[tilespmem:v4+s18+$0x0] =	vst.idx.msk $0xffff, v63  }
0x111: {  	s6 =	sshll.u32 s29, $0x14;
	v62 =	vadd.f32 v55, v60;
	[tilespmem:v8+s18+$0x0] =	vst.idx.msk $0xffff, v59  }
0x112: {  	s2 =	sor.u32 s7, s6;
	[tilespmem:v6+s18+$0x0] =	vst.idx.msk $0xffff, v2;
	v2 =	vadd.f32 v3, v60  }
0x113: {  	s2 =	sshrl.u32 s2, $0x3;
	[tilespmem:v0+s18+$0x0] =	vst.idx.msk $0xffff, v62  }
0x114: {  	s8 =	simm.s32 $0x11600;
	s5 =	sadd.s32 s1, s2;
	[tilespmem:v7+s18+$0x0] =	vst.idx.msk $0xffff, v2  }
0x115: {  	[hbm4b:s5+s3] =	stream.linear.scatter [tilespmem:s8], [sflag:$0x5], $0x80, $0x38;
	[tilespmem:$0x19E00] =	vst v63  }
0x116: {  	s11 =	simm.s32 $0x11688;
	s6 =	sadd.s32 $0x10, s5  }
0x117: {  	[hbm4b:s6+s3] =	stream.linear.scatter [tilespmem:s11], [sflag:$0x5], $0x80, $0x38;
	[tilespmem:$0x19E00] =	vst v63  }
0x118: {  	s12 =	simm.s32 $0x11710;
	s13 =	sadd.s32 $0x20, s5  }
0x119: {  	[hbm4b:s13+s3] =	stream.linear.scatter [tilespmem:s12], [sflag:$0x5], $0x80, $0x38;
	[tilespmem:$0x19E00] =	vst v63  }
0x11a: {  	s14 =	simm.s32 $0x11798;
	s15 =	sadd.s32 $0x30, s5  }
0x11b: {  	[hbm4b:s15+s3] =	stream.linear.scatter [tilespmem:s14], [sflag:$0x5], $0x80, $0x38;
	[tilespmem:$0x19E00] =	vst v63  }
0x11c: {  	s8 =	simm.s32 $0x11820;
	s11 =	sadd.s32 $0x40, s5  }
0x11d: {  	[hbm4b:s11+s3] =	stream.linear.scatter [tilespmem:s8], [sflag:$0x5], $0x80, $0x38;
	[tilespmem:$0x19E00] =	vst v63  }
0x11e: {  	s2 =	simm.s32 $0x440;
	s12 =	simm.s32 $0x118A8;
	s13 =	sadd.s32 $0x50, s5  }
0x11f: {  	[hbm4b:s13+s3] =	stream.linear.scatter [tilespmem:s12], [sflag:$0x5], $0x80, $0x38;
	[tilespmem:$0x19E00] =	vst v63  }
0x120: {  	s30 =	sadd.s32 $0x70, s5;
	s14 =	simm.s32 $0x11930;
	s15 =	sadd.s32 $0x60, s5  }
0x121: {  	[hbm4b:s15+s3] =	stream.linear.scatter [tilespmem:s14], [sflag:$0x5], $0x80, $0x38;
	[tilespmem:$0x19E00] =	vst v63  }
0x122: {  	s11 =	sadd.s32 $0x1000, s5;
	s13 =	simm.s32 $0x2200;
	s14 =	simm.s32 $0x119B8  }
.LBB2_5:
0x123: {  	[hbm4b:s30+s3] =	stream.linear.scatter [tilespmem:s14], [sflag:$0x5], $0x80, $0x38;
	[tilespmem:$0x19E00] =	vst v63  }
0x124: {  	s5 =	smov.u32 s2;
	s2 =	smov.u32 s13  }
0x125: {  	s6 =	sadd.s32 $0x1100, s13;
	s2 =	sshra.s32 s2, $0x2;
	s12 =	sadd.s32 $0x11600, s5  }
0x126: {  	[hbm4b:s11+s3] =	stream.linear.scatter [tilespmem:s12], [sflag:$0x5], $0x80, $0x38;
	[tilespmem:$0x19E00] =	vst v63  }
0x127: {  	p1 =	sne.s32 s13, $0x7700;
	s13 =	sadd.s32 $0x10, s11;
	s12 =	sadd.s32 $0x11688, s5  }
0x128: {  	[hbm4b:s13+s3] =	stream.linear.scatter [tilespmem:s12], [sflag:$0x5], $0x80, $0x38;
	[tilespmem:$0x19E00] =	vst v63  }
0x129: {  	s12 =	sadd.s32 $0x11710, s5;
	s13 =	sadd.s32 $0x20, s11  }
0x12a: {  	[hbm4b:s13+s3] =	stream.linear.scatter [tilespmem:s12], [sflag:$0x5], $0x80, $0x38;
	[tilespmem:$0x19E00] =	vst v63  }
0x12b: {  	s12 =	sadd.s32 $0x11798, s5;
	s13 =	sadd.s32 $0x30, s11  }
0x12c: {  	[hbm4b:s13+s3] =	stream.linear.scatter [tilespmem:s12], [sflag:$0x5], $0x80, $0x38;
	[tilespmem:$0x19E00] =	vst v63  }
0x12d: {  	s12 =	sadd.s32 $0x11820, s5;
	s13 =	sadd.s32 $0x40, s11  }
0x12e: {  	[hbm4b:s13+s3] =	stream.linear.scatter [tilespmem:s12], [sflag:$0x5], $0x80, $0x38;
	[tilespmem:$0x19E00] =	vst v63  }
.Ltmp1:
0x12f: {  	s12 =	sadd.s32 $0x118A8, s5;
	s13 =	sadd.s32 $0x50, s11;
	(pc) =	sbr.rel @p1 .LBB2_5-.Ltmp1, $4  }
0x130: {  	[hbm4b:s13+s3] =	stream.linear.scatter [tilespmem:s12], [sflag:$0x5], $0x80, $0x38;
	[tilespmem:$0x19E00] =	vst v63  }
0x131: {  	s30 =	sadd.s32 $0x70, s11;
	s12 =	sadd.s32 $0x11930, s5;
	s13 =	sadd.s32 $0x60, s11  }
0x132: {  	[hbm4b:s13+s3] =	stream.linear.scatter [tilespmem:s12], [sflag:$0x5], $0x80, $0x38;
	[tilespmem:$0x19E00] =	vst v63  }
0x133: {  	s14 =	sadd.s32 $0x119B8, s5;
	s11 =	sadd.s32 $0x1000, s11;
	s13 =	smov.u32 s6  }
0x134: {  	[hbm4b:s30+s3] =	stream.linear.scatter [tilespmem:s14], [sflag:$0x5], $0x80, $0x38;
	[tilespmem:$0x19E00] =	vst v63  }
0x135: {  	s5 =	sadd.s32 $0x11600, s2  }
0x136: {  	[hbm4b:s11+s3] =	stream.linear.scatter [tilespmem:s5], [sflag:$0x5], $0x80, $0x38;
	[tilespmem:$0x19E00] =	vst v63  }
0x137: {  	s13 =	sadd.s32 $0x11688, s2;
	s6 =	sadd.s32 $0x10, s11  }
0x138: {  	[hbm4b:s6+s3] =	stream.linear.scatter [tilespmem:s13], [sflag:$0x5], $0x80, $0x38;
	[tilespmem:$0x19E00] =	vst v63  }
0x139: {  	s14 =	sadd.s32 $0x11710, s2;
	s15 =	sadd.s32 $0x20, s11  }
0x13a: {  	[hbm4b:s15+s3] =	stream.linear.scatter [tilespmem:s14], [sflag:$0x5], $0x80, $0x38;
	[tilespmem:$0x19E00] =	vst v63  }
0x13b: {  	s8 =	sadd.s32 $0x30, s11;
	s6 =	sadd.s32 $0x11798, s2  }
0x13c: {  	[hbm4b:s8+s3] =	stream.linear.scatter [tilespmem:s6], [sflag:$0x5], $0x80, $0x38;
	[tilespmem:$0x19E00] =	vst v63  }
0x13d: {  	s12 =	sadd.s32 $0x11820, s2;
	s13 =	sadd.s32 $0x40, s11  }
0x13e: {  	[hbm4b:s13+s3] =	stream.linear.scatter [tilespmem:s12], [sflag:$0x5], $0x80, $0x38;
	[tilespmem:$0x19E00] =	vst v63  }
0x13f: {  	s14 =	sadd.s32 $0x118A8, s2;
	s15 =	sadd.s32 $0x50, s11  }
0x140: {  	[hbm4b:s15+s3] =	stream.linear.scatter [tilespmem:s14], [sflag:$0x5], $0x80, $0x38;
	[tilespmem:$0x19E00] =	vst v63  }
0x141: {  	s6 =	sadd.s32 $0x11930, s2;
	s8 =	sadd.s32 $0x60, s11  }
0x142: {  	[hbm4b:s8+s3] =	stream.linear.scatter [tilespmem:s6], [sflag:$0x5], $0x80, $0x38;
	[tilespmem:$0x19E00] =	vst v63  }
0x143: {  	s30 =	sor.u32 $0x3, s0;
	s12 =	sadd.s32 $0x119B8, s2;
	s13 =	sadd.s32 $0x70, s11  }
0x144: {  	[hbm4b:s13+s3] =	stream.linear.scatter [tilespmem:s12], [sflag:$0x5], $0x80, $0x38;
	[tilespmem:$0x19E00] =	vst v63  }
0x145: {  	s14 =	sshll.u32 s30, $0x7;
	_ =	swait.ge [sflag:s19], $0x2000  }
0x146: {  	s2 =	sand.u32 $0x3FFFFF80, s14;
	[sflag:s19] =	ssyncset.done $0x0  }
0x147: {  	s2 =	sadd.s32 $0x3200, s2;
	[sflag:s19] =	ssyncadd.s32 $0xFFFFE000  }
0x148: {  	[tilespmem:s20], [sflag:$0x4] =	stream.indirect.gather [hbm4b:s4+s10], $0x40, s2, s10, $0xb8;
	[tilespmem:$0x19E00] =	vst v63  }
0x149: {  	s2 =	simm.s32 @!p0 $0x6  }
0x14a: {  	_ =	swait.ge @!p0 [sflag:s2], $0x2000  }
0x14b: {  	v42 =	vld [tilespmem:$0x1FE30]  }
0x14c: {  	v36 =	vld [tilespmem:$0x1FC90]  }
0x14d: {  	v53 =	vld [tilespmem:$0x1FDD0]  }
0x14e: {  	v54 =	vld [tilespmem:$0x1FCC0]  }
0x14f: {  	s0 =	sor.u32 $0x1, s0;
	s6 =	simm.s32 $0x0;
	v55 =	vld [tilespmem:$0x1FCD0]  }
0x150: {  	s8 =	simm.s32 $0x2;
	s12 =	sshll.u32 s0, $0x6;
	[sflag:s2] =	ssyncset.done @!p0 $0x0;
	v57 =	vld [tilespmem:$0x1FD50]  }
0x151: {  	s15 =	simm.s32 $0x1;
	v3 =	vmov s8;
	v2 =	vmov s6;
	s8 =	sand.u32 $0x3FFFFFC0, s12;
	v26 =	vld [tilespmem:$0x1FCA0];
	[sflag:s2] =	ssyncadd.s32 @!p0 $0xFFFFE000  }
0x152: {  	v0 =	vmov s15;
	s15 =	simm.s32 $0x7;
	v7 =	vshrl.u32 v2, $0x3;
	s2 =	simm.s32 $0xB7F0;
	v2 =	vld [tilespmem:s8+$0x0]  }
0x153: {  	v6 =	vmov s15;
	v7 =	vshll.u32 v7, v1;
	v9 =	vld [tilespmem:s2+$0xFFFFFE10]  }
0x154: {  	v6 =	vshrl.u32 v6, $0x3;
	s12 =	simm.s32 $0x3;
	v7 =	vbroadcast v7, $0x0;
	v10 =	vld [tilespmem:s2+$0xFFFFFF50]  }
0x155: {  	v6 =	vshll.u32 v6, v1;
	v8 =	vmov s12;
	v12 =	vld [tilespmem:s2+$0xFFFFFFD0]  }
0x156: {  	v15 =	vbroadcast v6, $0x0;
	v8 =	vshrl.u32 v8, $0x3;
	v6 =	vld [tilespmem:s2+$0xFFFFFE90];
	v13 =	vadd.s32 v36, v7  }
0x157: {  	v8 =	vshll.u32 v8, v1;
	v16 =	vld [tilespmem:s2+$0xFFFFFED0]  }
0x158: {  	s14 =	simm.s32 $0x5;
	v56 =	vbroadcast v8, $0x0;
	v8 =	vld [tilespmem:s2+$0xFFFFFE50]  }
0x159: {  	v5 =	vmov s14;
	v62 =	vld [tilespmem:s8+$0x10];
	v9 =	vadd.f32 v9, v2  }
0x15a: {  	v5 =	vshrl.u32 v5, $0x3;
	v61 =	vld [tilespmem:s8+$0x20]  }
0x15b: {  	v5 =	vshll.u32 v5, v1;
	v60 =	vld [tilespmem:s8+$0x30];
	[tilespmem:v13+s18+$0x0] =	vst.idx.msk $0xffff, v9  }
0x15c: {  	v0 =	vshrl.u32 v0, $0x3;
	v38 =	vbroadcast v5, $0x0;
	v52 =	vld [tilespmem:$0x1FCE0]  }
0x15d: {  	v0 =	vshll.u32 v0, v1;
	s13 =	simm.s32 $0x4;
	v9 =	vld [tilespmem:s2+$0xFFFFFF90]  }
0x15e: {  	v0 =	vbroadcast v0, $0x0;
	v4 =	vmov s13;
	s13 =	simm.s32 $0x6;
	v14 =	vadd.s32 v53, v38;
	v58 =	vld [tilespmem:$0x1FDE0]  }
0x15f: {  	v3 =	vshrl.u32 v3, $0x3;
	v11 =	vmov s13;
	v25 =	vadd.f32 v16, v2;
	v16 =	vld [tilespmem:s2+$0xFFFFFE20]  }
0x160: {  	v3 =	vshll.u32 v3, v1;
	v11 =	vshrl.u32 v11, $0x3;
	v59 =	vld [tilespmem:$0x1FD90]  }
0x161: {  	v10 =	vadd.f32 v10, v2;
	v13 =	vbroadcast v3, $0x0;
	v63 =	vld [tilespmem:$0x1FDB0];
	v3 =	vadd.s32 v52, v0  }
0x162: {  	v11 =	vshll.u32 v11, v1;
	v51 =	vld [tilespmem:$0x1FD10];
	[tilespmem:$0x1FB60] =	vst v3  }
0x163: {  	v21 =	vbroadcast v11, $0x0;
	v11 =	vld [tilespmem:$0x1FD40];
	[tilespmem:v14+s18+$0x0] =	vst.idx.msk $0xffff, v10  }
0x164: {  	v34 =	vld [tilespmem:$0x1FD60]  }
0x165: {  	v30 =	vadd.s32 $0x2207, v42  }
0x166: {  	v17 =	vadd.s32 v30, v15;
	_ =	sdelay $0x2  }
0x167: {  	v12 =	vadd.f32 v12, v2;
	v3 =	vadd.s32 v34, v56  }
0x168: {  	[tilespmem:$0x1FB80] =	vst v3  }
0x169: {  	[tilespmem:v17+s18+$0x0] =	vst.idx.msk $0xffff, v12  }
0x16a: {  	v35 =	vld [tilespmem:$0x1FE20];
	_ =	sdelay $0x1  }
0x16b: {  	v43 =	vld [tilespmem:$0x1FCB0];
	_ =	sdelay $0x2  }
0x16c: {  	v3 =	vadd.s32 v35, v21  }
0x16d: {  	v10 =	vld [tilespmem:s2+$0xFFFFFF60];
	[tilespmem:$0x1FBC0] =	vst v3  }
0x16e: {  	v3 =	vadd.s32 v43, v7;
	v22 =	vld [tilespmem:s2+$0xFFFFFFE0]  }
0x16f: {  	[tilespmem:$0x1FBA0] =	vst v3;
	v3 =	vld [tilespmem:$0x1FDA0]  }
0x170: {  	v4 =	vshrl.u32 v4, $0x3  }
0x171: {  	v4 =	vshll.u32 v4, v1  }
0x172: {  	v33 =	vbroadcast v4, $0x0;
	_ =	sdelay $0x1  }
0x173: {  	v29 =	vld [tilespmem:$0x1FCF0];
	v3 =	vadd.s32 v3, v33  }
0x174: {  	v18 =	vadd.s32 v51, v13;
	[tilespmem:$0x1FB50] =	vst v3;
	v3 =	vld [tilespmem:$0x1FD00];
	_ =	sdelay $0x2  }
0x175: {  	v6 =	vadd.f32 v6, v2  }
0x176: {  	v19 =	vadd.s32 v55, v0;
	v32 =	vadd.f32 v9, v2  }
0x177: {  	v12 =	vadd.s32 v29, v0;
	v9 =	vadd.s32 v3, v0;
	v0 =	vld [tilespmem:$0x1FD20];
	[tilespmem:v18+s18+$0x0] =	vst.idx.msk $0xffff, v6  }
0x178: {  	v3 =	vld [tilespmem:$0x1FDF0];
	_ =	sdelay $0x4  }
0x179: {  	v5 =	vadd.s32 v54, v7;
	v23 =	vadd.s32 v26, v7;
	v7 =	vld [tilespmem:s2+$0xFFFFFF10];
	v14 =	vadd.s32 v3, v38  }
0x17a: {  	v4 =	vadd.f32 v8, v2;
	v40 =	vld [tilespmem:s2+$0xFFFFFEA0];
	v3 =	vadd.s32 $0x3B86, v42;
	[tilespmem:$0x1FBB0] =	vst v14  }
0x17b: {  	v6 =	vld [tilespmem:$0x1FE10];
	[tilespmem:$0x1FBD0] =	vst v3  }
0x17c: {  	v14 =	vld [tilespmem:$0x1FE40];
	[tilespmem:v19+s18+$0x0] =	vst.idx.msk $0xffff, v4  }
0x17d: {  	v17 =	vadd.s32 v3, v21;
	v3 =	vld [tilespmem:$0x1FD30];
	_ =	sdelay $0x3  }
0x17e: {  	v39 =	vadd.s32 v11, v13  }
0x17f: {  	v37 =	vadd.f32 v16, v62;
	v16 =	vadd.s32 v0, v13;
	v13 =	vadd.s32 v3, v13;
	v3 =	vld [tilespmem:$0x1FD70]  }
0x180: {  	s11 =	simm.s32 $0xC;
	s15 =	simm.s32 $0x8  }
0x181: {  	v44 =	vmov s11;
	v50 =	vmov s15;
	s13 =	simm.s32 $0xF  }
0x182: {  	v46 =	vmov s13;
	v20 =	vadd.s32 v57, v56;
	v24 =	vadd.s32 $0x2A87, v42  }
0x183: {  	v28 =	vadd.s32 v59, v33;
	v0 =	vadd.s32 v6, v21;
	v4 =	vadd.s32 $0x3307, v42  }
0x184: {  	v19 =	vld [tilespmem:s2+$0xFFFFFE60];
	[tilespmem:$0x1FB20] =	vst v4;
	v14 =	vadd.s32 v14, v21;
	v21 =	vadd.s32 v3, v56;
	v3 =	vadd.s32 $0x3B87, v42  }
0x185: {  	v27 =	vadd.s32 v58, v38;
	v41 =	vadd.f32 v22, v62;
	[tilespmem:$0x1FB30] =	vst v3;
	v3 =	vadd.s32 v3, v15  }
0x186: {  	s11 =	simm.s32 $0xB9F0;
	s14 =	simm.s32 $0x9;
	v31 =	vadd.s32 v24, v15;
	v7 =	vadd.f32 v7, v2;
	v22 =	vadd.f32 v40, v62;
	[tilespmem:$0x1FBE0] =	vst v3  }
0x187: {  	v40 =	vshrl.u32 v50, $0x3;
	v42 =	vadd.s32 v4, v15;
	v15 =	vmov s14;
	v47 =	vld [tilespmem:s11+$0xFFFFFF50]  }
0x188: {  	v10 =	vadd.f32 v10, v62;
	v40 =	vshll.u32 v40, v1;
	v15 =	vshrl.u32 v15, $0x3;
	v50 =	vld [tilespmem:s11+$0xFFFFFE10];
	[tilespmem:v28+s18+$0x0] =	vst.idx.msk $0xffff, v7  }
0x189: {  	v46 =	vshrl.u32 v46, $0x3;
	v48 =	vbroadcast v40, $0x0;
	[tilespmem:v20+s18+$0x0] =	vst.idx.msk $0xffff, v25;
	v28 =	vld [tilespmem:s11+$0xFFFFFFD0];
	v15 =	vshll.u32 v15, v1  }
0x18a: {  	v20 =	vshll.u32 v46, v1;
	[tilespmem:v27+s18+$0x0] =	vst.idx.msk $0xffff, v10;
	v27 =	vld [tilespmem:s11+$0xFFFFFE50];
	v46 =	vbroadcast v15, $0x0  }
0x18b: {  	[tilespmem:v23+s18+$0x0] =	vst.idx.msk $0xffff, v37;
	v37 =	vadd.s32 v36, v48;
	v25 =	vld [tilespmem:s2+$0xFFFFFF20]  }
0x18c: {  	v23 =	vbroadcast v20, $0x0;
	v20 =	vld [tilespmem:s11+$0xFFFFFE90];
	[tilespmem:$0x1FB40] =	vst v30;
	v3 =	vadd.s32 v55, v46  }
0x18d: {  	v15 =	vadd.s32 v54, v48;
	v54 =	vld [tilespmem:s11+$0xFFFFFED0];
	[tilespmem:$0x1FB90] =	vst v3  }
0x18e: {  	v50 =	vadd.f32 v50, v2;
	[tilespmem:v31+s18+$0x0] =	vst.idx.msk $0xffff, v41  }
0x18f: {  	s8 =	simm.s32 $0xA;
	[tilespmem:v0+s18+$0x0] =	vst.idx.msk $0xffff, v32  }
0x190: {  	v18 =	vmov v26;
	v26 =	vmov s8;
	[tilespmem:v37+s18+$0x0] =	vst.idx.msk $0xffff, v50  }
0x191: {  	v55 =	vshrl.u32 v26, $0x3;
	v26 =	vld [tilespmem:$0x1FB50];
	_ =	sdelay $0x2  }
0x192: {  	s14 =	simm.s32 $0xB  }
0x193: {  	v40 =	vmov s14  }
0x194: {  	v10 =	vshrl.u32 v40, $0x3  }
0x195: {  	v10 =	vshll.u32 v10, v1;
	v25 =	vadd.f32 v25, v62  }
0x196: {  	v10 =	vbroadcast v10, $0x0  }
0x197: {  	[tilespmem:v26+s18+$0x0] =	vst.idx.msk $0xffff, v25;
	v25 =	vshll.u32 v55, v1  }
0x198: {  	s12 =	simm.s32 $0xD;
	v3 =	vadd.s32 v57, v10;
	v57 =	vbroadcast v25, $0x0;
	v25 =	vld [tilespmem:$0x1FB60]  }
0x199: {  	v45 =	vmov s12  }
0x19a: {  	v45 =	vshrl.u32 v45, $0x3  }
0x19b: {  	v45 =	vshll.u32 v45, v1;
	v32 =	vld [tilespmem:s2+$0xFFFFFFF0]  }
0x19c: {  	v7 =	vbroadcast v45, $0x0  }
0x19d: {  	v0 =	vadd.f32 v47, v2;
	v47 =	vld [tilespmem:s2+$0xFFFFFFA0]  }
0x19e: {  	v19 =	vadd.f32 v19, v62;
	v45 =	vadd.s32 v53, v7;
	v37 =	vld [tilespmem:s2+$0xFFFFFEE0]  }
0x19f: {  	v50 =	vld [tilespmem:s11+$0xFFFFFF90]  }
0x1a0: {  	v40 =	vadd.s32 v58, v7;
	v58 =	vld [tilespmem:s2+$0xFFFFFF30];
	[tilespmem:v25+s18+$0x0] =	vst.idx.msk $0xffff, v19;
	v25 =	vadd.f32 v32, v61  }
0x1a1: {  	v55 =	vld [tilespmem:s2+$0xFFFFFE70];
	[tilespmem:$0x1FB70] =	vst v24  }
0x1a2: {  	[tilespmem:v42+s18+$0x0] =	vst.idx.msk $0xffff, v25  }
0x1a3: {  	[tilespmem:v45+s18+$0x0] =	vst.idx.msk $0xffff, v0  }
0x1a4: {  	v0 =	vld [tilespmem:$0x1FE00];
	_ =	sdelay $0x4  }
0x1a5: {  	s15 =	simm.s32 $0xE;
	v38 =	vadd.s32 v0, v38;
	v0 =	vld [tilespmem:$0x1FB80]  }
0x1a6: {  	v49 =	vmov s15;
	v4 =	vadd.s32 v30, v23  }
0x1a7: {  	v31 =	vshrl.u32 v49, $0x3;
	v49 =	vadd.f32 v20, v2;
	v20 =	vshrl.u32 v44, $0x3  }
0x1a8: {  	v20 =	vshll.u32 v20, v1  }
0x1a9: {  	v20 =	vbroadcast v20, $0x0  }
0x1aa: {  	v28 =	vadd.f32 v28, v2  }
0x1ab: {  	v32 =	vadd.s32 v59, v20;
	v59 =	vadd.f32 v37, v62  }
0x1ac: {  	[tilespmem:v4+s18+$0x0] =	vst.idx.msk $0xffff, v28  }
0x1ad: {  	[tilespmem:v0+s18+$0x0] =	vst.idx.msk $0xffff, v59  }
0x1ae: {  	v4 =	vld [tilespmem:$0x1FDC0];
	_ =	sdelay $0x4  }
0x1af: {  	v8 =	vadd.s32 v63, v33;
	v33 =	vadd.s32 v4, v33;
	v4 =	vld [tilespmem:$0x1FB90];
	_ =	sdelay $0x5  }
0x1b0: {  	v53 =	vadd.f32 v54, v2;
	v54 =	vadd.f32 v27, v2;
	_ =	sdelay $0x1  }
0x1b1: {  	v0 =	vld [tilespmem:$0x1FD80];
	[tilespmem:v4+s18+$0x0] =	vst.idx.msk $0xffff, v54  }
0x1b2: {  	v4 =	vld [tilespmem:$0x1FDA0];
	_ =	sdelay $0x1  }
0x1b3: {  	v44 =	vshll.u32 v31, v1  }
0x1b4: {  	v42 =	vbroadcast v44, $0x0  }
0x1b5: {  	v30 =	vadd.s32 v63, v20;
	v26 =	vld [tilespmem:s2+$0xFFFFFE30];
	v59 =	vadd.s32 v51, v57;
	[tilespmem:v3+s18+$0x0] =	vst.idx.msk $0xffff, v53  }
0x1b6: {  	v63 =	vadd.f32 v47, v62;
	v47 =	vadd.s32 v35, v42;
	v35 =	vadd.s32 v4, v20;
	v4 =	vld [tilespmem:$0x1FD00];
	_ =	sdelay $0x3  }
0x1b7: {  	v51 =	vld [tilespmem:s2+$0xFFFFFF70];
	[tilespmem:v59+s18+$0x0] =	vst.idx.msk $0xffff, v49  }
0x1b8: {  	v25 =	vadd.s32 v34, v10;
	v34 =	vadd.f32 v26, v61;
	v26 =	vadd.s32 v4, v46;
	v4 =	vld [tilespmem:$0x1FD20];
	_ =	sdelay $0x3  }
0x1b9: {  	v45 =	vadd.f32 v50, v2;
	v50 =	vadd.f32 v55, v61  }
0x1ba: {  	v55 =	vadd.f32 v58, v61;
	v58 =	vadd.f32 v51, v61;
	v51 =	vadd.s32 v4, v57;
	v4 =	vld [tilespmem:$0x1FBA0];
	_ =	sdelay $0x3  }
0x1bb: {  	v28 =	vadd.s32 v0, v56;
	v0 =	vld [tilespmem:s2+$0x0];
	_ =	sdelay $0x3  }
0x1bc: {  	[tilespmem:v4+s18+$0x0] =	vst.idx.msk $0xffff, v34  }
0x1bd: {  	v49 =	vadd.f32 v0, v60;
	v0 =	vld [tilespmem:$0x1FBB0];
	_ =	sdelay $0x7  }
0x1be: {  	[tilespmem:v0+s18+$0x0] =	vst.idx.msk $0xffff, v58  }
0x1bf: {  	v0 =	vld [tilespmem:$0x1FDF0];
	_ =	sdelay $0x4  }
0x1c0: {  	v27 =	vadd.s32 v52, v46;
	v52 =	vadd.s32 v0, v7;
	v0 =	vld [tilespmem:$0x1FE40];
	_ =	sdelay $0x4  }
0x1c1: {  	v31 =	vadd.s32 v24, v23;
	v24 =	vadd.s32 v43, v48;
	v43 =	vadd.s32 v0, v42;
	v0 =	vld [tilespmem:$0x1FBC0];
	_ =	sdelay $0x7  }
0x1c2: {  	v44 =	vld [tilespmem:s11+$0xFFFFFE20];
	[tilespmem:v0+s18+$0x0] =	vst.idx.msk $0xffff, v63  }
0x1c3: {  	v4 =	vld [tilespmem:$0x1FBE0];
	_ =	sdelay $0x2  }
0x1c4: {  	v0 =	vld [tilespmem:$0x1FBD0];
	_ =	sdelay $0x1  }
0x1c5: {  	v56 =	vadd.f32 v44, v62;
	v44 =	vld [tilespmem:s11+$0xFFFFFF60]  }
0x1c6: {  	v3 =	vld [tilespmem:s11+$0xFFFFFFE0]  }
0x1c7: {  	v37 =	vadd.s32 v29, v46;
	v46 =	vld [tilespmem:s11+$0xFFFFFF10]  }
0x1c8: {  	v29 =	vadd.s32 v0, v42;
	v0 =	vld [tilespmem:$0x1FD30];
	[tilespmem:v4+s18+$0x0] =	vst.idx.msk $0xffff, v49  }
0x1c9: {  	v4 =	vld [tilespmem:$0x1FD70]  }
0x1ca: {  	v41 =	vadd.s32 v18, v48;
	v48 =	vld [tilespmem:s2+$0xFFFFFEF0]  }
0x1cb: {  	v54 =	vld [tilespmem:s11+$0xFFFFFEA0]  }
0x1cc: {  	v19 =	vadd.s32 v11, v57;
	v58 =	vld [tilespmem:s11+$0xFFFFFE60]  }
0x1cd: {  	v53 =	vadd.s32 v6, v42;
	v59 =	vadd.f32 v44, v62;
	v63 =	vld [tilespmem:s2+$0xFFFFFE40];
	v49 =	vadd.f32 v3, v62  }
0x1ce: {  	s13 =	simm.s32 $0x10;
	s14 =	simm.s32 $0xBBF0;
	v44 =	vadd.s32 v0, v57;
	v0 =	vld [tilespmem:s2+$0xFFFFFF80];
	v57 =	vadd.f32 v46, v2;
	v34 =	vadd.s32 v4, v10  }
.LBB2_7:
0x1cf: {  	v3 =	vld [tilespmem:$0x1FB20];
	_ =	sdelay $0x4  }
0x1d0: {  	v46 =	vadd.s32 v3, v23;
	v3 =	vld [tilespmem:$0x1FB30];
	_ =	sdelay $0x1  }
0x1d1: {  	[tilespmem:v16+s18+$0x0] =	vst.idx.msk $0xffff, v22  }
0x1d2: {  	s15 =	smov.u32 s13;
	[tilespmem:v41+s18+$0x0] =	vst.idx.msk $0xffff, v56  }
0x1d3: {  	s6 =	sadd.s32 $0x2, s13;
	v41 =	vld [tilespmem:s2+$0xFFFFFEB0];
	[tilespmem:v12+s18+$0x0] =	vst.idx.msk $0xffff, v50;
	v12 =	vmov v37;
	v37 =	vmov s15;
	v22 =	vadd.f32 v54, v62  }
0x1d4: {  	[tilespmem:v8+s18+$0x0] =	vst.idx.msk $0xffff, v55;
	v54 =	vadd.f32 v63, v60;
	v6 =	vadd.s32 v3, v23;
	v3 =	vmovc v47;
	v47 =	vmov s6;
	s6 =	sadd.s32 $0x5, s13  }
0x1d5: {  	v42 =	vmovc v52;
	v8 =	vmov v30;
	v30 =	vshrl.u32 v37, $0x3;
	[tilespmem:$0x1FB00] =	vst v3;
	v52 =	vmov s6;
	s6 =	sadd.s32 $0x7, s15;
	v3 =	vld [tilespmem:$0x1FDD0]  }
0x1d6: {  	v30 =	vshll.u32 v30, v1;
	[tilespmem:v5+s18+$0x0] =	vst.idx.msk $0xffff, v54;
	v63 =	vmov s6;
	v37 =	vshrl.u32 v52, $0x3  }
0x1d7: {  	v5 =	vmovc v15;
	v52 =	vadd.f32 v58, v62;
	v58 =	vshrl.u32 v63, $0x3;
	v15 =	vshll.u32 v37, v1  }
0x1d8: {  	v41 =	vadd.f32 v41, v61;
	v37 =	vshll.u32 v58, v1;
	v58 =	vbroadcast v15, $0x0  }
0x1d9: {  	v54 =	vadd.f32 v48, v61;
	v48 =	vbroadcast v30, $0x0;
	v30 =	vld [tilespmem:s14+$0xFFFFFE90]  }
0x1da: {  	[tilespmem:v13+s18+$0x0] =	vst.idx.msk $0xffff, v41;
	v13 =	vmov v44;
	v44 =	vadd.s32 v3, v58;
	v3 =	vld [tilespmem:$0x1FB40]  }
0x1db: {  	s5 =	sadd.s32 $0x1, s13;
	[tilespmem:v40+s18+$0x0] =	vst.idx.msk $0xffff, v59;
	v50 =	vld [tilespmem:s2+$0xFFFFFFB0];
	v0 =	vadd.f32 v0, v60  }
0x1dc: {  	v55 =	vld [tilespmem:s14+$0xFFFFFF50];
	v23 =	vmov s5  }
0x1dd: {  	[tilespmem:v38+s18+$0x0] =	vst.idx.msk $0xffff, v0;
	v0 =	vld [tilespmem:$0x1FCC0];
	v15 =	vshrl.u32 v23, $0x3;
	v23 =	vbroadcast v37, $0x0;
	_ =	sdelay $0x1  }
0x1de: {  	[tilespmem:$0x1FB10] =	vst v6;
	v6 =	vadd.s32 v3, v23;
	v3 =	vld [tilespmem:$0x1FCD0];
	_ =	sdelay $0x1  }
0x1df: {  	[tilespmem:v53+s18+$0x0] =	vst.idx.msk $0xffff, v45;
	v53 =	vadd.s32 v36, v48;
	v36 =	vshll.u32 v15, v1  }
0x1e0: {  	v50 =	vadd.f32 v50, v61;
	v45 =	vld [tilespmem:s14+$0xFFFFFE10];
	v15 =	vadd.s32 v0, v48;
	v0 =	vbroadcast v36, $0x0  }
0x1e1: {  	s12 =	sadd.s32 $0x3, s13  }
0x1e2: {  	v59 =	vmov s12;
	[tilespmem:v14+s18+$0x0] =	vst.idx.msk $0xffff, v50;
	v14 =	vmov v43;
	v43 =	vadd.s32 v3, v0;
	v3 =	vld [tilespmem:$0x1FD50]  }
0x1e3: {  	[tilespmem:v32+s18+$0x0] =	vst.idx.msk $0xffff, v57;
	v40 =	vld [tilespmem:s2+$0xFFFFFE80];
	v41 =	vshrl.u32 v59, $0x3  }
0x1e4: {  	v32 =	vld [tilespmem:s2+$0xFFFFFF40];
	v41 =	vshll.u32 v41, v1  }
0x1e5: {  	v38 =	vld [tilespmem:s14+$0xFFFFFED0];
	[tilespmem:v21+s18+$0x0] =	vst.idx.msk $0xffff, v54;
	v54 =	vbroadcast v41, $0x0;
	v36 =	vadd.f32 v45, v2  }
0x1e6: {  	v21 =	vld [tilespmem:s2+$0xFFFFFFC0]  }
0x1e7: {  	[tilespmem:v53+s18+$0x0] =	vst.idx.msk $0xffff, v36;
	v53 =	vadd.s32 v3, v54;
	v3 =	vld [tilespmem:$0x1FDE0]  }
0x1e8: {  	s8 =	sadd.s32 $0x6, s13  }
0x1e9: {  	v32 =	vadd.f32 v32, v60;
	v63 =	vmov s8  }
0x1ea: {  	v57 =	vadd.f32 v40, v60;
	s5 =	sadd.s32 $0x4, s13;
	v47 =	vshrl.u32 v47, $0x3;
	v40 =	vshrl.u32 v63, $0x3  }
0x1eb: {  	v16 =	vmovc v51;
	v51 =	vmov s5;
	v37 =	vld [tilespmem:s11+$0xFFFFFF20];
	[tilespmem:v33+s18+$0x0] =	vst.idx.msk $0xffff, v32;
	v32 =	vshll.u32 v40, v1;
	v40 =	vshll.u32 v47, v1  }
0x1ec: {  	v47 =	vadd.f32 v21, v60;
	v21 =	vmovc v34;
	v34 =	vbroadcast v40, $0x0;
	v40 =	vadd.s32 v3, v58;
	v3 =	vld [tilespmem:$0x1FD90]  }
0x1ed: {  	v63 =	vadd.f32 v30, v2;
	v30 =	vshrl.u32 v51, $0x3  }
0x1ee: {  	v30 =	vshll.u32 v30, v1  }
0x1ef: {  	v45 =	vadd.f32 v55, v2;
	v55 =	vbroadcast v30, $0x0;
	_ =	sdelay $0x1  }
0x1f0: {  	v41 =	vadd.s32 v18, v48;
	v18 =	vbroadcast v32, $0x0;
	v32 =	vadd.s32 v3, v55;
	v3 =	vld [tilespmem:$0x1FDB0];
	_ =	sdelay $0x2  }
0x1f1: {  	v59 =	vld [tilespmem:s2+$0xFFFFFEC0]  }
0x1f2: {  	v4 =	vld [tilespmem:s14+$0xFFFFFFD0]  }
0x1f3: {  	v30 =	vadd.s32 v3, v55;
	v3 =	vld [tilespmem:$0x1FCE0]  }
0x1f4: {  	[tilespmem:v31+s18+$0x0] =	vst.idx.msk $0xffff, v49;
	v31 =	vld [tilespmem:s2+$0xFFFFFF00]  }
0x1f5: {  	v56 =	vld [tilespmem:s14+$0xFFFFFE50];
	s2 =	smov.u32 s11  }
0x1f6: {  	v49 =	vld [tilespmem:s2+$0xFFFFFFF0];
	[tilespmem:v27+s18+$0x0] =	vst.idx.msk $0xffff, v52;
	v27 =	vadd.f32 v59, v60  }
0x1f7: {  	v33 =	vld [tilespmem:s2+$0xFFFFFEE0]  }
0x1f8: {  	[tilespmem:v39+s18+$0x0] =	vst.idx.msk $0xffff, v27;
	v27 =	vadd.s32 v3, v0;
	v3 =	vld [tilespmem:$0x1FD40]  }
0x1f9: {  	v36 =	vadd.f32 v31, v60  }
0x1fa: {  	v37 =	vadd.f32 v37, v62  }
0x1fb: {  	v50 =	vld [tilespmem:s2+$0xFFFFFFA0];
	[tilespmem:v28+s18+$0x0] =	vst.idx.msk $0xffff, v36  }
0x1fc: {  	v28 =	vadd.f32 v33, v62;
	[tilespmem:v35+s18+$0x0] =	vst.idx.msk $0xffff, v37;
	v35 =	vld [tilespmem:s14+$0xFFFFFF90]  }
0x1fd: {  	v39 =	vmov v19;
	[tilespmem:v17+s18+$0x0] =	vst.idx.msk $0xffff, v47;
	v47 =	vadd.f32 v49, v61;
	v19 =	vadd.s32 v3, v34;
	v3 =	vld [tilespmem:$0x1FB70]  }
0x1fe: {  	[tilespmem:v25+s18+$0x0] =	vst.idx.msk $0xffff, v28;
	v25 =	vld [tilespmem:$0x1FD80]  }
0x1ff: {  	v4 =	vadd.f32 v4, v2;
	v11 =	vld [tilespmem:s2+$0xFFFFFF30];
	[tilespmem:v46+s18+$0x0] =	vst.idx.msk $0xffff, v47  }
0x200: {  	v36 =	vld [tilespmem:s2+$0x0]  }
0x201: {  	[tilespmem:v6+s18+$0x0] =	vst.idx.msk $0xffff, v4;
	v4 =	vld [tilespmem:$0x1FDC0]  }
0x202: {  	v31 =	vadd.s32 v3, v23;
	v3 =	vadd.f32 v50, v62;
	v50 =	vld [tilespmem:$0x1FE00]  }
0x203: {  	[tilespmem:v9+s18+$0x0] =	vst.idx.msk $0xffff, v57;
	v9 =	vmov v26;
	v26 =	vld [tilespmem:$0x1FD60]  }
0x204: {  	v17 =	vmov v29;
	v29 =	vld [tilespmem:$0x1FE20]  }
0x205: {  	v28 =	vadd.s32 v25, v10;
	v25 =	vld [tilespmem:$0x1FCB0]  }
0x206: {  	v33 =	vadd.s32 v4, v20;
	v20 =	vmov v55;
	v55 =	vadd.f32 v11, v61;
	v11 =	vld [tilespmem:$0x1FD00]  }
0x207: {  	v51 =	vadd.f32 v38, v2;
	v38 =	vadd.s32 v50, v7;
	v7 =	vmov v58;
	v58 =	vld [tilespmem:$0x1FCF0];
	_ =	sdelay $0x2  }
0x208: {  	[tilespmem:v44+s18+$0x0] =	vst.idx.msk $0xffff, v45  }
0x209: {  	v26 =	vadd.s32 v26, v54;
	v47 =	vadd.s32 v29, v18;
	v29 =	vld [tilespmem:s2+$0xFFFFFF70]  }
0x20a: {  	v46 =	vadd.s32 v25, v48;
	v25 =	vmovc v26;
	v26 =	vadd.s32 v11, v0;
	v37 =	vadd.s32 v58, v0;
	v0 =	vld [tilespmem:$0x1FD20];
	_ =	sdelay $0x2  }
0x20b: {  	v4 =	vld [tilespmem:$0x1FDA0]  }
0x20c: {  	v48 =	vld [tilespmem:s2+$0xFFFFFEF0]  }
0x20d: {  	[tilespmem:v53+s18+$0x0] =	vst.idx.msk $0xffff, v51;
	v51 =	vadd.s32 v0, v34;
	v0 =	vadd.f32 v29, v61;
	v29 =	vld [tilespmem:$0x1FE10]  }
0x20e: {  	v59 =	vld [tilespmem:$0x1FD10]  }
0x20f: {  	v57 =	vld [tilespmem:s2+$0xFFFFFE30];
	_ =	sdelay $0x1  }
0x210: {  	v45 =	vadd.f32 v35, v2;
	v35 =	vadd.s32 v4, v20;
	v4 =	vld [tilespmem:s14+$0xFFFFFF60]  }
0x211: {  	v53 =	vadd.s32 v29, v18;
	v29 =	vld [tilespmem:$0x1FDF0];
	_ =	sdelay $0x1  }
0x212: {  	v52 =	vadd.f32 v56, v2;
	v56 =	vld [tilespmem:s2+$0xFFFFFE70];
	v58 =	vadd.s32 v59, v34;
	v59 =	vadd.f32 v57, v61  }
0x213: {  	v49 =	vld [tilespmem:s14+$0xFFFFFE20]  }
0x214: {  	[tilespmem:v24+s18+$0x0] =	vst.idx.msk $0xffff, v59;
	v59 =	vadd.f32 v4, v62;
	v4 =	vld [tilespmem:$0x1FBD0]  }
0x215: {  	[tilespmem:v43+s18+$0x0] =	vst.idx.msk $0xffff, v52;
	v52 =	vadd.s32 v29, v7;
	v29 =	vld [tilespmem:$0x1FE40];
	_ =	sdelay $0x4  }
0x216: {  	v43 =	vadd.s32 v29, v18;
	v29 =	vadd.s32 v4, v18;
	v4 =	vld [tilespmem:$0x1FB00];
	_ =	sdelay $0x3  }
0x217: {  	[tilespmem:v42+s18+$0x0] =	vst.idx.msk $0xffff, v0;
	v0 =	vld [tilespmem:$0x1FD30];
	_ =	sdelay $0x2  }
0x218: {  	v6 =	vld [tilespmem:s14+$0xFFFFFFE0]  }
0x219: {  	[tilespmem:v4+s18+$0x0] =	vst.idx.msk $0xffff, v3;
	v3 =	vld [tilespmem:$0x1FB10]  }
0x21a: {  	v44 =	vadd.s32 v0, v34;
	v0 =	vld [tilespmem:$0x1FD70]  }
0x21b: {  	v11 =	vld [tilespmem:s14+$0xFFFFFF10]  }
0x21c: {  	p0 =	slt.u32 s13, $0x78;
	s11 =	smov.u32 s14;
	[tilespmem:v58+s18+$0x0] =	vst.idx.msk $0xffff, v63;
	v63 =	vld [tilespmem:s2+$0xFFFFFE40]  }
.Ltmp2:
0x21d: {  	v58 =	vld [tilespmem:s11+$0xFFFFFE60];
	(pc) =	sbr.rel @p0 .LBB2_7-.Ltmp2, $4  }
0x21e: {  	v10 =	vmov v54;
	v54 =	vld [tilespmem:s14+$0xFFFFFEA0]  }
0x21f: {  	v36 =	vadd.f32 v36, v60;
	v34 =	vadd.s32 v0, v10;
	v0 =	vld [tilespmem:s2+$0xFFFFFF80]  }
0x220: {  	v50 =	vadd.f32 v56, v61;
	v56 =	vadd.f32 v49, v62;
	v18 =	vld [tilespmem:$0x1FCA0]  }
0x221: {  	s13 =	sadd.s32 $0x8, s13;
	v49 =	vadd.f32 v6, v62;
	v57 =	vadd.f32 v11, v2;
	v24 =	vmov v46;
	s14 =	sadd.s32 $0x200, s14;
	[tilespmem:v3+s18+$0x0] =	vst.idx.msk $0xffff, v36;
	v36 =	vld [tilespmem:$0x1FC90]  }
0x222: {  	_ =	sdelay $0x3  }
0x223: {  	[tilespmem:v16+s18+$0x0] =	vst.idx.msk $0xffff, v22  }
0x224: {  	[tilespmem:v41+s18+$0x0] =	vst.idx.msk $0xffff, v56;
	v2 =	vld [tilespmem:s2+$0xFFFFFFB0]  }
0x225: {  	[tilespmem:v12+s18+$0x0] =	vst.idx.msk $0xffff, v50;
	v3 =	vld [tilespmem:s2+$0xFFFFFEB0]  }
0x226: {  	[tilespmem:v8+s18+$0x0] =	vst.idx.msk $0xffff, v55  }
0x227: {  	[tilespmem:v40+s18+$0x0] =	vst.idx.msk $0xffff, v59  }
0x228: {  	[tilespmem:v53+s18+$0x0] =	vst.idx.msk $0xffff, v45  }
0x229: {  	[tilespmem:v32+s18+$0x0] =	vst.idx.msk $0xffff, v57;
	v2 =	vadd.f32 v2, v61  }
0x22a: {  	v32 =	vld [tilespmem:s2+$0xFFFFFF40];
	[tilespmem:v31+s18+$0x0] =	vst.idx.msk $0xffff, v49;
	v3 =	vadd.f32 v3, v61  }
0x22b: {  	v4 =	vadd.f32 v63, v60;
	v36 =	vld [tilespmem:s11+$0xFFFFFF20];
	[tilespmem:v14+s18+$0x0] =	vst.idx.msk $0xffff, v2  }
0x22c: {  	v41 =	vadd.f32 v58, v62;
	[tilespmem:v13+s18+$0x0] =	vst.idx.msk $0xffff, v3;
	v3 =	vld [tilespmem:s2+$0xFFFFFFC0]  }
0x22d: {  	v6 =	vld [tilespmem:s2+$0xFFFFFE80];
	[tilespmem:v5+s18+$0x0] =	vst.idx.msk $0xffff, v4;
	v2 =	vadd.f32 v48, v61  }
0x22e: {  	v0 =	vadd.f32 v0, v60;
	[tilespmem:v27+s18+$0x0] =	vst.idx.msk $0xffff, v41  }
0x22f: {  	[tilespmem:v21+s18+$0x0] =	vst.idx.msk $0xffff, v2;
	v2 =	vadd.f32 v32, v60  }
0x230: {  	[tilespmem:v38+s18+$0x0] =	vst.idx.msk $0xffff, v0;
	v38 =	vadd.f32 v36, v62;
	v0 =	vld [tilespmem:s2+$0xFFFFFEC0]  }
0x231: {  	[tilespmem:v33+s18+$0x0] =	vst.idx.msk $0xffff, v2;
	v2 =	vadd.f32 v3, v60  }
0x232: {  	v42 =	vld [tilespmem:s11+$0xFFFFFEE0];
	[tilespmem:v35+s18+$0x0] =	vst.idx.msk $0xffff, v38;
	v3 =	vadd.f32 v6, v60  }
0x233: {  	v40 =	vld [tilespmem:s11+$0xFFFFFFA0];
	[tilespmem:v17+s18+$0x0] =	vst.idx.msk $0xffff, v2  }
0x234: {  	v11 =	vld [tilespmem:s2+$0xFFFFFF00];
	[tilespmem:v9+s18+$0x0] =	vst.idx.msk $0xffff, v3  }
0x235: {  	v0 =	vadd.f32 v0, v60;
	v46 =	vld [tilespmem:$0x1FB20]  }
0x236: {  	v2 =	vld [tilespmem:s11+$0xFFFFFE30]  }
0x237: {  	v49 =	vadd.f32 v54, v62;
	[tilespmem:v39+s18+$0x0] =	vst.idx.msk $0xffff, v0;
	v0 =	vld [tilespmem:s11+$0xFFFFFF70]  }
0x238: {  	v45 =	vld [tilespmem:s11+$0xFFFFFFF0];
	v3 =	vadd.f32 v40, v62  }
0x239: {  	v48 =	vadd.f32 v11, v60;
	[tilespmem:v51+s18+$0x0] =	vst.idx.msk $0xffff, v49  }
0x23a: {  	[tilespmem:v47+s18+$0x0] =	vst.idx.msk $0xffff, v3;
	v3 =	vadd.f32 v42, v62;
	v5 =	vadd.s32 v46, v23  }
0x23b: {  	[tilespmem:v28+s18+$0x0] =	vst.idx.msk $0xffff, v48;
	v2 =	vadd.f32 v2, v61  }
0x23c: {  	v54 =	vld [tilespmem:s11+$0xFFFFFE70];
	[tilespmem:v25+s18+$0x0] =	vst.idx.msk $0xffff, v3;
	v0 =	vadd.f32 v0, v61  }
0x23d: {  	v50 =	vld [tilespmem:s11+$0xFFFFFF30];
	v6 =	vadd.f32 v45, v61;
	[tilespmem:v24+s18+$0x0] =	vst.idx.msk $0xffff, v2  }
0x23e: {  	v53 =	vld [tilespmem:s11+$0xFFFFFFB0];
	[tilespmem:v52+s18+$0x0] =	vst.idx.msk $0xffff, v0  }
0x23f: {  	v3 =	vld [tilespmem:s11+$0xFFFFFEB0];
	[tilespmem:v5+s18+$0x0] =	vst.idx.msk $0xffff, v6  }
0x240: {  	v57 =	vld [tilespmem:$0x1FB30]  }
0x241: {  	v55 =	vld [tilespmem:s11+$0xFFFFFEF0]  }
0x242: {  	v56 =	vadd.f32 v50, v61;
	v2 =	vld [tilespmem:s11+$0xFFFFFE40]  }
0x243: {  	v0 =	vadd.f32 v53, v61;
	v6 =	vld [tilespmem:s11+$0x0]  }
0x244: {  	v8 =	vadd.f32 v54, v61;
	[tilespmem:v30+s18+$0x0] =	vst.idx.msk $0xffff, v56  }
0x245: {  	v3 =	vadd.f32 v3, v61;
	[tilespmem:v43+s18+$0x0] =	vst.idx.msk $0xffff, v0;
	v4 =	vadd.s32 v57, v23  }
0x246: {  	v5 =	vadd.f32 v55, v61;
	v0 =	vld [tilespmem:$0x1FE00];
	[tilespmem:v37+s18+$0x0] =	vst.idx.msk $0xffff, v8  }
0x247: {  	v2 =	vadd.f32 v2, v60;
	v8 =	vld [tilespmem:$0x1FDC0];
	[tilespmem:v44+s18+$0x0] =	vst.idx.msk $0xffff, v3  }
0x248: {  	v58 =	vld [tilespmem:s11+$0xFFFFFF80];
	[tilespmem:v34+s18+$0x0] =	vst.idx.msk $0xffff, v5;
	v6 =	vadd.f32 v6, v60  }
0x249: {  	v9 =	vld [tilespmem:s11+$0xFFFFFF40];
	[tilespmem:v15+s18+$0x0] =	vst.idx.msk $0xffff, v2  }
0x24a: {  	v61 =	vld [tilespmem:s11+$0xFFFFFE80];
	[tilespmem:v4+s18+$0x0] =	vst.idx.msk $0xffff, v6  }
0x24b: {  	v0 =	vadd.s32 v0, v7;
	v6 =	vld [tilespmem:$0x1FD80]  }
0x24c: {  	v59 =	vld [tilespmem:s11+$0xFFFFFFC0]  }
0x24d: {  	v3 =	vld [tilespmem:s11+$0xFFFFFEC0];
	v8 =	vadd.s32 v8, v20  }
0x24e: {  	v62 =	vadd.f32 v58, v60;
	v5 =	vld [tilespmem:s11+$0xFFFFFF00]  }
0x24f: {  	v63 =	vadd.f32 v61, v60  }
0x250: {  	v2 =	vadd.f32 v9, v60;
	[tilespmem:v0+s18+$0x0] =	vst.idx.msk $0xffff, v62;
	v6 =	vadd.s32 v6, v10  }
0x251: {  	v0 =	vadd.f32 v59, v60;
	[tilespmem:v26+s18+$0x0] =	vst.idx.msk $0xffff, v63  }
0x252: {  	s0 =	sshll.u32 s0, $0x12;
	[tilespmem:v8+s18+$0x0] =	vst.idx.msk $0xffff, v2;
	v2 =	vadd.f32 v3, v60  }
0x253: {  	s0 =	sor.u32 s7, s0;
	[tilespmem:v29+s18+$0x0] =	vst.idx.msk $0xffff, v0;
	v0 =	vadd.f32 v5, v60  }
0x254: {  	s0 =	sshrl.u32 s0, $0x3;
	[tilespmem:v19+s18+$0x0] =	vst.idx.msk $0xffff, v2  }
0x255: {  	s12 =	simm.s32 $0x13800;
	s2 =	sadd.s32 s1, s0;
	[tilespmem:v6+s18+$0x0] =	vst.idx.msk $0xffff, v0  }
0x256: {  	[hbm4b:s2+s3] =	stream.linear.scatter [tilespmem:s12], [sflag:$0x6], $0x80, $0x38;
	[tilespmem:$0x19E00] =	vst v63  }
0x257: {  	s13 =	simm.s32 $0x13888;
	s5 =	sadd.s32 $0x10, s2  }
0x258: {  	[hbm4b:s5+s3] =	stream.linear.scatter [tilespmem:s13], [sflag:$0x6], $0x80, $0x38;
	[tilespmem:$0x19E00] =	vst v63  }
0x259: {  	s14 =	simm.s32 $0x13910;
	s15 =	sadd.s32 $0x20, s2  }
0x25a: {  	[hbm4b:s15+s3] =	stream.linear.scatter [tilespmem:s14], [sflag:$0x6], $0x80, $0x38;
	[tilespmem:$0x19E00] =	vst v63  }
0x25b: {  	s6 =	sadd.s32 $0x30, s2;
	s5 =	simm.s32 $0x13998  }
0x25c: {  	[hbm4b:s6+s3] =	stream.linear.scatter [tilespmem:s5], [sflag:$0x6], $0x80, $0x38;
	[tilespmem:$0x19E00] =	vst v63  }
0x25d: {  	s8 =	simm.s32 $0x13A20;
	s11 =	sadd.s32 $0x40, s2  }
0x25e: {  	[hbm4b:s11+s3] =	stream.linear.scatter [tilespmem:s8], [sflag:$0x6], $0x80, $0x38;
	[tilespmem:$0x19E00] =	vst v63  }
0x25f: {  	s0 =	simm.s32 $0x440;
	s12 =	simm.s32 $0x13AA8;
	s13 =	sadd.s32 $0x50, s2  }
0x260: {  	[hbm4b:s13+s3] =	stream.linear.scatter [tilespmem:s12], [sflag:$0x6], $0x80, $0x38;
	[tilespmem:$0x19E00] =	vst v63  }
0x261: {  	s14 =	simm.s32 $0x13B30;
	s15 =	sadd.s32 $0x60, s2;
	s11 =	simm.s32 $0x2200  }
0x262: {  	[hbm4b:s15+s3] =	stream.linear.scatter [tilespmem:s14], [sflag:$0x6], $0x80, $0x38;
	[tilespmem:$0x19E00] =	vst v63  }
0x263: {  	s13 =	simm.s32 $0x13BB8;
	s14 =	sadd.s32 $0x70, s2;
	s2 =	sadd.s32 $0x1000, s2  }
.LBB2_9:
0x264: {  	[hbm4b:s14+s3] =	stream.linear.scatter [tilespmem:s13], [sflag:$0x6], $0x80, $0x38;
	[tilespmem:$0x19E00] =	vst v63  }
0x265: {  	s5 =	smov.u32 s0;
	s0 =	smov.u32 s11  }
0x266: {  	s6 =	sadd.s32 $0x1100, s11;
	s0 =	sshra.s32 s0, $0x2;
	s8 =	sadd.s32 $0x13800, s5  }
0x267: {  	[hbm4b:s2+s3] =	stream.linear.scatter [tilespmem:s8], [sflag:$0x6], $0x80, $0x38;
	[tilespmem:$0x19E00] =	vst v63  }
0x268: {  	p0 =	sne.s32 s11, $0x7700;
	s11 =	sadd.s32 $0x10, s2;
	s8 =	sadd.s32 $0x13888, s5  }
0x269: {  	[hbm4b:s11+s3] =	stream.linear.scatter [tilespmem:s8], [sflag:$0x6], $0x80, $0x38;
	[tilespmem:$0x19E00] =	vst v63  }
0x26a: {  	s8 =	sadd.s32 $0x13910, s5;
	s11 =	sadd.s32 $0x20, s2  }
0x26b: {  	[hbm4b:s11+s3] =	stream.linear.scatter [tilespmem:s8], [sflag:$0x6], $0x80, $0x38;
	[tilespmem:$0x19E00] =	vst v63  }
0x26c: {  	s8 =	sadd.s32 $0x13998, s5;
	s11 =	sadd.s32 $0x30, s2  }
0x26d: {  	[hbm4b:s11+s3] =	stream.linear.scatter [tilespmem:s8], [sflag:$0x6], $0x80, $0x38;
	[tilespmem:$0x19E00] =	vst v63  }
0x26e: {  	s8 =	sadd.s32 $0x13A20, s5;
	s11 =	sadd.s32 $0x40, s2  }
0x26f: {  	[hbm4b:s11+s3] =	stream.linear.scatter [tilespmem:s8], [sflag:$0x6], $0x80, $0x38;
	[tilespmem:$0x19E00] =	vst v63  }
.Ltmp3:
0x270: {  	s8 =	sadd.s32 $0x13AA8, s5;
	s11 =	sadd.s32 $0x50, s2;
	(pc) =	sbr.rel @p0 .LBB2_9-.Ltmp3, $4  }
0x271: {  	[hbm4b:s11+s3] =	stream.linear.scatter [tilespmem:s8], [sflag:$0x6], $0x80, $0x38;
	[tilespmem:$0x19E00] =	vst v63  }
0x272: {  	s14 =	sadd.s32 $0x70, s2;
	s8 =	sadd.s32 $0x13B30, s5;
	s11 =	sadd.s32 $0x60, s2  }
0x273: {  	[hbm4b:s11+s3] =	stream.linear.scatter [tilespmem:s8], [sflag:$0x6], $0x80, $0x38;
	[tilespmem:$0x19E00] =	vst v63  }
0x274: {  	s13 =	sadd.s32 $0x13BB8, s5;
	s2 =	sadd.s32 $0x1000, s2;
	s11 =	smov.u32 s6  }
0x275: {  	[hbm4b:s14+s3] =	stream.linear.scatter [tilespmem:s13], [sflag:$0x6], $0x80, $0x38;
	[tilespmem:$0x19E00] =	vst v63  }
0x276: {  	s5 =	sadd.s32 $0x13800, s0  }
0x277: {  	[hbm4b:s2+s3] =	stream.linear.scatter [tilespmem:s5], [sflag:$0x6], $0x80, $0x38;
	[tilespmem:$0x19E00] =	vst v63  }
0x278: {  	s15 =	sadd.s32 $0x13888, s0;
	s6 =	sadd.s32 $0x10, s2  }
0x279: {  	[hbm4b:s6+s3] =	stream.linear.scatter [tilespmem:s15], [sflag:$0x6], $0x80, $0x38;
	[tilespmem:$0x19E00] =	vst v63  }
0x27a: {  	s8 =	sadd.s32 $0x13910, s0;
	s11 =	sadd.s32 $0x20, s2;
	s12 =	sadd.s32 $0x13998, s0  }
0x27b: {  	[hbm4b:s11+s3] =	stream.linear.scatter [tilespmem:s8], [sflag:$0x6], $0x80, $0x38;
	[tilespmem:$0x19E00] =	vst v63  }
0x27c: {  	s13 =	sadd.s32 $0x30, s2;
	s14 =	sadd.s32 $0x13A20, s0;
	p0 =	seq.s32 s29, $0x31  }
0x27d: {  	[hbm4b:s13+s3] =	stream.linear.scatter [tilespmem:s12], [sflag:$0x6], $0x80, $0x38;
	[tilespmem:$0x19E00] =	vst v63  }
0x27e: {  	p1 =	seq.s32 @!p0 s29, $0x0;
	s5 =	simm.s32 @!p0 $0x80;
	s15 =	sadd.s32 $0x40, s2  }
0x27f: {  	[hbm4b:s15+s3] =	stream.linear.scatter [tilespmem:s14], [sflag:$0x6], $0x80, $0x38;
	[tilespmem:$0x19E00] =	vst v63  }
0x280: {  	s8 =	sadd.s32 $0x13AA8, s0;
	s11 =	sadd.s32 $0x50, s2;
	s12 =	sadd.s32 $0x13B30, s0  }
0x281: {  	[hbm4b:s11+s3] =	stream.linear.scatter [tilespmem:s8], [sflag:$0x6], $0x80, $0x38;
	[tilespmem:$0x19E00] =	vst v63  }
0x282: {  	s13 =	sadd.s32 $0x60, s2;
	s14 =	sadd.s32 $0x13BB8, s0;
	s0 =	sshll.u32 @!p0 s29, $0x9  }
0x283: {  	[hbm4b:s13+s3] =	stream.linear.scatter [tilespmem:s12], [sflag:$0x6], $0x80, $0x38;
	[tilespmem:$0x19E00] =	vst v63  }
0x284: {  	p1 =	por p0, !p1;
	s15 =	sadd.s32 $0x70, s2;
	s0 =	sand.u32 @!p0 $0x3FFFFE00, s0  }
0x285: {  	[hbm4b:s15+s3] =	stream.linear.scatter [tilespmem:s14], [sflag:$0x6], $0x80, $0x38;
	[tilespmem:$0x19E00] =	vst v63  }
0x286: {  	s6 =	simm.s32 @!p0 $0x9600;
	s2 =	sadd.s32 @!p0 $0x3400, s0;
	_ =	swait.ge [sflag:s21], $0x2000  }
0x287: {  	s8 =	simm.s32 $0x1;
	s11 =	simm.s32 $0x2;
	[sflag:s21] =	ssyncset.done $0x0  }
0x288: {  	v8 =	vmov s8;
	s8 =	simm.s32 $0x4;
	s12 =	simm.s32 $0x3;
	v58 =	vld [tilespmem:$0x1FE30];
	[sflag:s21] =	ssyncadd.s32 $0xFFFFE000  }
0x289: {  	v9 =	vmov s11;
	v11 =	vmov s8;
	v56 =	vld [tilespmem:$0x1FF20];
	[tilespmem:s6], [sflag:$0x1] =	stream.indirect.gather @!p0 [hbm4b:s4+s5], $0x40, s2, s5, $0xb8  }
0x28a: {  	s13 =	simm.s32 $0x5;
	v8 =	vshrl.u32 v8, $0x3;
	v9 =	vshrl.u32 v9, $0x3;
	v10 =	vmov s12;
	v57 =	vld [tilespmem:$0x1FFA0];
	_ =	swait.ge @p1 [sflag:s25], $0x2000  }
0x28b: {  	v12 =	vmov s13;
	v11 =	vshrl.u32 v11, $0x3;
	v15 =	vshll.u32 v8, v1;
	s5 =	simm.s32 $0x0;
	s6 =	sshll.u32 s31, $0x6;
	[sflag:s25] =	ssyncset.done @p1 $0x0  }
0x28c: {  	v9 =	vshll.u32 v9, v1;
	v10 =	vshrl.u32 v10, $0x3;
	v0 =	vmov s5;
	s5 =	sand.u32 $0x3FFFFFC0, s6;
	[sflag:s25] =	ssyncadd.s32 @p1 $0xFFFFE000  }
0x28d: {  	s14 =	simm.s32 $0x6;
	s15 =	simm.s32 $0x7;
	v12 =	vshrl.u32 v12, $0x3;
	v29 =	vbroadcast v15, $0x0;
	v11 =	vshll.u32 v11, v1;
	v63 =	vld [tilespmem:s5+$0x0]  }
0x28e: {  	v30 =	vbroadcast v9, $0x0;
	v13 =	vmov s14;
	v14 =	vmov s15;
	v62 =	vld [tilespmem:s5+$0x10]  }
0x28f: {  	v10 =	vshll.u32 v10, v1;
	v9 =	vshll.u32 v12, v1;
	v14 =	vshrl.u32 v14, $0x3;
	v61 =	vld [tilespmem:s5+$0x20]  }
0x290: {  	v32 =	vbroadcast v11, $0x0;
	v14 =	vshll.u32 v14, v1;
	s2 =	simm.s32 $0xD7F0;
	v0 =	vshrl.u32 v0, $0x3;
	v60 =	vld [tilespmem:s5+$0x30]  }
0x291: {  	v13 =	vshrl.u32 v13, $0x3;
	v28 =	vbroadcast v14, $0x0;
	v0 =	vshll.u32 v0, v1;
	v16 =	vld [tilespmem:s2+$0xFFFFFFD0]  }
0x292: {  	v31 =	vbroadcast v10, $0x0;
	v8 =	vadd.s32 $0x4407, v58;
	v0 =	vbroadcast v0, $0x0;
	v14 =	vld [tilespmem:s2+$0xFFFFFE10]  }
0x293: {  	v33 =	vbroadcast v9, $0x0;
	v7 =	vadd.s32 $0x4400, v58;
	v17 =	vld [tilespmem:s2+$0xFFFFFE50];
	v15 =	vadd.s32 v8, v28  }
0x294: {  	v10 =	vshll.u32 v13, v1;
	v6 =	vadd.s32 $0x4401, v58;
	v19 =	vld [tilespmem:s2+$0xFFFFFE90];
	v18 =	vadd.s32 v7, v0  }
0x295: {  	v34 =	vbroadcast v10, $0x0;
	v5 =	vadd.s32 $0x4402, v58;
	v12 =	vadd.s32 v6, v29;
	v20 =	vld [tilespmem:s2+$0xFFFFFED0]  }
0x296: {  	v4 =	vadd.s32 $0x4403, v58;
	v13 =	vadd.s32 v5, v30;
	v21 =	vld [tilespmem:s2+$0xFFFFFF10];
	v11 =	vadd.f32 v16, v63  }
0x297: {  	v2 =	vadd.s32 $0x4404, v58;
	v22 =	vld [tilespmem:s2+$0xFFFFFF50];
	v14 =	vadd.f32 v14, v63;
	v16 =	vadd.s32 v4, v31  }
0x298: {  	v3 =	vadd.s32 $0x4405, v58;
	v23 =	vadd.s32 v2, v32;
	v24 =	vld [tilespmem:s2+$0xFFFFFF90];
	v17 =	vadd.f32 v17, v63;
	[tilespmem:v15+s18+$0x0] =	vst.idx.msk $0xffff, v11  }
0x299: {  	v9 =	vadd.s32 $0x4406, v58;
	[tilespmem:v18+s18+$0x0] =	vst.idx.msk $0xffff, v14;
	v14 =	vadd.f32 v19, v63;
	v15 =	vadd.s32 v3, v33;
	v18 =	vld [tilespmem:s2+$0xFFFFFFE0]  }
0x29a: {  	v10 =	vadd.s32 $0x4C87, v58;
	[tilespmem:v12+s18+$0x0] =	vst.idx.msk $0xffff, v17;
	v17 =	vadd.f32 v20, v63;
	v20 =	vadd.s32 v9, v34;
	v19 =	vld [tilespmem:s2+$0xFFFFFE20]  }
0x29b: {  	v11 =	vadd.s32 $0x4C80, v58;
	v25 =	vld [tilespmem:s2+$0xFFFFFE60];
	[tilespmem:v13+s18+$0x0] =	vst.idx.msk $0xffff, v14;
	v14 =	vadd.f32 v21, v63;
	v21 =	vadd.s32 v10, v28  }
0x29c: {  	v12 =	vadd.s32 $0x4C81, v58;
	v26 =	vadd.s32 v11, v0;
	v27 =	vld [tilespmem:s2+$0xFFFFFEA0];
	[tilespmem:v16+s18+$0x0] =	vst.idx.msk $0xffff, v17;
	v16 =	vadd.f32 v22, v63  }
0x29d: {  	v13 =	vadd.s32 $0x4C82, v58;
	v22 =	vadd.s32 v12, v29;
	v17 =	vadd.f32 v24, v63;
	v35 =	vld [tilespmem:s2+$0xFFFFFEE0];
	[tilespmem:v23+s18+$0x0] =	vst.idx.msk $0xffff, v14  }
0x29e: {  	v23 =	vadd.s32 v13, v30;
	v14 =	vadd.s32 $0x4C83, v58;
	v24 =	vld [tilespmem:s2+$0xFFFFFF20];
	[tilespmem:v15+s18+$0x0] =	vst.idx.msk $0xffff, v16;
	v18 =	vadd.f32 v18, v62  }
0x29f: {  	v36 =	vadd.s32 v14, v31;
	v15 =	vadd.s32 $0x4C84, v58;
	[tilespmem:v20+s18+$0x0] =	vst.idx.msk $0xffff, v17;
	v19 =	vadd.f32 v19, v62;
	v37 =	vld [tilespmem:s2+$0xFFFFFF60]  }
0x2a0: {  	v16 =	vadd.s32 $0x4C85, v58;
	v20 =	vadd.f32 v25, v62;
	v25 =	vadd.s32 v15, v32;
	v38 =	vld [tilespmem:s2+$0xFFFFFFA0];
	[tilespmem:v21+s18+$0x0] =	vst.idx.msk $0xffff, v18  }
0x2a1: {  	v17 =	vadd.s32 $0x4C86, v58;
	[tilespmem:v26+s18+$0x0] =	vst.idx.msk $0xffff, v19;
	v21 =	vadd.f32 v27, v62;
	v26 =	vadd.s32 v16, v33;
	v27 =	vld [tilespmem:s2+$0xFFFFFFF0]  }
0x2a2: {  	v49 =	vadd.s32 v17, v34;
	[tilespmem:v22+s18+$0x0] =	vst.idx.msk $0xffff, v20;
	v18 =	vadd.s32 $0x5507, v58;
	v39 =	vld [tilespmem:s2+$0xFFFFFE30];
	v22 =	vadd.f32 v35, v62  }
0x2a3: {  	v19 =	vadd.s32 $0x5500, v58;
	v40 =	vld [tilespmem:s2+$0xFFFFFE70];
	v41 =	vadd.s32 v18, v28;
	[tilespmem:v23+s18+$0x0] =	vst.idx.msk $0xffff, v21;
	v23 =	vadd.f32 v24, v62  }
0x2a4: {  	v20 =	vadd.s32 $0x5501, v58;
	v42 =	vadd.s32 v19, v0;
	v43 =	vld [tilespmem:s2+$0xFFFFFEB0];
	[tilespmem:v36+s18+$0x0] =	vst.idx.msk $0xffff, v22;
	v24 =	vadd.f32 v37, v62  }
0x2a5: {  	v50 =	vadd.s32 v20, v29;
	v21 =	vadd.s32 $0x5502, v58;
	v51 =	vld [tilespmem:s2+$0xFFFFFEF0];
	[tilespmem:v25+s18+$0x0] =	vst.idx.msk $0xffff, v23;
	v25 =	vadd.f32 v38, v62  }
0x2a6: {  	v52 =	vadd.s32 v21, v30;
	v22 =	vadd.s32 $0x5503, v58;
	v44 =	vld [tilespmem:s2+$0xFFFFFF30];
	[tilespmem:v26+s18+$0x0] =	vst.idx.msk $0xffff, v24;
	v26 =	vadd.f32 v27, v61  }
0x2a7: {  	v53 =	vadd.s32 v22, v31;
	v23 =	vadd.s32 $0x5504, v58;
	v27 =	vadd.f32 v39, v61;
	v45 =	vld [tilespmem:s2+$0xFFFFFF70];
	[tilespmem:v49+s18+$0x0] =	vst.idx.msk $0xffff, v25  }
0x2a8: {  	v55 =	vadd.s32 v23, v32;
	v24 =	vadd.s32 $0x5505, v58;
	v54 =	vadd.f32 v40, v61;
	v46 =	vld [tilespmem:s2+$0xFFFFFFB0];
	[tilespmem:v41+s18+$0x0] =	vst.idx.msk $0xffff, v26  }
0x2a9: {  	v48 =	vadd.s32 v24, v33;
	v25 =	vadd.s32 $0x5506, v58;
	[tilespmem:v42+s18+$0x0] =	vst.idx.msk $0xffff, v27;
	v59 =	vadd.f32 v43, v61;
	v49 =	vld [tilespmem:s2+$0x0]  }
0x2aa: {  	v36 =	vadd.s32 v25, v34;
	[tilespmem:v50+s18+$0x0] =	vst.idx.msk $0xffff, v54;
	v26 =	vadd.s32 $0x5D87, v58;
	v47 =	vld [tilespmem:s2+$0xFFFFFE40];
	v50 =	vadd.f32 v51, v61  }
0x2ab: {  	v27 =	vadd.s32 $0x5D80, v58;
	v51 =	vld [tilespmem:s2+$0xFFFFFE80];
	v41 =	vadd.s32 v26, v28;
	[tilespmem:v52+s18+$0x0] =	vst.idx.msk $0xffff, v59;
	v52 =	vadd.f32 v44, v61  }
0x2ac: {  	v0 =	vadd.s32 v27, v0;
	v28 =	vadd.s32 $0x5D81, v58;
	v44 =	vld [tilespmem:s2+$0xFFFFFEC0];
	[tilespmem:v53+s18+$0x0] =	vst.idx.msk $0xffff, v50;
	v53 =	vadd.f32 v45, v61  }
0x2ad: {  	v39 =	vadd.s32 v28, v29;
	v29 =	vadd.s32 $0x5D82, v58;
	v45 =	vld [tilespmem:s2+$0xFFFFFF00];
	[tilespmem:v55+s18+$0x0] =	vst.idx.msk $0xffff, v52;
	v54 =	vadd.f32 v46, v61  }
0x2ae: {  	v40 =	vadd.s32 v29, v30;
	v30 =	vadd.s32 $0x5D83, v58;
	v55 =	vld [tilespmem:s2+$0xFFFFFF40];
	[tilespmem:v48+s18+$0x0] =	vst.idx.msk $0xffff, v53;
	v59 =	vadd.f32 v49, v60  }
0x2af: {  	v48 =	vadd.f32 v47, v60;
	v49 =	vadd.s32 v30, v31;
	v31 =	vadd.s32 $0x5D84, v58;
	v50 =	vld [tilespmem:s2+$0xFFFFFF80];
	[tilespmem:v36+s18+$0x0] =	vst.idx.msk $0xffff, v54  }
0x2b0: {  	v51 =	vadd.f32 v51, v60;
	v52 =	vadd.s32 v31, v32;
	v32 =	vadd.s32 $0x5D85, v58;
	v38 =	vld [tilespmem:s2+$0xFFFFFFC0];
	[tilespmem:v41+s18+$0x0] =	vst.idx.msk $0xffff, v59  }
0x2b1: {  	[tilespmem:v0+s18+$0x0] =	vst.idx.msk $0xffff, v48;
	v0 =	vadd.f32 v44, v60;
	v53 =	vadd.s32 v32, v33;
	v33 =	vadd.s32 $0x5D86, v58  }
0x2b2: {  	[tilespmem:v39+s18+$0x0] =	vst.idx.msk $0xffff, v51;
	v54 =	vadd.f32 v45, v60;
	v34 =	vadd.s32 v33, v34  }
0x2b3: {  	s13 =	simm.s32 $0xC;
	[tilespmem:v40+s18+$0x0] =	vst.idx.msk $0xffff, v0;
	v0 =	vadd.f32 v55, v60  }
0x2b4: {  	s11 =	simm.s32 $0xA;
	s6 =	simm.s32 $0x8;
	v35 =	vmov s13;
	[tilespmem:v49+s18+$0x0] =	vst.idx.msk $0xffff, v54;
	v55 =	vadd.f32 v50, v60  }
0x2b5: {  	s8 =	simm.s32 $0x9;
	s12 =	simm.s32 $0xB;
	v37 =	vmov s11;
	v59 =	vmov s6;
	[tilespmem:v52+s18+$0x0] =	vst.idx.msk $0xffff, v0;
	v38 =	vadd.f32 v38, v60  }
0x2b6: {  	s14 =	simm.s32 $0xD;
	s15 =	simm.s32 $0xE;
	v36 =	vmov s12;
	v39 =	vshrl.u32 v59, $0x3;
	v0 =	vmov s8;
	[tilespmem:v53+s18+$0x0] =	vst.idx.msk $0xffff, v55  }
0x2b7: {  	s13 =	simm.s32 $0xF;
	s11 =	simm.s32 $0x10;
	[tilespmem:v34+s18+$0x0] =	vst.idx.msk $0xffff, v38;
	v34 =	vshll.u32 v39, v1;
	v39 =	vmov s14;
	v38 =	vmov s15  }
.LBB2_11:
0x2b8: {  	p2 =	slt.u32 s11, $0x78;
	v0 =	vshrl.u32 v0, $0x3;
	v37 =	vshrl.u32 v37, $0x3;
	v40 =	vmov s13  }
0x2b9: {  	v36 =	vshrl.u32 v36, $0x3;
	v41 =	vshrl.u32 v35, $0x3;
	v35 =	vshrl.u32 v40, $0x3  }
0x2ba: {  	v42 =	vshrl.u32 v39, $0x3;
	v38 =	vshrl.u32 v38, $0x3;
	s2 =	sadd.s32 $0x200, s2;
	v35 =	vshll.u32 v35, v1  }
0x2bb: {  	v34 =	vbroadcast v34, $0x0;
	v0 =	vshll.u32 v0, v1;
	v43 =	vld [tilespmem:s2+$0xFFFFFFD0];
	v39 =	vbroadcast v35, $0x0  }
0x2bc: {  	v37 =	vshll.u32 v37, v1;
	v36 =	vshll.u32 v36, v1;
	v44 =	vld [tilespmem:s2+$0xFFFFFE10]  }
0x2bd: {  	v35 =	vbroadcast v0, $0x0;
	v0 =	vshll.u32 v41, v1;
	v45 =	vld [tilespmem:s2+$0xFFFFFE50];
	v46 =	vadd.s32 v8, v39  }
0x2be: {  	v47 =	vadd.s32 v7, v34;
	v40 =	vbroadcast v37, $0x0;
	v41 =	vshll.u32 v42, v1;
	v48 =	vld [tilespmem:s2+$0xFFFFFE90]  }
0x2bf: {  	v50 =	vshll.u32 v38, v1;
	v36 =	vbroadcast v36, $0x0;
	v42 =	vadd.s32 v6, v35;
	v49 =	vld [tilespmem:s2+$0xFFFFFED0]  }
0x2c0: {  	v51 =	vadd.s32 v5, v40;
	v37 =	vbroadcast v0, $0x0;
	v52 =	vld [tilespmem:s2+$0xFFFFFF10];
	v0 =	vadd.f32 v43, v63  }
0x2c1: {  	v38 =	vbroadcast v41, $0x0;
	v43 =	vadd.f32 v44, v63;
	v44 =	vadd.s32 v4, v36;
	v53 =	vld [tilespmem:s2+$0xFFFFFF50]  }
0x2c2: {  	v41 =	vbroadcast v50, $0x0;
	v54 =	vadd.s32 v2, v37;
	v45 =	vadd.f32 v45, v63;
	v55 =	vld [tilespmem:s2+$0xFFFFFF90];
	[tilespmem:v46+s18+$0x0] =	vst.idx.msk $0xffff, v0  }
0x2c3: {  	[tilespmem:v47+s18+$0x0] =	vst.idx.msk $0xffff, v43;
	v0 =	vadd.f32 v48, v63;
	v43 =	vadd.s32 v3, v38;
	v46 =	vld [tilespmem:s2+$0xFFFFFFE0]  }
0x2c4: {  	v47 =	vld [tilespmem:s2+$0xFFFFFE20];
	[tilespmem:v42+s18+$0x0] =	vst.idx.msk $0xffff, v45;
	v42 =	vadd.f32 v49, v63;
	v45 =	vadd.s32 v9, v41  }
0x2c5: {  	v49 =	vadd.s32 v10, v39;
	v48 =	vld [tilespmem:s2+$0xFFFFFE60];
	[tilespmem:v51+s18+$0x0] =	vst.idx.msk $0xffff, v0;
	v0 =	vadd.f32 v52, v63  }
0x2c6: {  	v50 =	vadd.s32 v11, v34;
	v51 =	vld [tilespmem:s2+$0xFFFFFEA0];
	[tilespmem:v44+s18+$0x0] =	vst.idx.msk $0xffff, v42;
	v42 =	vadd.f32 v53, v63  }
0x2c7: {  	v44 =	vadd.s32 v12, v35;
	v52 =	vld [tilespmem:s2+$0xFFFFFEE0];
	[tilespmem:v54+s18+$0x0] =	vst.idx.msk $0xffff, v0;
	v0 =	vadd.f32 v55, v63  }
0x2c8: {  	v53 =	vadd.s32 v13, v40;
	v54 =	vld [tilespmem:s2+$0xFFFFFF20];
	[tilespmem:v43+s18+$0x0] =	vst.idx.msk $0xffff, v42;
	v42 =	vadd.f32 v46, v62  }
0x2c9: {  	v46 =	vadd.s32 v14, v36;
	v43 =	vadd.f32 v47, v62;
	v47 =	vld [tilespmem:s2+$0xFFFFFF60];
	[tilespmem:v45+s18+$0x0] =	vst.idx.msk $0xffff, v0  }
0x2ca: {  	v45 =	vadd.s32 v15, v37;
	v0 =	vadd.f32 v48, v62;
	v48 =	vld [tilespmem:s2+$0xFFFFFFA0];
	[tilespmem:v49+s18+$0x0] =	vst.idx.msk $0xffff, v42  }
0x2cb: {  	[tilespmem:v50+s18+$0x0] =	vst.idx.msk $0xffff, v43;
	v42 =	vadd.f32 v51, v62;
	v43 =	vadd.s32 v16, v38;
	v49 =	vld [tilespmem:s2+$0xFFFFFFF0]  }
0x2cc: {  	v50 =	vld [tilespmem:s2+$0xFFFFFE30];
	[tilespmem:v44+s18+$0x0] =	vst.idx.msk $0xffff, v0;
	v0 =	vadd.f32 v52, v62;
	v44 =	vadd.s32 v17, v41  }
0x2cd: {  	v52 =	vadd.s32 v18, v39;
	v51 =	vld [tilespmem:s2+$0xFFFFFE70];
	[tilespmem:v53+s18+$0x0] =	vst.idx.msk $0xffff, v42;
	v42 =	vadd.f32 v54, v62  }
0x2ce: {  	v53 =	vadd.s32 v19, v34;
	v54 =	vld [tilespmem:s2+$0xFFFFFEB0];
	[tilespmem:v46+s18+$0x0] =	vst.idx.msk $0xffff, v0;
	v0 =	vadd.f32 v47, v62  }
0x2cf: {  	v46 =	vadd.s32 v20, v35;
	v47 =	vld [tilespmem:s2+$0xFFFFFEF0];
	[tilespmem:v45+s18+$0x0] =	vst.idx.msk $0xffff, v42;
	v42 =	vadd.f32 v48, v62  }
0x2d0: {  	v45 =	vadd.s32 v21, v40;
	v48 =	vld [tilespmem:s2+$0xFFFFFF30];
	[tilespmem:v43+s18+$0x0] =	vst.idx.msk $0xffff, v0;
	v0 =	vadd.f32 v49, v61  }
0x2d1: {  	v49 =	vadd.s32 v22, v36;
	v43 =	vadd.f32 v50, v61;
	v50 =	vld [tilespmem:s2+$0xFFFFFF70];
	[tilespmem:v44+s18+$0x0] =	vst.idx.msk $0xffff, v42  }
0x2d2: {  	v44 =	vadd.s32 v23, v37;
	v42 =	vadd.f32 v51, v61;
	v51 =	vld [tilespmem:s2+$0xFFFFFFB0];
	[tilespmem:v52+s18+$0x0] =	vst.idx.msk $0xffff, v0  }
0x2d3: {  	[tilespmem:v53+s18+$0x0] =	vst.idx.msk $0xffff, v43;
	v0 =	vadd.f32 v54, v61;
	v43 =	vadd.s32 v24, v38;
	v52 =	vld [tilespmem:s2+$0x0]  }
0x2d4: {  	v53 =	vld [tilespmem:s2+$0xFFFFFE40];
	[tilespmem:v46+s18+$0x0] =	vst.idx.msk $0xffff, v42;
	v42 =	vadd.f32 v47, v61;
	v46 =	vadd.s32 v25, v41  }
0x2d5: {  	v39 =	vadd.s32 v26, v39;
	v47 =	vld [tilespmem:s2+$0xFFFFFE80];
	[tilespmem:v45+s18+$0x0] =	vst.idx.msk $0xffff, v0;
	v0 =	vadd.f32 v48, v61  }
0x2d6: {  	v34 =	vadd.s32 v27, v34;
	v45 =	vld [tilespmem:s2+$0xFFFFFEC0];
	[tilespmem:v49+s18+$0x0] =	vst.idx.msk $0xffff, v42;
	v42 =	vadd.f32 v50, v61  }
0x2d7: {  	v35 =	vadd.s32 v28, v35;
	v48 =	vld [tilespmem:s2+$0xFFFFFF00];
	[tilespmem:v44+s18+$0x0] =	vst.idx.msk $0xffff, v0;
	v0 =	vadd.f32 v51, v61  }
0x2d8: {  	v40 =	vadd.s32 v29, v40;
	v44 =	vld [tilespmem:s2+$0xFFFFFF40];
	[tilespmem:v43+s18+$0x0] =	vst.idx.msk $0xffff, v42;
	v42 =	vadd.f32 v52, v60  }
0x2d9: {  	v36 =	vadd.s32 v30, v36;
	v43 =	vadd.f32 v53, v60;
	v49 =	vld [tilespmem:s2+$0xFFFFFF80];
	[tilespmem:v46+s18+$0x0] =	vst.idx.msk $0xffff, v0  }
0x2da: {  	v37 =	vadd.s32 v31, v37;
	v0 =	vadd.f32 v47, v60;
	v46 =	vld [tilespmem:s2+$0xFFFFFFC0];
	[tilespmem:v39+s18+$0x0] =	vst.idx.msk $0xffff, v42  }
0x2db: {  	v38 =	vadd.s32 v32, v38;
	[tilespmem:v34+s18+$0x0] =	vst.idx.msk $0xffff, v43;
	v34 =	vadd.f32 v45, v60  }
0x2dc: {  	v39 =	vadd.s32 v33, v41;
	[tilespmem:v35+s18+$0x0] =	vst.idx.msk $0xffff, v0;
	v0 =	vadd.f32 v48, v60  }
0x2dd: {  	[tilespmem:v40+s18+$0x0] =	vst.idx.msk $0xffff, v34;
	v34 =	vadd.f32 v44, v60  }
.Ltmp4:
0x2de: {  	[tilespmem:v36+s18+$0x0] =	vst.idx.msk $0xffff, v0;
	v35 =	vadd.f32 v49, v60;
	(pc) =	sbr.rel @p2 .LBB2_11-.Ltmp4, $4  }
0x2df: {  	s5 =	sadd.s32 $0x1, s11;
	v0 =	vmov s11;
	[tilespmem:v37+s18+$0x0] =	vst.idx.msk $0xffff, v34;
	v34 =	vadd.f32 v46, v60  }
0x2e0: {  	s6 =	sadd.s32 $0x3, s11;
	s8 =	sadd.s32 $0x4, s11;
	v40 =	vshrl.u32 v0, $0x3;
	v0 =	vmov s5;
	s5 =	sadd.s32 $0x2, s11;
	[tilespmem:v38+s18+$0x0] =	vst.idx.msk $0xffff, v35  }
0x2e1: {  	v36 =	vmov s6;
	s6 =	sadd.s32 $0x6, s11;
	v37 =	vmov s5;
	v35 =	vmov s8;
	s5 =	sadd.s32 $0x5, s11;
	[tilespmem:v39+s18+$0x0] =	vst.idx.msk $0xffff, v34  }
0x2e2: {  	s13 =	sadd.s32 $0x7, s11;
	v38 =	vmov s6;
	s11 =	sadd.s32 $0x8, s11;
	v34 =	vshll.u32 v40, v1;
	v39 =	vmov s5  }
0x2e3: {  	v0 =	vshrl.u32 v0, $0x3;
	v40 =	vmov s13  }
0x2e4: {  	v37 =	vshrl.u32 v37, $0x3;
	v36 =	vshrl.u32 v36, $0x3;
	v35 =	vshrl.u32 v35, $0x3  }
0x2e5: {  	v39 =	vshrl.u32 v39, $0x3;
	s2 =	sadd.s32 $0x200, s2;
	v38 =	vshrl.u32 v38, $0x3;
	v40 =	vshrl.u32 v40, $0x3  }
0x2e6: {  	v34 =	vbroadcast v34, $0x0;
	v0 =	vshll.u32 v0, v1;
	v42 =	vld [tilespmem:s2+$0xFFFFFE10];
	v40 =	vshll.u32 v40, v1  }
0x2e7: {  	v41 =	vld [tilespmem:s2+$0xFFFFFFD0];
	v37 =	vshll.u32 v37, v1;
	v36 =	vshll.u32 v36, v1;
	v40 =	vbroadcast v40, $0x0  }
0x2e8: {  	v43 =	vld [tilespmem:s2+$0xFFFFFE50];
	v35 =	vshll.u32 v35, v1;
	v0 =	vbroadcast v0, $0x0;
	v7 =	vadd.s32 v7, v34  }
0x2e9: {  	v44 =	vld [tilespmem:s2+$0xFFFFFE90];
	v39 =	vshll.u32 v39, v1;
	v37 =	vbroadcast v37, $0x0;
	v8 =	vadd.s32 v8, v40  }
0x2ea: {  	v45 =	vld [tilespmem:s2+$0xFFFFFED0];
	v38 =	vshll.u32 v38, v1;
	v36 =	vbroadcast v36, $0x0;
	v6 =	vadd.s32 v6, v0  }
0x2eb: {  	v46 =	vld [tilespmem:s2+$0xFFFFFF10];
	v35 =	vbroadcast v35, $0x0;
	v5 =	vadd.s32 v5, v37;
	v42 =	vadd.f32 v42, v63  }
0x2ec: {  	v47 =	vld [tilespmem:s2+$0xFFFFFF50];
	v39 =	vbroadcast v39, $0x0;
	v4 =	vadd.s32 v4, v36;
	v41 =	vadd.f32 v41, v63  }
0x2ed: {  	v48 =	vld [tilespmem:s2+$0xFFFFFF90];
	v38 =	vbroadcast v38, $0x0;
	v2 =	vadd.s32 v2, v35;
	v43 =	vadd.f32 v43, v63;
	[tilespmem:v7+s18+$0x0] =	vst.idx.msk $0xffff, v42  }
0x2ee: {  	v3 =	vadd.s32 v3, v39;
	v59 =	vadd.f32 v44, v63;
	v49 =	vld [tilespmem:s2+$0xFFFFFE20];
	[tilespmem:v8+s18+$0x0] =	vst.idx.msk $0xffff, v41  }
0x2ef: {  	v9 =	vadd.s32 v9, v38;
	v50 =	vadd.f32 v45, v63;
	[tilespmem:v6+s18+$0x0] =	vst.idx.msk $0xffff, v43;
	v8 =	vld [tilespmem:s2+$0xFFFFFFE0]  }
0x2f0: {  	v54 =	vadd.s32 v11, v34;
	v52 =	vadd.f32 v46, v63;
	[tilespmem:v5+s18+$0x0] =	vst.idx.msk $0xffff, v59;
	v51 =	vld [tilespmem:s2+$0xFFFFFE60]  }
0x2f1: {  	v53 =	vadd.s32 v10, v40;
	[tilespmem:v4+s18+$0x0] =	vst.idx.msk $0xffff, v50;
	v59 =	vadd.f32 v47, v63;
	v55 =	vld [tilespmem:s2+$0xFFFFFEA0]  }
0x2f2: {  	v43 =	vadd.s32 v12, v0;
	[tilespmem:v2+s18+$0x0] =	vst.idx.msk $0xffff, v52;
	v2 =	vadd.f32 v48, v63;
	v44 =	vld [tilespmem:s2+$0xFFFFFEE0]  }
0x2f3: {  	v45 =	vadd.s32 v13, v37;
	v46 =	vld [tilespmem:s2+$0xFFFFFF20];
	[tilespmem:v3+s18+$0x0] =	vst.idx.msk $0xffff, v59;
	v47 =	vadd.f32 v49, v62  }
0x2f4: {  	v48 =	vadd.s32 v14, v36;
	[tilespmem:v9+s18+$0x0] =	vst.idx.msk $0xffff, v2;
	v49 =	vld [tilespmem:s2+$0xFFFFFF60];
	v3 =	vadd.f32 v8, v62  }
0x2f5: {  	v50 =	vadd.s32 v15, v35;
	v2 =	vadd.f32 v51, v62;
	v51 =	vld [tilespmem:s2+$0xFFFFFFA0];
	[tilespmem:v54+s18+$0x0] =	vst.idx.msk $0xffff, v47  }
0x2f6: {  	v52 =	vadd.s32 v16, v39;
	v10 =	vld [tilespmem:s2+$0xFFFFFE30];
	[tilespmem:v53+s18+$0x0] =	vst.idx.msk $0xffff, v3;
	v3 =	vadd.f32 v55, v62  }
0x2f7: {  	[tilespmem:v43+s18+$0x0] =	vst.idx.msk $0xffff, v2;
	v2 =	vadd.f32 v44, v62;
	v53 =	vadd.s32 v17, v38;
	v7 =	vld [tilespmem:s2+$0xFFFFFFF0]  }
0x2f8: {  	v59 =	vadd.s32 v19, v34;
	v54 =	vld [tilespmem:s2+$0xFFFFFE70];
	[tilespmem:v45+s18+$0x0] =	vst.idx.msk $0xffff, v3;
	v3 =	vadd.f32 v46, v62  }
0x2f9: {  	v55 =	vadd.s32 v18, v40;
	[tilespmem:v48+s18+$0x0] =	vst.idx.msk $0xffff, v2;
	v2 =	vadd.f32 v49, v62;
	v63 =	vld [tilespmem:s2+$0xFFFFFEB0]  }
0x2fa: {  	v18 =	vadd.s32 v20, v0;
	v19 =	vld [tilespmem:s2+$0xFFFFFEF0];
	[tilespmem:v50+s18+$0x0] =	vst.idx.msk $0xffff, v3;
	v3 =	vadd.f32 v51, v62  }
0x2fb: {  	v20 =	vadd.s32 v21, v37;
	[tilespmem:v52+s18+$0x0] =	vst.idx.msk $0xffff, v2;
	v41 =	vadd.f32 v10, v61;
	v21 =	vld [tilespmem:s2+$0xFFFFFF30]  }
0x2fc: {  	v42 =	vadd.s32 v22, v36;
	v43 =	vld [tilespmem:s2+$0xFFFFFF70];
	v2 =	vadd.f32 v7, v61;
	[tilespmem:v53+s18+$0x0] =	vst.idx.msk $0xffff, v3  }
0x2fd: {  	v44 =	vadd.s32 v23, v35;
	v3 =	vadd.f32 v54, v61;
	[tilespmem:v59+s18+$0x0] =	vst.idx.msk $0xffff, v41;
	v45 =	vld [tilespmem:s2+$0xFFFFFFB0]  }
0x2fe: {  	v46 =	vadd.s32 v24, v39;
	v12 =	vld [tilespmem:s2+$0xFFFFFE40];
	[tilespmem:v55+s18+$0x0] =	vst.idx.msk $0xffff, v2;
	v2 =	vadd.f32 v63, v61  }
0x2ff: {  	v47 =	vadd.s32 v25, v38;
	[tilespmem:v18+s18+$0x0] =	vst.idx.msk $0xffff, v3;
	v3 =	vadd.f32 v19, v61;
	v5 =	vld [tilespmem:s2+$0x0]  }
0x300: {  	v50 =	vadd.s32 v27, v34;
	v48 =	vld [tilespmem:s2+$0xFFFFFE80];
	[tilespmem:v20+s18+$0x0] =	vst.idx.msk $0xffff, v2;
	v2 =	vadd.f32 v21, v61  }
0x301: {  	v49 =	vadd.s32 v26, v40;
	[tilespmem:v42+s18+$0x0] =	vst.idx.msk $0xffff, v3;
	v3 =	vadd.f32 v43, v61;
	v51 =	vld [tilespmem:s2+$0xFFFFFEC0]  }
0x302: {  	v0 =	vadd.s32 v28, v0;
	v7 =	vld [tilespmem:s2+$0xFFFFFF00];
	[tilespmem:v44+s18+$0x0] =	vst.idx.msk $0xffff, v2;
	v2 =	vadd.f32 v45, v61  }
0x303: {  	v52 =	vadd.s32 v29, v37;
	[tilespmem:v46+s18+$0x0] =	vst.idx.msk $0xffff, v3;
	v54 =	vadd.f32 v12, v60;
	v53 =	vld [tilespmem:s2+$0xFFFFFF40]  }
0x304: {  	v55 =	vadd.s32 v30, v36;
	v59 =	vld [tilespmem:s2+$0xFFFFFF80];
	v3 =	vadd.f32 v5, v60;
	[tilespmem:v47+s18+$0x0] =	vst.idx.msk $0xffff, v2  }
0x305: {  	v61 =	vadd.s32 v31, v35;
	v2 =	vadd.f32 v48, v60;
	[tilespmem:v50+s18+$0x0] =	vst.idx.msk $0xffff, v54;
	v62 =	vld [tilespmem:s2+$0xFFFFFFC0]  }
0x306: {  	v63 =	vadd.s32 v32, v39;
	[tilespmem:v49+s18+$0x0] =	vst.idx.msk $0xffff, v3;
	v3 =	vadd.f32 v51, v60  }
0x307: {  	[tilespmem:v0+s18+$0x0] =	vst.idx.msk $0xffff, v2;
	v0 =	vadd.f32 v7, v60;
	v2 =	vadd.s32 v33, v38  }
0x308: {  	[tilespmem:v52+s18+$0x0] =	vst.idx.msk $0xffff, v3;
	v3 =	vadd.f32 v53, v60  }
0x309: {  	s6 =	sshll.u32 s31, $0x12;
	[tilespmem:v55+s18+$0x0] =	vst.idx.msk $0xffff, v0;
	v0 =	vadd.f32 v59, v60  }
0x30a: {  	s2 =	sor.u32 s7, s6;
	[tilespmem:v61+s18+$0x0] =	vst.idx.msk $0xffff, v3;
	v3 =	vadd.f32 v62, v60  }
0x30b: {  	s2 =	sshrl.u32 s2, $0x3;
	[tilespmem:v63+s18+$0x0] =	vst.idx.msk $0xffff, v0  }
0x30c: {  	s8 =	simm.s32 $0x15A00;
	s5 =	sadd.s32 s1, s2;
	[tilespmem:v2+s18+$0x0] =	vst.idx.msk $0xffff, v3  }
0x30d: {  	[hbm4b:s5+s3] =	stream.linear.scatter [tilespmem:s8], [sflag:$0x7], $0x80, $0x38;
	[tilespmem:$0x19E00] =	vst v63  }
0x30e: {  	s11 =	simm.s32 $0x15A88;
	s6 =	sadd.s32 $0x10, s5  }
0x30f: {  	[hbm4b:s6+s3] =	stream.linear.scatter [tilespmem:s11], [sflag:$0x7], $0x80, $0x38;
	[tilespmem:$0x19E00] =	vst v63  }
0x310: {  	s12 =	simm.s32 $0x15B10;
	s13 =	sadd.s32 $0x20, s5  }
0x311: {  	[hbm4b:s13+s3] =	stream.linear.scatter [tilespmem:s12], [sflag:$0x7], $0x80, $0x38;
	[tilespmem:$0x19E00] =	vst v63  }
0x312: {  	s14 =	simm.s32 $0x15B98;
	s15 =	sadd.s32 $0x30, s5  }
0x313: {  	[hbm4b:s15+s3] =	stream.linear.scatter [tilespmem:s14], [sflag:$0x7], $0x80, $0x38;
	[tilespmem:$0x19E00] =	vst v63  }
0x314: {  	s8 =	simm.s32 $0x15C20;
	s11 =	sadd.s32 $0x40, s5  }
0x315: {  	[hbm4b:s11+s3] =	stream.linear.scatter [tilespmem:s8], [sflag:$0x7], $0x80, $0x38;
	[tilespmem:$0x19E00] =	vst v63  }
0x316: {  	s2 =	simm.s32 $0x440;
	s12 =	simm.s32 $0x15CA8;
	s13 =	sadd.s32 $0x50, s5  }
0x317: {  	[hbm4b:s13+s3] =	stream.linear.scatter [tilespmem:s12], [sflag:$0x7], $0x80, $0x38;
	[tilespmem:$0x19E00] =	vst v63  }
0x318: {  	s31 =	sadd.s32 $0x70, s5;
	s14 =	simm.s32 $0x15D30;
	s15 =	sadd.s32 $0x60, s5  }
0x319: {  	[hbm4b:s15+s3] =	stream.linear.scatter [tilespmem:s14], [sflag:$0x7], $0x80, $0x38;
	[tilespmem:$0x19E00] =	vst v63  }
0x31a: {  	s11 =	sadd.s32 $0x1000, s5;
	s13 =	simm.s32 $0x2200;
	s14 =	simm.s32 $0x15DB8  }
.LBB2_13:
0x31b: {  	[hbm4b:s31+s3] =	stream.linear.scatter [tilespmem:s14], [sflag:$0x7], $0x80, $0x38;
	[tilespmem:$0x19E00] =	vst v63  }
0x31c: {  	s5 =	smov.u32 s2;
	s2 =	smov.u32 s13  }
0x31d: {  	s6 =	sadd.s32 $0x1100, s13;
	s2 =	sshra.s32 s2, $0x2;
	s8 =	sadd.s32 $0x15A00, s5  }
0x31e: {  	[hbm4b:s11+s3] =	stream.linear.scatter [tilespmem:s8], [sflag:$0x7], $0x80, $0x38;
	[tilespmem:$0x19E00] =	vst v63  }
0x31f: {  	p2 =	sne.s32 s13, $0x7700;
	s12 =	sadd.s32 $0x10, s11;
	s8 =	sadd.s32 $0x15A88, s5  }
0x320: {  	[hbm4b:s12+s3] =	stream.linear.scatter [tilespmem:s8], [sflag:$0x7], $0x80, $0x38;
	[tilespmem:$0x19E00] =	vst v63  }
0x321: {  	s8 =	sadd.s32 $0x15B10, s5;
	s12 =	sadd.s32 $0x20, s11  }
0x322: {  	[hbm4b:s12+s3] =	stream.linear.scatter [tilespmem:s8], [sflag:$0x7], $0x80, $0x38;
	[tilespmem:$0x19E00] =	vst v63  }
0x323: {  	s8 =	sadd.s32 $0x15B98, s5;
	s12 =	sadd.s32 $0x30, s11  }
0x324: {  	[hbm4b:s12+s3] =	stream.linear.scatter [tilespmem:s8], [sflag:$0x7], $0x80, $0x38;
	[tilespmem:$0x19E00] =	vst v63  }
0x325: {  	s8 =	sadd.s32 $0x15C20, s5;
	s12 =	sadd.s32 $0x40, s11  }
0x326: {  	[hbm4b:s12+s3] =	stream.linear.scatter [tilespmem:s8], [sflag:$0x7], $0x80, $0x38;
	[tilespmem:$0x19E00] =	vst v63  }
.Ltmp5:
0x327: {  	s8 =	sadd.s32 $0x15CA8, s5;
	s12 =	sadd.s32 $0x50, s11;
	(pc) =	sbr.rel @p2 .LBB2_13-.Ltmp5, $4  }
0x328: {  	[hbm4b:s12+s3] =	stream.linear.scatter [tilespmem:s8], [sflag:$0x7], $0x80, $0x38;
	[tilespmem:$0x19E00] =	vst v63  }
0x329: {  	s31 =	sadd.s32 $0x70, s11;
	s8 =	sadd.s32 $0x15D30, s5;
	s12 =	sadd.s32 $0x60, s11  }
0x32a: {  	[hbm4b:s12+s3] =	stream.linear.scatter [tilespmem:s8], [sflag:$0x7], $0x80, $0x38;
	[tilespmem:$0x19E00] =	vst v63  }
0x32b: {  	s14 =	sadd.s32 $0x15DB8, s5;
	s13 =	smov.u32 s6;
	s11 =	sadd.s32 $0x1000, s11  }
0x32c: {  	[hbm4b:s31+s3] =	stream.linear.scatter [tilespmem:s14], [sflag:$0x7], $0x80, $0x38;
	[tilespmem:$0x19E00] =	vst v63  }
0x32d: {  	s5 =	sadd.s32 $0x15A00, s2  }
0x32e: {  	[hbm4b:s11+s3] =	stream.linear.scatter [tilespmem:s5], [sflag:$0x7], $0x80, $0x38;
	[tilespmem:$0x19E00] =	vst v63  }
0x32f: {  	s31 =	sadd.s32 $0x15A88, s2;
	s6 =	sadd.s32 $0x10, s11  }
0x330: {  	[hbm4b:s6+s3] =	stream.linear.scatter [tilespmem:s31], [sflag:$0x7], $0x80, $0x38;
	[tilespmem:$0x19E00] =	vst v63  }
0x331: {  	s8 =	sadd.s32 $0x15B10, s2;
	s12 =	sadd.s32 $0x20, s11  }
0x332: {  	[hbm4b:s12+s3] =	stream.linear.scatter [tilespmem:s8], [sflag:$0x7], $0x80, $0x38;
	[tilespmem:$0x19E00] =	vst v63  }
0x333: {  	s13 =	sadd.s32 $0x15B98, s2;
	s14 =	sadd.s32 $0x30, s11  }
0x334: {  	[hbm4b:s14+s3] =	stream.linear.scatter [tilespmem:s13], [sflag:$0x7], $0x80, $0x38;
	[tilespmem:$0x19E00] =	vst v63  }
0x335: {  	s15 =	sadd.s32 $0x15C20, s2;
	s31 =	sadd.s32 $0x40, s11  }
0x336: {  	[hbm4b:s31+s3] =	stream.linear.scatter [tilespmem:s15], [sflag:$0x7], $0x80, $0x38;
	[tilespmem:$0x19E00] =	vst v63  }
0x337: {  	s8 =	sadd.s32 $0x15CA8, s2;
	s12 =	sadd.s32 $0x50, s11  }
0x338: {  	[hbm4b:s12+s3] =	stream.linear.scatter [tilespmem:s8], [sflag:$0x7], $0x80, $0x38;
	[tilespmem:$0x19E00] =	vst v63  }
0x339: {  	s13 =	sadd.s32 $0x15D30, s2;
	s14 =	sadd.s32 $0x60, s11  }
0x33a: {  	[hbm4b:s14+s3] =	stream.linear.scatter [tilespmem:s13], [sflag:$0x7], $0x80, $0x38;
	[tilespmem:$0x19E00] =	vst v63  }
0x33b: {  	s15 =	sadd.s32 $0x15DB8, s2;
	s31 =	sadd.s32 $0x70, s11  }
0x33c: {  	[hbm4b:s31+s3] =	stream.linear.scatter [tilespmem:s15], [sflag:$0x7], $0x80, $0x38;
	[tilespmem:$0x19E00] =	vst v63  }
0x33d: {  	s0 =	sadd.s32 @!p0 $0x3480, s0;
	_ =	swait.ge [sflag:s22], $0x2000  }
0x33e: {  	s5 =	simm.s32 @!p0 $0xB600;
	s6 =	simm.s32 $0x0;
	[sflag:s22] =	ssyncset.done $0x0  }
0x33f: {  	v0 =	vmov s6;
	s6 =	simm.s32 $0x7;
	s2 =	simm.s32 @!p0 $0x80;
	[sflag:s22] =	ssyncadd.s32 $0xFFFFE000  }
0x340: {  	v7 =	vadd.s32 $0x6600, v58;
	v6 =	vadd.s32 $0x6601, v58;
	[tilespmem:s5], [sflag:$0x2] =	stream.indirect.gather @!p0 [hbm4b:s4+s2], $0x40, s0, s2, $0xb8;
	[tilespmem:$0x19E00] =	vst v63  }
0x341: {  	v5 =	vadd.s32 $0x6602, v58;
	v0 =	vshrl.u32 v0, $0x3;
	v14 =	vmov s6;
	_ =	swait.ge @p1 [sflag:s26], $0x2000  }
0x342: {  	v4 =	vadd.s32 $0x6603, v58;
	v0 =	vshll.u32 v0, v1;
	v14 =	vshrl.u32 v14, $0x3;
	s8 =	sshll.u32 s30, $0x6;
	[sflag:s26] =	ssyncset.done @p1 $0x0  }
0x343: {  	v2 =	vadd.s32 $0x6604, v58;
	v14 =	vshll.u32 v14, v1;
	v0 =	vbroadcast v0, $0x0;
	s11 =	simm.s32 $0x1;
	s2 =	sand.u32 $0x3FFFFFC0, s8;
	[sflag:s26] =	ssyncadd.s32 @p1 $0xFFFFE000  }
0x344: {  	v3 =	vadd.s32 $0x6605, v58;
	v28 =	vbroadcast v14, $0x0;
	v8 =	vmov s11;
	s12 =	simm.s32 $0x2;
	v63 =	vld [tilespmem:s2+$0x0]  }
0x345: {  	v18 =	vadd.s32 v7, v0;
	v8 =	vshrl.u32 v8, $0x3;
	v9 =	vmov s12;
	v62 =	vld [tilespmem:s2+$0x10]  }
0x346: {  	v15 =	vshll.u32 v8, v1;
	v8 =	vadd.s32 $0x6607, v58;
	s13 =	simm.s32 $0x3;
	v9 =	vshrl.u32 v9, $0x3;
	v61 =	vld [tilespmem:s2+$0x20]  }
0x347: {  	s14 =	simm.s32 $0x4;
	v29 =	vbroadcast v15, $0x0;
	v15 =	vadd.s32 v8, v28;
	v10 =	vmov s13;
	s0 =	simm.s32 $0xF7F0;
	v60 =	vld [tilespmem:s2+$0x30]  }
0x348: {  	v11 =	vmov s14;
	v9 =	vshll.u32 v9, v1;
	s15 =	simm.s32 $0x5;
	v10 =	vshrl.u32 v10, $0x3;
	v16 =	vld [tilespmem:s0+$0xFFFFFFD0]  }
0x349: {  	s31 =	simm.s32 $0x6;
	v11 =	vshrl.u32 v11, $0x3;
	v30 =	vbroadcast v9, $0x0;
	v12 =	vmov s15;
	v14 =	vld [tilespmem:s0+$0xFFFFFE10]  }
0x34a: {  	v13 =	vmov s31;
	v10 =	vshll.u32 v10, v1;
	v11 =	vshll.u32 v11, v1;
	v17 =	vld [tilespmem:s0+$0xFFFFFE50]  }
0x34b: {  	v12 =	vshrl.u32 v12, $0x3;
	v13 =	vshrl.u32 v13, $0x3;
	v31 =	vbroadcast v10, $0x0;
	v19 =	vld [tilespmem:s0+$0xFFFFFE90]  }
0x34c: {  	v32 =	vbroadcast v11, $0x0;
	v9 =	vshll.u32 v12, v1;
	v12 =	vadd.s32 v6, v29;
	v20 =	vld [tilespmem:s0+$0xFFFFFED0]  }
0x34d: {  	v10 =	vshll.u32 v13, v1;
	v13 =	vadd.s32 v5, v30;
	v21 =	vld [tilespmem:s0+$0xFFFFFF10];
	v11 =	vadd.f32 v16, v63  }
0x34e: {  	v33 =	vbroadcast v9, $0x0;
	v22 =	vld [tilespmem:s0+$0xFFFFFF50];
	v14 =	vadd.f32 v14, v63;
	v16 =	vadd.s32 v4, v31  }
0x34f: {  	v23 =	vadd.s32 v2, v32;
	v34 =	vbroadcast v10, $0x0;
	v24 =	vld [tilespmem:s0+$0xFFFFFF90];
	v17 =	vadd.f32 v17, v63;
	[tilespmem:v15+s18+$0x0] =	vst.idx.msk $0xffff, v11  }
0x350: {  	v9 =	vadd.s32 $0x6606, v58;
	[tilespmem:v18+s18+$0x0] =	vst.idx.msk $0xffff, v14;
	v14 =	vadd.f32 v19, v63;
	v15 =	vadd.s32 v3, v33;
	v18 =	vld [tilespmem:s0+$0xFFFFFFE0]  }
0x351: {  	v10 =	vadd.s32 $0x6E87, v58;
	[tilespmem:v12+s18+$0x0] =	vst.idx.msk $0xffff, v17;
	v17 =	vadd.f32 v20, v63;
	v20 =	vadd.s32 v9, v34;
	v19 =	vld [tilespmem:s0+$0xFFFFFE20]  }
0x352: {  	v11 =	vadd.s32 $0x6E80, v58;
	v25 =	vld [tilespmem:s0+$0xFFFFFE60];
	[tilespmem:v13+s18+$0x0] =	vst.idx.msk $0xffff, v14;
	v14 =	vadd.f32 v21, v63;
	v21 =	vadd.s32 v10, v28  }
0x353: {  	v12 =	vadd.s32 $0x6E81, v58;
	v26 =	vadd.s32 v11, v0;
	v27 =	vld [tilespmem:s0+$0xFFFFFEA0];
	[tilespmem:v16+s18+$0x0] =	vst.idx.msk $0xffff, v17;
	v16 =	vadd.f32 v22, v63  }
0x354: {  	v13 =	vadd.s32 $0x6E82, v58;
	v22 =	vadd.s32 v12, v29;
	v17 =	vadd.f32 v24, v63;
	v35 =	vld [tilespmem:s0+$0xFFFFFEE0];
	[tilespmem:v23+s18+$0x0] =	vst.idx.msk $0xffff, v14  }
0x355: {  	v23 =	vadd.s32 v13, v30;
	v14 =	vadd.s32 $0x6E83, v58;
	v24 =	vld [tilespmem:s0+$0xFFFFFF20];
	[tilespmem:v15+s18+$0x0] =	vst.idx.msk $0xffff, v16;
	v18 =	vadd.f32 v18, v62  }
0x356: {  	v36 =	vadd.s32 v14, v31;
	v15 =	vadd.s32 $0x6E84, v58;
	[tilespmem:v20+s18+$0x0] =	vst.idx.msk $0xffff, v17;
	v19 =	vadd.f32 v19, v62;
	v37 =	vld [tilespmem:s0+$0xFFFFFF60]  }
0x357: {  	v16 =	vadd.s32 $0x6E85, v58;
	v20 =	vadd.f32 v25, v62;
	v25 =	vadd.s32 v15, v32;
	v38 =	vld [tilespmem:s0+$0xFFFFFFA0];
	[tilespmem:v21+s18+$0x0] =	vst.idx.msk $0xffff, v18  }
0x358: {  	v17 =	vadd.s32 $0x6E86, v58;
	[tilespmem:v26+s18+$0x0] =	vst.idx.msk $0xffff, v19;
	v21 =	vadd.f32 v27, v62;
	v26 =	vadd.s32 v16, v33;
	v27 =	vld [tilespmem:s0+$0xFFFFFFF0]  }
0x359: {  	v50 =	vadd.s32 v17, v34;
	[tilespmem:v22+s18+$0x0] =	vst.idx.msk $0xffff, v20;
	v18 =	vadd.s32 $0x7707, v58;
	v39 =	vld [tilespmem:s0+$0xFFFFFE30];
	v22 =	vadd.f32 v35, v62  }
0x35a: {  	v19 =	vadd.s32 $0x7700, v58;
	v40 =	vld [tilespmem:s0+$0xFFFFFE70];
	v41 =	vadd.s32 v18, v28;
	[tilespmem:v23+s18+$0x0] =	vst.idx.msk $0xffff, v21;
	v23 =	vadd.f32 v24, v62  }
0x35b: {  	v20 =	vadd.s32 $0x7701, v58;
	v42 =	vadd.s32 v19, v0;
	v43 =	vld [tilespmem:s0+$0xFFFFFEB0];
	[tilespmem:v36+s18+$0x0] =	vst.idx.msk $0xffff, v22;
	v24 =	vadd.f32 v37, v62  }
0x35c: {  	v51 =	vadd.s32 v20, v29;
	v21 =	vadd.s32 $0x7702, v58;
	v52 =	vld [tilespmem:s0+$0xFFFFFEF0];
	[tilespmem:v25+s18+$0x0] =	vst.idx.msk $0xffff, v23;
	v25 =	vadd.f32 v38, v62  }
0x35d: {  	v53 =	vadd.s32 v21, v30;
	v22 =	vadd.s32 $0x7703, v58;
	v44 =	vld [tilespmem:s0+$0xFFFFFF30];
	[tilespmem:v26+s18+$0x0] =	vst.idx.msk $0xffff, v24;
	v26 =	vadd.f32 v27, v61  }
0x35e: {  	v54 =	vadd.s32 v22, v31;
	v23 =	vadd.s32 $0x7704, v58;
	v27 =	vadd.f32 v39, v61;
	v45 =	vld [tilespmem:s0+$0xFFFFFF70];
	[tilespmem:v50+s18+$0x0] =	vst.idx.msk $0xffff, v25  }
0x35f: {  	v59 =	vadd.s32 v23, v32;
	v24 =	vadd.s32 $0x7705, v58;
	v55 =	vadd.f32 v40, v61;
	v46 =	vld [tilespmem:s0+$0xFFFFFFB0];
	[tilespmem:v41+s18+$0x0] =	vst.idx.msk $0xffff, v26  }
0x360: {  	v49 =	vadd.s32 v24, v33;
	v25 =	vadd.s32 $0x7706, v58;
	[tilespmem:v42+s18+$0x0] =	vst.idx.msk $0xffff, v27;
	v48 =	vadd.f32 v43, v61;
	v50 =	vld [tilespmem:s0+$0x0]  }
0x361: {  	v36 =	vadd.s32 v25, v34;
	[tilespmem:v51+s18+$0x0] =	vst.idx.msk $0xffff, v55;
	v26 =	vadd.s32 $0x7F87, v58;
	v47 =	vld [tilespmem:s0+$0xFFFFFE40];
	v51 =	vadd.f32 v52, v61  }
0x362: {  	v27 =	vadd.s32 $0x7F80, v58;
	v52 =	vld [tilespmem:s0+$0xFFFFFE80];
	v41 =	vadd.s32 v26, v28;
	[tilespmem:v53+s18+$0x0] =	vst.idx.msk $0xffff, v48;
	v53 =	vadd.f32 v44, v61  }
0x363: {  	v0 =	vadd.s32 v27, v0;
	v28 =	vadd.s32 $0x7F81, v58;
	v44 =	vld [tilespmem:s0+$0xFFFFFEC0];
	[tilespmem:v54+s18+$0x0] =	vst.idx.msk $0xffff, v51;
	v54 =	vadd.f32 v45, v61  }
0x364: {  	v39 =	vadd.s32 v28, v29;
	v29 =	vadd.s32 $0x7F82, v58;
	v45 =	vld [tilespmem:s0+$0xFFFFFF00];
	[tilespmem:v59+s18+$0x0] =	vst.idx.msk $0xffff, v53;
	v55 =	vadd.f32 v46, v61  }
0x365: {  	v40 =	vadd.s32 v29, v30;
	v30 =	vadd.s32 $0x7F83, v58;
	v59 =	vld [tilespmem:s0+$0xFFFFFF40];
	[tilespmem:v49+s18+$0x0] =	vst.idx.msk $0xffff, v54;
	v48 =	vadd.f32 v50, v60  }
0x366: {  	v49 =	vadd.f32 v47, v60;
	v50 =	vadd.s32 v30, v31;
	v31 =	vadd.s32 $0x7F84, v58;
	v51 =	vld [tilespmem:s0+$0xFFFFFF80];
	[tilespmem:v36+s18+$0x0] =	vst.idx.msk $0xffff, v55  }
0x367: {  	v52 =	vadd.f32 v52, v60;
	v53 =	vadd.s32 v31, v32;
	v32 =	vadd.s32 $0x7F85, v58;
	v38 =	vld [tilespmem:s0+$0xFFFFFFC0];
	[tilespmem:v41+s18+$0x0] =	vst.idx.msk $0xffff, v48  }
0x368: {  	[tilespmem:v0+s18+$0x0] =	vst.idx.msk $0xffff, v49;
	v0 =	vadd.f32 v44, v60;
	v54 =	vadd.s32 v32, v33;
	v33 =	vadd.s32 $0x7F86, v58  }
0x369: {  	[tilespmem:v39+s18+$0x0] =	vst.idx.msk $0xffff, v52;
	v55 =	vadd.f32 v45, v60;
	v34 =	vadd.s32 v33, v34  }
0x36a: {  	s14 =	simm.s32 $0xC;
	[tilespmem:v40+s18+$0x0] =	vst.idx.msk $0xffff, v0;
	v0 =	vadd.f32 v59, v60  }
0x36b: {  	s12 =	simm.s32 $0xA;
	s8 =	simm.s32 $0x8;
	v35 =	vmov s14;
	[tilespmem:v50+s18+$0x0] =	vst.idx.msk $0xffff, v55;
	v58 =	vadd.f32 v51, v60  }
0x36c: {  	s11 =	simm.s32 $0x9;
	s13 =	simm.s32 $0xB;
	v37 =	vmov s12;
	v59 =	vmov s8;
	[tilespmem:v53+s18+$0x0] =	vst.idx.msk $0xffff, v0;
	v38 =	vadd.f32 v38, v60  }
0x36d: {  	s15 =	simm.s32 $0xD;
	s31 =	simm.s32 $0xE;
	v36 =	vmov s13;
	v39 =	vshrl.u32 v59, $0x3;
	v0 =	vmov s11;
	[tilespmem:v54+s18+$0x0] =	vst.idx.msk $0xffff, v58  }
0x36e: {  	s2 =	simm.s32 $0x10;
	s11 =	simm.s32 $0xF;
	[tilespmem:v34+s18+$0x0] =	vst.idx.msk $0xffff, v38;
	v34 =	vshll.u32 v39, v1;
	v39 =	vmov s15;
	v38 =	vmov s31  }
.LBB2_15:
0x36f: {  	p0 =	slt.u32 s2, $0x78;
	v0 =	vshrl.u32 v0, $0x3;
	v37 =	vshrl.u32 v37, $0x3;
	v40 =	vmov s11  }
0x370: {  	v36 =	vshrl.u32 v36, $0x3;
	v41 =	vshrl.u32 v35, $0x3;
	v35 =	vshrl.u32 v40, $0x3  }
0x371: {  	v42 =	vshrl.u32 v39, $0x3;
	v38 =	vshrl.u32 v38, $0x3;
	s0 =	sadd.s32 $0x200, s0;
	v35 =	vshll.u32 v35, v1  }
0x372: {  	v34 =	vbroadcast v34, $0x0;
	v0 =	vshll.u32 v0, v1;
	v43 =	vld [tilespmem:s0+$0xFFFFFFD0];
	v39 =	vbroadcast v35, $0x0  }
0x373: {  	v37 =	vshll.u32 v37, v1;
	v36 =	vshll.u32 v36, v1;
	v44 =	vld [tilespmem:s0+$0xFFFFFE10]  }
0x374: {  	v35 =	vbroadcast v0, $0x0;
	v0 =	vshll.u32 v41, v1;
	v45 =	vld [tilespmem:s0+$0xFFFFFE50];
	v46 =	vadd.s32 v8, v39  }
0x375: {  	v47 =	vadd.s32 v7, v34;
	v40 =	vbroadcast v37, $0x0;
	v41 =	vshll.u32 v42, v1;
	v48 =	vld [tilespmem:s0+$0xFFFFFE90]  }
0x376: {  	v50 =	vshll.u32 v38, v1;
	v36 =	vbroadcast v36, $0x0;
	v42 =	vadd.s32 v6, v35;
	v49 =	vld [tilespmem:s0+$0xFFFFFED0]  }
0x377: {  	v51 =	vadd.s32 v5, v40;
	v37 =	vbroadcast v0, $0x0;
	v52 =	vld [tilespmem:s0+$0xFFFFFF10];
	v0 =	vadd.f32 v43, v63  }
0x378: {  	v38 =	vbroadcast v41, $0x0;
	v43 =	vadd.f32 v44, v63;
	v44 =	vadd.s32 v4, v36;
	v53 =	vld [tilespmem:s0+$0xFFFFFF50]  }
0x379: {  	v41 =	vbroadcast v50, $0x0;
	v54 =	vadd.s32 v2, v37;
	v45 =	vadd.f32 v45, v63;
	v55 =	vld [tilespmem:s0+$0xFFFFFF90];
	[tilespmem:v46+s18+$0x0] =	vst.idx.msk $0xffff, v0  }
0x37a: {  	[tilespmem:v47+s18+$0x0] =	vst.idx.msk $0xffff, v43;
	v0 =	vadd.f32 v48, v63;
	v43 =	vadd.s32 v3, v38;
	v46 =	vld [tilespmem:s0+$0xFFFFFFE0]  }
0x37b: {  	v47 =	vld [tilespmem:s0+$0xFFFFFE20];
	[tilespmem:v42+s18+$0x0] =	vst.idx.msk $0xffff, v45;
	v42 =	vadd.f32 v49, v63;
	v45 =	vadd.s32 v9, v41  }
0x37c: {  	v49 =	vadd.s32 v10, v39;
	v48 =	vld [tilespmem:s0+$0xFFFFFE60];
	[tilespmem:v51+s18+$0x0] =	vst.idx.msk $0xffff, v0;
	v0 =	vadd.f32 v52, v63  }
0x37d: {  	v50 =	vadd.s32 v11, v34;
	v51 =	vld [tilespmem:s0+$0xFFFFFEA0];
	[tilespmem:v44+s18+$0x0] =	vst.idx.msk $0xffff, v42;
	v42 =	vadd.f32 v53, v63  }
0x37e: {  	v44 =	vadd.s32 v12, v35;
	v52 =	vld [tilespmem:s0+$0xFFFFFEE0];
	[tilespmem:v54+s18+$0x0] =	vst.idx.msk $0xffff, v0;
	v0 =	vadd.f32 v55, v63  }
0x37f: {  	v53 =	vadd.s32 v13, v40;
	v54 =	vld [tilespmem:s0+$0xFFFFFF20];
	[tilespmem:v43+s18+$0x0] =	vst.idx.msk $0xffff, v42;
	v42 =	vadd.f32 v46, v62  }
0x380: {  	v46 =	vadd.s32 v14, v36;
	v43 =	vadd.f32 v47, v62;
	v47 =	vld [tilespmem:s0+$0xFFFFFF60];
	[tilespmem:v45+s18+$0x0] =	vst.idx.msk $0xffff, v0  }
0x381: {  	v45 =	vadd.s32 v15, v37;
	v0 =	vadd.f32 v48, v62;
	v48 =	vld [tilespmem:s0+$0xFFFFFFA0];
	[tilespmem:v49+s18+$0x0] =	vst.idx.msk $0xffff, v42  }
0x382: {  	[tilespmem:v50+s18+$0x0] =	vst.idx.msk $0xffff, v43;
	v42 =	vadd.f32 v51, v62;
	v43 =	vadd.s32 v16, v38;
	v49 =	vld [tilespmem:s0+$0xFFFFFFF0]  }
0x383: {  	v50 =	vld [tilespmem:s0+$0xFFFFFE30];
	[tilespmem:v44+s18+$0x0] =	vst.idx.msk $0xffff, v0;
	v0 =	vadd.f32 v52, v62;
	v44 =	vadd.s32 v17, v41  }
0x384: {  	v52 =	vadd.s32 v18, v39;
	v51 =	vld [tilespmem:s0+$0xFFFFFE70];
	[tilespmem:v53+s18+$0x0] =	vst.idx.msk $0xffff, v42;
	v42 =	vadd.f32 v54, v62  }
0x385: {  	v53 =	vadd.s32 v19, v34;
	v54 =	vld [tilespmem:s0+$0xFFFFFEB0];
	[tilespmem:v46+s18+$0x0] =	vst.idx.msk $0xffff, v0;
	v0 =	vadd.f32 v47, v62  }
0x386: {  	v46 =	vadd.s32 v20, v35;
	v47 =	vld [tilespmem:s0+$0xFFFFFEF0];
	[tilespmem:v45+s18+$0x0] =	vst.idx.msk $0xffff, v42;
	v42 =	vadd.f32 v48, v62  }
0x387: {  	v45 =	vadd.s32 v21, v40;
	v48 =	vld [tilespmem:s0+$0xFFFFFF30];
	[tilespmem:v43+s18+$0x0] =	vst.idx.msk $0xffff, v0;
	v0 =	vadd.f32 v49, v61  }
0x388: {  	v49 =	vadd.s32 v22, v36;
	v43 =	vadd.f32 v50, v61;
	v50 =	vld [tilespmem:s0+$0xFFFFFF70];
	[tilespmem:v44+s18+$0x0] =	vst.idx.msk $0xffff, v42  }
0x389: {  	v44 =	vadd.s32 v23, v37;
	v42 =	vadd.f32 v51, v61;
	v51 =	vld [tilespmem:s0+$0xFFFFFFB0];
	[tilespmem:v52+s18+$0x0] =	vst.idx.msk $0xffff, v0  }
0x38a: {  	[tilespmem:v53+s18+$0x0] =	vst.idx.msk $0xffff, v43;
	v0 =	vadd.f32 v54, v61;
	v43 =	vadd.s32 v24, v38;
	v52 =	vld [tilespmem:s0+$0x0]  }
0x38b: {  	v53 =	vld [tilespmem:s0+$0xFFFFFE40];
	[tilespmem:v46+s18+$0x0] =	vst.idx.msk $0xffff, v42;
	v42 =	vadd.f32 v47, v61;
	v46 =	vadd.s32 v25, v41  }
0x38c: {  	v39 =	vadd.s32 v26, v39;
	v47 =	vld [tilespmem:s0+$0xFFFFFE80];
	[tilespmem:v45+s18+$0x0] =	vst.idx.msk $0xffff, v0;
	v0 =	vadd.f32 v48, v61  }
0x38d: {  	v34 =	vadd.s32 v27, v34;
	v45 =	vld [tilespmem:s0+$0xFFFFFEC0];
	[tilespmem:v49+s18+$0x0] =	vst.idx.msk $0xffff, v42;
	v42 =	vadd.f32 v50, v61  }
0x38e: {  	v35 =	vadd.s32 v28, v35;
	v48 =	vld [tilespmem:s0+$0xFFFFFF00];
	[tilespmem:v44+s18+$0x0] =	vst.idx.msk $0xffff, v0;
	v0 =	vadd.f32 v51, v61  }
0x38f: {  	v40 =	vadd.s32 v29, v40;
	v44 =	vld [tilespmem:s0+$0xFFFFFF40];
	[tilespmem:v43+s18+$0x0] =	vst.idx.msk $0xffff, v42;
	v42 =	vadd.f32 v52, v60  }
0x390: {  	v36 =	vadd.s32 v30, v36;
	v43 =	vadd.f32 v53, v60;
	v49 =	vld [tilespmem:s0+$0xFFFFFF80];
	[tilespmem:v46+s18+$0x0] =	vst.idx.msk $0xffff, v0  }
0x391: {  	v37 =	vadd.s32 v31, v37;
	v0 =	vadd.f32 v47, v60;
	v46 =	vld [tilespmem:s0+$0xFFFFFFC0];
	[tilespmem:v39+s18+$0x0] =	vst.idx.msk $0xffff, v42  }
0x392: {  	v38 =	vadd.s32 v32, v38;
	[tilespmem:v34+s18+$0x0] =	vst.idx.msk $0xffff, v43;
	v34 =	vadd.f32 v45, v60  }
0x393: {  	v39 =	vadd.s32 v33, v41;
	[tilespmem:v35+s18+$0x0] =	vst.idx.msk $0xffff, v0;
	v0 =	vadd.f32 v48, v60  }
0x394: {  	[tilespmem:v40+s18+$0x0] =	vst.idx.msk $0xffff, v34;
	v34 =	vadd.f32 v44, v60  }
.Ltmp6:
0x395: {  	[tilespmem:v36+s18+$0x0] =	vst.idx.msk $0xffff, v0;
	v35 =	vadd.f32 v49, v60;
	(pc) =	sbr.rel @p0 .LBB2_15-.Ltmp6, $4  }
0x396: {  	s5 =	sadd.s32 $0x1, s2;
	v0 =	vmov s2;
	[tilespmem:v37+s18+$0x0] =	vst.idx.msk $0xffff, v34;
	v34 =	vadd.f32 v46, v60  }
0x397: {  	s6 =	sadd.s32 $0x3, s2;
	s8 =	sadd.s32 $0x4, s2;
	v40 =	vshrl.u32 v0, $0x3;
	v0 =	vmov s5;
	s5 =	sadd.s32 $0x2, s2;
	[tilespmem:v38+s18+$0x0] =	vst.idx.msk $0xffff, v35  }
0x398: {  	v36 =	vmov s6;
	s6 =	sadd.s32 $0x6, s2;
	v37 =	vmov s5;
	v35 =	vmov s8;
	s5 =	sadd.s32 $0x5, s2;
	[tilespmem:v39+s18+$0x0] =	vst.idx.msk $0xffff, v34  }
0x399: {  	s11 =	sadd.s32 $0x7, s2;
	v38 =	vmov s6;
	s2 =	sadd.s32 $0x8, s2;
	v34 =	vshll.u32 v40, v1;
	v39 =	vmov s5  }
0x39a: {  	v0 =	vshrl.u32 v0, $0x3;
	v40 =	vmov s11  }
0x39b: {  	v37 =	vshrl.u32 v37, $0x3;
	v36 =	vshrl.u32 v36, $0x3;
	v35 =	vshrl.u32 v35, $0x3  }
0x39c: {  	v39 =	vshrl.u32 v39, $0x3;
	s0 =	sadd.s32 $0x200, s0;
	v38 =	vshrl.u32 v38, $0x3;
	v40 =	vshrl.u32 v40, $0x3  }
0x39d: {  	v34 =	vbroadcast v34, $0x0;
	v0 =	vshll.u32 v0, v1;
	v42 =	vld [tilespmem:s0+$0xFFFFFE10];
	v40 =	vshll.u32 v40, v1  }
0x39e: {  	v41 =	vld [tilespmem:s0+$0xFFFFFFD0];
	v37 =	vshll.u32 v37, v1;
	v36 =	vshll.u32 v36, v1;
	v40 =	vbroadcast v40, $0x0  }
0x39f: {  	v43 =	vld [tilespmem:s0+$0xFFFFFE50];
	v35 =	vshll.u32 v35, v1;
	v0 =	vbroadcast v0, $0x0;
	v7 =	vadd.s32 v7, v34  }
0x3a0: {  	v44 =	vld [tilespmem:s0+$0xFFFFFE90];
	v39 =	vshll.u32 v39, v1;
	v37 =	vbroadcast v37, $0x0;
	v8 =	vadd.s32 v8, v40  }
0x3a1: {  	v45 =	vld [tilespmem:s0+$0xFFFFFED0];
	v38 =	vshll.u32 v38, v1;
	v36 =	vbroadcast v36, $0x0;
	v6 =	vadd.s32 v6, v0  }
0x3a2: {  	v46 =	vld [tilespmem:s0+$0xFFFFFF10];
	v35 =	vbroadcast v35, $0x0;
	v5 =	vadd.s32 v5, v37;
	v42 =	vadd.f32 v42, v63  }
0x3a3: {  	v47 =	vld [tilespmem:s0+$0xFFFFFF50];
	v39 =	vbroadcast v39, $0x0;
	v4 =	vadd.s32 v4, v36;
	v41 =	vadd.f32 v41, v63  }
0x3a4: {  	v48 =	vld [tilespmem:s0+$0xFFFFFF90];
	v38 =	vbroadcast v38, $0x0;
	v2 =	vadd.s32 v2, v35;
	v43 =	vadd.f32 v43, v63;
	[tilespmem:v7+s18+$0x0] =	vst.idx.msk $0xffff, v42  }
0x3a5: {  	v3 =	vadd.s32 v3, v39;
	v51 =	vadd.f32 v44, v63;
	v52 =	vld [tilespmem:s0+$0xFFFFFE20];
	[tilespmem:v8+s18+$0x0] =	vst.idx.msk $0xffff, v41  }
0x3a6: {  	v9 =	vadd.s32 v9, v38;
	v53 =	vadd.f32 v45, v63;
	[tilespmem:v6+s18+$0x0] =	vst.idx.msk $0xffff, v43;
	v8 =	vld [tilespmem:s0+$0xFFFFFFE0]  }
0x3a7: {  	v59 =	vadd.s32 v11, v34;
	v55 =	vadd.f32 v46, v63;
	[tilespmem:v5+s18+$0x0] =	vst.idx.msk $0xffff, v51;
	v54 =	vld [tilespmem:s0+$0xFFFFFE60]  }
0x3a8: {  	v58 =	vadd.s32 v10, v40;
	v44 =	vadd.f32 v47, v63;
	[tilespmem:v4+s18+$0x0] =	vst.idx.msk $0xffff, v53;
	v43 =	vld [tilespmem:s0+$0xFFFFFEA0]  }
0x3a9: {  	v45 =	vadd.s32 v12, v0;
	[tilespmem:v2+s18+$0x0] =	vst.idx.msk $0xffff, v55;
	v2 =	vadd.f32 v48, v63;
	v46 =	vld [tilespmem:s0+$0xFFFFFEE0]  }
0x3aa: {  	v47 =	vadd.s32 v13, v37;
	[tilespmem:v3+s18+$0x0] =	vst.idx.msk $0xffff, v44;
	v48 =	vld [tilespmem:s0+$0xFFFFFF20];
	v49 =	vadd.f32 v52, v62  }
0x3ab: {  	v50 =	vadd.s32 v14, v36;
	v51 =	vld [tilespmem:s0+$0xFFFFFF60];
	[tilespmem:v9+s18+$0x0] =	vst.idx.msk $0xffff, v2;
	v3 =	vadd.f32 v8, v62  }
0x3ac: {  	v53 =	vld [tilespmem:s0+$0xFFFFFFA0];
	v52 =	vadd.s32 v15, v35;
	v2 =	vadd.f32 v54, v62;
	[tilespmem:v59+s18+$0x0] =	vst.idx.msk $0xffff, v49  }
0x3ad: {  	v54 =	vadd.s32 v16, v39;
	v10 =	vld [tilespmem:s0+$0xFFFFFE30];
	[tilespmem:v58+s18+$0x0] =	vst.idx.msk $0xffff, v3;
	v3 =	vadd.f32 v43, v62  }
0x3ae: {  	v55 =	vadd.s32 v17, v38;
	[tilespmem:v45+s18+$0x0] =	vst.idx.msk $0xffff, v2;
	v2 =	vadd.f32 v46, v62;
	v7 =	vld [tilespmem:s0+$0xFFFFFFF0]  }
0x3af: {  	v63 =	vadd.s32 v19, v34;
	v58 =	vld [tilespmem:s0+$0xFFFFFE70];
	[tilespmem:v47+s18+$0x0] =	vst.idx.msk $0xffff, v3;
	v3 =	vadd.f32 v48, v62  }
0x3b0: {  	v59 =	vadd.s32 v18, v40;
	[tilespmem:v50+s18+$0x0] =	vst.idx.msk $0xffff, v2;
	v2 =	vadd.f32 v51, v62;
	v18 =	vld [tilespmem:s0+$0xFFFFFEB0]  }
0x3b1: {  	v19 =	vadd.s32 v20, v0;
	v20 =	vld [tilespmem:s0+$0xFFFFFEF0];
	[tilespmem:v52+s18+$0x0] =	vst.idx.msk $0xffff, v3;
	v3 =	vadd.f32 v53, v62  }
0x3b2: {  	v21 =	vadd.s32 v21, v37;
	[tilespmem:v54+s18+$0x0] =	vst.idx.msk $0xffff, v2;
	v42 =	vadd.f32 v10, v61;
	v41 =	vld [tilespmem:s0+$0xFFFFFF30]  }
0x3b3: {  	v43 =	vadd.s32 v22, v36;
	v44 =	vld [tilespmem:s0+$0xFFFFFF70];
	v2 =	vadd.f32 v7, v61;
	[tilespmem:v55+s18+$0x0] =	vst.idx.msk $0xffff, v3  }
0x3b4: {  	v45 =	vadd.s32 v23, v35;
	v3 =	vadd.f32 v58, v61;
	[tilespmem:v63+s18+$0x0] =	vst.idx.msk $0xffff, v42;
	v46 =	vld [tilespmem:s0+$0xFFFFFFB0]  }
0x3b5: {  	v47 =	vadd.s32 v24, v39;
	v12 =	vld [tilespmem:s0+$0xFFFFFE40];
	[tilespmem:v59+s18+$0x0] =	vst.idx.msk $0xffff, v2;
	v2 =	vadd.f32 v18, v61  }
0x3b6: {  	v48 =	vadd.s32 v25, v38;
	[tilespmem:v19+s18+$0x0] =	vst.idx.msk $0xffff, v3;
	v3 =	vadd.f32 v20, v61;
	v5 =	vld [tilespmem:s0+$0x0]  }
0x3b7: {  	v51 =	vadd.s32 v27, v34;
	v49 =	vld [tilespmem:s0+$0xFFFFFE80];
	[tilespmem:v21+s18+$0x0] =	vst.idx.msk $0xffff, v2;
	v2 =	vadd.f32 v41, v61  }
0x3b8: {  	v50 =	vadd.s32 v26, v40;
	[tilespmem:v43+s18+$0x0] =	vst.idx.msk $0xffff, v3;
	v3 =	vadd.f32 v44, v61;
	v52 =	vld [tilespmem:s0+$0xFFFFFEC0]  }
0x3b9: {  	v0 =	vadd.s32 v28, v0;
	v7 =	vld [tilespmem:s0+$0xFFFFFF00];
	[tilespmem:v45+s18+$0x0] =	vst.idx.msk $0xffff, v2;
	v2 =	vadd.f32 v46, v61  }
0x3ba: {  	v53 =	vadd.s32 v29, v37;
	[tilespmem:v47+s18+$0x0] =	vst.idx.msk $0xffff, v3;
	v55 =	vadd.f32 v12, v60;
	v54 =	vld [tilespmem:s0+$0xFFFFFF40]  }
0x3bb: {  	v58 =	vadd.s32 v30, v36;
	v59 =	vld [tilespmem:s0+$0xFFFFFF80];
	v3 =	vadd.f32 v5, v60;
	[tilespmem:v48+s18+$0x0] =	vst.idx.msk $0xffff, v2  }
0x3bc: {  	v61 =	vadd.s32 v31, v35;
	v2 =	vadd.f32 v49, v60;
	[tilespmem:v51+s18+$0x0] =	vst.idx.msk $0xffff, v55;
	v62 =	vld [tilespmem:s0+$0xFFFFFFC0]  }
0x3bd: {  	v63 =	vadd.s32 v32, v39;
	[tilespmem:v50+s18+$0x0] =	vst.idx.msk $0xffff, v3;
	v3 =	vadd.f32 v52, v60  }
0x3be: {  	[tilespmem:v0+s18+$0x0] =	vst.idx.msk $0xffff, v2;
	v0 =	vadd.f32 v7, v60;
	v2 =	vadd.s32 v33, v38  }
0x3bf: {  	[tilespmem:v53+s18+$0x0] =	vst.idx.msk $0xffff, v3;
	v3 =	vadd.f32 v54, v60  }
0x3c0: {  	s15 =	sshll.u32 s30, $0x12;
	[tilespmem:v58+s18+$0x0] =	vst.idx.msk $0xffff, v0;
	v0 =	vadd.f32 v59, v60  }
0x3c1: {  	s0 =	sor.u32 s7, s15;
	[tilespmem:v61+s18+$0x0] =	vst.idx.msk $0xffff, v3;
	v3 =	vadd.f32 v62, v60  }
0x3c2: {  	s0 =	sshrl.u32 s0, $0x3;
	[tilespmem:v63+s18+$0x0] =	vst.idx.msk $0xffff, v0  }
0x3c3: {  	s30 =	simm.s32 $0x17C00;
	s2 =	sadd.s32 s1, s0;
	[tilespmem:v2+s18+$0x0] =	vst.idx.msk $0xffff, v3  }
0x3c4: {  	[hbm4b:s2+s3] =	stream.linear.scatter [tilespmem:s30], [sflag:$0x8], $0x80, $0x38;
	[tilespmem:$0x19E00] =	vst v63  }
0x3c5: {  	s31 =	simm.s32 $0x17C88;
	s5 =	sadd.s32 $0x10, s2  }
0x3c6: {  	[hbm4b:s5+s3] =	stream.linear.scatter [tilespmem:s31], [sflag:$0x8], $0x80, $0x38;
	[tilespmem:$0x19E00] =	vst v63  }
0x3c7: {  	s8 =	simm.s32 $0x17D98;
	s6 =	sadd.s32 $0x20, s2;
	s5 =	simm.s32 $0x17D10  }
0x3c8: {  	[hbm4b:s6+s3] =	stream.linear.scatter [tilespmem:s5], [sflag:$0x8], $0x80, $0x38;
	[tilespmem:$0x19E00] =	vst v63  }
0x3c9: {  	s12 =	simm.s32 $0x17E20;
	s14 =	simm.s32 $0x17EA8;
	s11 =	sadd.s32 $0x30, s2  }
0x3ca: {  	[hbm4b:s11+s3] =	stream.linear.scatter [tilespmem:s8], [sflag:$0x8], $0x80, $0x38;
	[tilespmem:$0x19E00] =	vst v63  }
0x3cb: {  	s0 =	simm.s32 $0x440;
	s13 =	sadd.s32 $0x40, s2;
	s15 =	sadd.s32 $0x50, s2  }
0x3cc: {  	[hbm4b:s13+s3] =	stream.linear.scatter [tilespmem:s12], [sflag:$0x8], $0x80, $0x38;
	[tilespmem:$0x19E00] =	vst v63  }
0x3cd: {  	s30 =	simm.s32 $0x17F30;
	s31 =	sadd.s32 $0x60, s2;
	s11 =	simm.s32 $0x2200  }
0x3ce: {  	[hbm4b:s15+s3] =	stream.linear.scatter [tilespmem:s14], [sflag:$0x8], $0x80, $0x38;
	[tilespmem:$0x19E00] =	vst v63  }
0x3cf: {  	s13 =	simm.s32 $0x17FB8;
	s14 =	sadd.s32 $0x70, s2;
	s2 =	sadd.s32 $0x1000, s2  }
0x3d0: {  	[hbm4b:s31+s3] =	stream.linear.scatter [tilespmem:s30], [sflag:$0x8], $0x80, $0x38;
	[tilespmem:$0x19E00] =	vst v63  }
.LBB2_17:
0x3d1: {  	[hbm4b:s14+s3] =	stream.linear.scatter [tilespmem:s13], [sflag:$0x8], $0x80, $0x38;
	[tilespmem:$0x19E00] =	vst v63  }
0x3d2: {  	s5 =	smov.u32 s0;
	s0 =	smov.u32 s11  }
0x3d3: {  	s6 =	sadd.s32 $0x1100, s11;
	s0 =	sshra.s32 s0, $0x2;
	s8 =	sadd.s32 $0x17C00, s5  }
0x3d4: {  	[hbm4b:s2+s3] =	stream.linear.scatter [tilespmem:s8], [sflag:$0x8], $0x80, $0x38;
	[tilespmem:$0x19E00] =	vst v63  }
0x3d5: {  	p0 =	sne.s32 s11, $0x7700;
	s11 =	sadd.s32 $0x10, s2;
	s8 =	sadd.s32 $0x17C88, s5  }
0x3d6: {  	[hbm4b:s11+s3] =	stream.linear.scatter [tilespmem:s8], [sflag:$0x8], $0x80, $0x38;
	[tilespmem:$0x19E00] =	vst v63  }
0x3d7: {  	s8 =	sadd.s32 $0x17D10, s5;
	s11 =	sadd.s32 $0x20, s2  }
0x3d8: {  	[hbm4b:s11+s3] =	stream.linear.scatter [tilespmem:s8], [sflag:$0x8], $0x80, $0x38;
	[tilespmem:$0x19E00] =	vst v63  }
0x3d9: {  	s8 =	sadd.s32 $0x17D98, s5;
	s11 =	sadd.s32 $0x30, s2  }
0x3da: {  	[hbm4b:s11+s3] =	stream.linear.scatter [tilespmem:s8], [sflag:$0x8], $0x80, $0x38;
	[tilespmem:$0x19E00] =	vst v63  }
0x3db: {  	s8 =	sadd.s32 $0x17E20, s5;
	s11 =	sadd.s32 $0x40, s2  }
0x3dc: {  	[hbm4b:s11+s3] =	stream.linear.scatter [tilespmem:s8], [sflag:$0x8], $0x80, $0x38;
	[tilespmem:$0x19E00] =	vst v63  }
.Ltmp7:
0x3dd: {  	s8 =	sadd.s32 $0x17EA8, s5;
	s11 =	sadd.s32 $0x50, s2;
	(pc) =	sbr.rel @p0 .LBB2_17-.Ltmp7, $4  }
0x3de: {  	[hbm4b:s11+s3] =	stream.linear.scatter [tilespmem:s8], [sflag:$0x8], $0x80, $0x38;
	[tilespmem:$0x19E00] =	vst v63  }
0x3df: {  	s14 =	sadd.s32 $0x70, s2;
	s8 =	sadd.s32 $0x17F30, s5;
	s11 =	sadd.s32 $0x60, s2  }
0x3e0: {  	[hbm4b:s11+s3] =	stream.linear.scatter [tilespmem:s8], [sflag:$0x8], $0x80, $0x38;
	[tilespmem:$0x19E00] =	vst v63  }
0x3e1: {  	s13 =	sadd.s32 $0x17FB8, s5;
	s2 =	sadd.s32 $0x1000, s2;
	s11 =	smov.u32 s6  }
0x3e2: {  	v29 =	vld [tilespmem:$0x1FE50]  }
0x3e3: {  	v39 =	vld [tilespmem:$0x1FE60]  }
0x3e4: {  	v31 =	vld [tilespmem:$0x1FE80]  }
0x3e5: {  	v59 =	vld [tilespmem:$0x1FE90]  }
0x3e6: {  	v48 =	vld [tilespmem:$0x1FED0]  }
0x3e7: {  	[hbm4b:s14+s3] =	stream.linear.scatter [tilespmem:s13], [sflag:$0x8], $0x80, $0x38;
	v49 =	vld [tilespmem:$0x1FEE0]  }
0x3e8: {  	s5 =	sadd.s32 $0x17C00, s0;
	v50 =	vld [tilespmem:$0x1FEF0]  }
0x3e9: {  	v47 =	vld [tilespmem:$0x1FF00];
	[hbm4b:s2+s3] =	stream.linear.scatter [tilespmem:s5], [sflag:$0x8], $0x80, $0x38  }
0x3ea: {  	s13 =	sadd.s32 $0x17C88, s0;
	s6 =	sadd.s32 $0x10, s2;
	v15 =	vld [tilespmem:$0x1FF10]  }
0x3eb: {  	v52 =	vld [tilespmem:$0x1FF30];
	[hbm4b:s6+s3] =	stream.linear.scatter [tilespmem:s13], [sflag:$0x8], $0x80, $0x38  }
0x3ec: {  	s14 =	sadd.s32 $0x17D10, s0;
	s15 =	sadd.s32 $0x20, s2;
	v58 =	vld [tilespmem:$0x1FF40]  }
0x3ed: {  	v38 =	vld [tilespmem:$0x1FF50];
	[hbm4b:s15+s3] =	stream.linear.scatter [tilespmem:s14], [sflag:$0x8], $0x80, $0x38  }
0x3ee: {  	s30 =	sadd.s32 $0x17D98, s0;
	s31 =	sadd.s32 $0x30, s2;
	v30 =	vld [tilespmem:$0x1FF70]  }
0x3ef: {  	v55 =	vld [tilespmem:$0x1FF80];
	[hbm4b:s31+s3] =	stream.linear.scatter [tilespmem:s30], [sflag:$0x8], $0x80, $0x38  }
0x3f0: {  	s8 =	sadd.s32 $0x17E20, s0;
	s11 =	sadd.s32 $0x40, s2;
	s29 =	sadd.s32 $0x1, s29;
	v35 =	vld [tilespmem:$0x1FF90]  }
0x3f1: {  	v53 =	vld [tilespmem:$0x1FFB0];
	[hbm4b:s11+s3] =	stream.linear.scatter [tilespmem:s8], [sflag:$0x8], $0x80, $0x38  }
0x3f2: {  	s12 =	sadd.s32 $0x17EA8, s0;
	v46 =	vld [tilespmem:$0x1FFC0];
	p0 =	sne.s32 s29, $0x32;
	s13 =	sadd.s32 $0x50, s2  }
0x3f3: {  	v22 =	vld [tilespmem:$0x1FFD0];
	[hbm4b:s13+s3] =	stream.linear.scatter [tilespmem:s12], [sflag:$0x8], $0x80, $0x38  }
.Ltmp8:
0x3f4: {  	v28 =	vld [tilespmem:$0x1FFE0];
	(pc) =	sbr.rel @p0 .LBB2_2-.Ltmp8, $4  }
0x3f5: {  	v32 =	vld [tilespmem:$0x1FFF0];
	s14 =	sadd.s32 $0x17F30, s0;
	s15 =	sadd.s32 $0x60, s2  }
0x3f6: {  	v34 =	vld [tilespmem:$0x1FEA0];
	[hbm4b:s15+s3] =	stream.linear.scatter [tilespmem:s14], [sflag:$0x8], $0x80, $0x38  }
0x3f7: {  	v43 =	vld [tilespmem:$0x1FEB0];
	s30 =	sadd.s32 $0x17FB8, s0;
	s31 =	sadd.s32 $0x70, s2  }
0x3f8: {  	v44 =	vld [tilespmem:$0x1FEC0];
	[hbm4b:s31+s3] =	stream.linear.scatter [tilespmem:s30], [sflag:$0x8], $0x80, $0x38  }
0x3f9: {  	_ =	swait.ge [sflag:s23], $0x2000  }
0x3fa: {  	[sflag:s23] =	ssyncset.done $0x0  }
0x3fb: {  	[sflag:s23] =	ssyncadd.s32 $0xFFFFE000  }
0x3fc: {  	_ =	swait.ge [sflag:s24], $0x2000  }
0x3fd: {  	[sflag:s24] =	ssyncset.done $0x0  }
0x3fe: {  	[sflag:s24] =	ssyncadd.s32 $0xFFFFE000  }
0x3ff: {  	_ =	swait.ge [sflag:s25], $0x2000  }
0x400: {  	[sflag:s25] =	ssyncset.done $0x0  }
0x401: {  	[sflag:s25] =	ssyncadd.s32 $0xFFFFE000  }
0x402: {  	_ =	swait.ge [sflag:s26], $0x2000  }
0x403: {  	s28 =	sadd.s32 $0x1, s28;
	s0 =	rddreg [dreg:$0x5]  }
0x404: {  	p0 =	sne.s32 s28, s0  }
.Ltmp9:
0x405: {  	_ = 	snop;
	(pc) =	sbr.rel @p0 .LBB2_1-.Ltmp9, $3  }
0x406: {  	_ =	sdelay $0x1  }
0x407: {  	[sflag:s26] =	ssyncset.done $0x0  }
0x408: {  	[sflag:s26] =	ssyncadd.s32 $0xFFFFE000  }
0x409: {  	_ =	sfence.sel $0x180000  }
0x40a: {  	[bflag:$0x0] =	sbarrier.arrive $0xFFFF  }
0x40b: {  	_ =	strace $0x90000047  }
0x40c: {  	s0 =	stileid.u32;
	[bflag:$0x2] =	sbarrier.arrive $0xFFFF  }
0x40d: {  	p0 =	sne.s32 s0, $0x0;
	s0 =	rddreg [dreg:$0x2]  }
0x40e: {  	s0 =	sadd.s32 @!p0 $0x100000, s0  }
0x40f: {  	[sflag:s0] =	ssyncadd.tile.s32 @!p0 $0x1;
	_ =	shalt  }
.Lfunc_end2:
_tile_overlayer_lowered:
.L_overlay_start_2:
0x410: {  	(tag) =	ssettag $0x2  }
0x411: {  	s0 =	rddreg [dreg:$0x0];
	s2 =	stileid.u32  }
0x412: {  	s1 =	rddreg [dreg:$0x1];
	p0 =	sne.s32 s2, $0x0  }
0x413: {  	s3 =	rddreg [dreg:$0x2];
	[bflag:$0x3] =	sbarrier.arrive $0xFFFF;
	s2 =	simm.s32 @!p0 $0x1C09  }
0x414: {  	[timem:s3], [sflag:s2] =	dma.local @!p0 [hbm:s0], s1  }
0x415: {  	s0 =	simm.s32 @!p0 $0x9  }
0x416: {  	_ =	swait.ge @!p0 [sflag:s0], s1  }
0x417: {  	s1 =	ssub.s32 @!p0 $0x0, s1;
	[sflag:s0] =	ssyncset.done @!p0 $0x0  }
0x418: {  	[sflag:s0] =	ssyncadd.s32 @!p0 s1  }
0x419: {  	[bflag:$0x3] =	sbarrier.arrive $0xFFFF  }
0x41a: {  	_ =	shalt  }

</sc_bundles>
